<compile_context>
chip_gen: v7x
topology: tpu7x:2x2x1
jax: 0.10.2.dev20260603
libtpu: 0.0.44.dev20260713+nightly
codegen_flags: <defaults>
</compile_context>

<pallas_src>
import jax
import jax.numpy as jnp
from jax import lax
from jax.experimental import pallas as pl
from jax.experimental.pallas import tpu as pltpu
from jax.experimental.pallas import tpu_sc as plsc

_BATCH = 16384
_FEAT = 64
_CLS = 100000
_CLS_ALIGNED = 99968
_NC, _NS, _L = 2, 16, 16
_NW = _NC * _NS
_RPW = _FEAT // _NW
_LCH = 4096
_NCH = _BATCH // _LCH


def _center_loss_tec(feat_hbm, lab_hbm, cent_hbm, out_hbm,
                     idx16_v, lab_v, f_v, c_v, tail_v, acc_v,
                     csem, fsem, lsem):
    wid = lax.axis_index("s") * _NC + lax.axis_index("c")
    j0 = wid * _RPW
    lanes = lax.iota(jnp.int32, _L)
    idx16_v[...] = jnp.full((_L,), j0, jnp.int32) + lax.shift_right_logical(lanes, 3)

    blk = (j0 // 8) * 8
    zr = jnp.zeros((_L,), jnp.int32)
    ca_v = jnp.full((_L,), _CLS_ALIGNED, jnp.int32)
    z = jnp.zeros((_L,), jnp.float32)
    acc = z

    for unit in range(_RPW):
        row = idx16_v.at[pl.ds(unit * 8, 1)]
        cmain = pltpu.async_copy(
            cent_hbm.at[row, pl.ds(0, _CLS_ALIGNED)],
            c_v.at[:, pl.ds(0, _CLS_ALIGNED)], csem)
        if unit == 0:
            ctail = pltpu.async_copy(
                cent_hbm.at[pl.ds(blk, 8), pl.ds(_CLS_ALIGNED,
                                                 _CLS - _CLS_ALIGNED)],
                tail_v, csem)
        fcp = pltpu.async_copy(feat_hbm.at[row], f_v, fsem)
        lcp0 = pltpu.async_copy(lab_hbm.at[pl.ds(0, _LCH)],
                                lab_v.at[0], lsem)
        fcp.wait()
        cmain.wait()
        if unit == 0:
            ctail.wait()
        r = j0 - blk + unit
        c_v[0, pl.ds(_CLS_ALIGNED, _L)] = tail_v[r, pl.ds(0, _L)]
        c_v[0, pl.ds(_CLS_ALIGNED + _L, _L)] = tail_v[r, pl.ds(_L, _L)]

        for k in range(_NCH):
            if k == 0:
                lcp0.wait()
            if k + 1 < _NCH:
                lnext = pltpu.async_copy(
                    lab_hbm.at[pl.ds((k + 1) * _LCH, _LCH)],
                    lab_v.at[(k + 1) % 2], lsem)

            def body(t, acc, k=k):
                lab = lab_v[k % 2, pl.ds(t * _L, _L)]
                g = plsc.load_gather(c_v, [zr, lab])
                f = f_v[0, pl.ds(k * _LCH + t * _L, _L)]
                d = f - g
                return acc + d * d

            acc = lax.fori_loop(0, _LCH // _L, body, acc, unroll=8)
            if k + 1 < _NCH:
                lnext.wait()

    acc_v[...] = acc
    pltpu.sync_copy(acc_v, out_hbm.at[wid])


def kernel(features, labels, centers):
    if labels.ndim > 1:
        labels = jnp.squeeze(labels, axis=-1)
    mesh = plsc.VectorSubcoreMesh(core_axis_name="c", subcore_axis_name="s")
    partials = pl.kernel(
        _center_loss_tec,
        out_type=jax.ShapeDtypeStruct((_NW, _L), jnp.float32),
        mesh=mesh,
        compiler_params=pltpu.CompilerParams(needs_layout_passes=False),
        scratch_types=[
            pltpu.VMEM((_L,), jnp.int32),
            pltpu.VMEM((2, _LCH), jnp.int32),
            pltpu.VMEM((1, _BATCH), jnp.float32),
            pltpu.VMEM((1, _CLS), jnp.float32),
            pltpu.VMEM((8, _CLS - _CLS_ALIGNED), jnp.float32),
            pltpu.VMEM((_L,), jnp.float32),
            pltpu.SemaphoreType.DMA,
            pltpu.SemaphoreType.DMA,
            pltpu.SemaphoreType.DMA,
        ],
    )(features.T, labels.astype(jnp.int32), centers.T)
    return (jnp.sum(partials) / (2.0 * _BATCH)).astype(jnp.float32)

# --- scband reference (transcript-rebuilt; emitter-appended) ---
"""Pipeline reference for scband-center-loss-70265664962967 (READ-ONLY COPY).

The authoritative reference and input builder live on the scoring server;
editing this copy changes nothing except your own understanding.
"""

import jax, jax.numpy as jnp
import numpy as np

NUM_CLASSES = 100000
FEAT_DIM = 64
BATCH = 16384
LAMBDA_C = 1.0


def setup_inputs(seed: int = 0) -> dict:
    key = jax.random.key(seed)
    k1, k2, k3 = jax.random.split(key, 3)
    features = jax.random.normal(k1, (BATCH, FEAT_DIM), dtype=jnp.float32)
    labels = jax.random.randint(k2, (BATCH,), 0, NUM_CLASSES, dtype=jnp.int64) if jax.config.jax_enable_x64 else jax.random.randint(k2, (BATCH,), 0, NUM_CLASSES, dtype=jnp.int32)
    centers = jax.random.normal(k3, (NUM_CLASSES, FEAT_DIM), dtype=jnp.float32)
    return {"features": features, "labels": labels, "centers": centers}


def reference(features, labels, centers):
    if labels.ndim > 1:
        labels = jnp.squeeze(labels, axis=-1)
    batch_size = features.shape[0]
    # gather class centers for each sample (SparseCore-friendly gather)
    centers_batch = jnp.take(centers, labels, axis=0)
    loss = jnp.sum((features - centers_batch) ** 2) / (2.0 * batch_size)
    return LAMBDA_C * loss

if __name__ == "__main__":
    import jax
    _d = setup_inputs()
    print(jax.jit(kernel)(*tuple(_d.values())))

</pallas_src>

<mosaic_0001>
#map = affine_map<(d0, d1) -> (0, 0)>
#map1 = affine_map<(d0, d1) -> (0)>
module attributes {stable_mosaic.version = 14 : i64} {
  func.func @_center_loss_tec(%arg0: i32, %arg1: i32, %arg2: memref<64x16384xf32, #tpu.memory_space<hbm>>, %arg3: memref<16384xi32, #tpu.memory_space<hbm>>, %arg4: memref<64x100000xf32, #tpu.memory_space<hbm>>, %arg5: memref<32x16xf32, #tpu.memory_space<hbm>>, %arg6: memref<16xi32, #tpu.memory_space<vmem>>, %arg7: memref<2x4096xi32, #tpu.memory_space<vmem>>, %arg8: memref<1x16384xf32, #tpu.memory_space<vmem>>, %arg9: memref<1x100000xf32, #tpu.memory_space<vmem>>, %arg10: memref<8x32xf32, #tpu.memory_space<vmem>>, %arg11: memref<16xf32, #tpu.memory_space<vmem>>, %arg12: memref<!tpu.dma_semaphore, #tpu.memory_space<semaphore_mem>>, %arg13: memref<!tpu.dma_semaphore, #tpu.memory_space<semaphore_mem>>, %arg14: memref<!tpu.dma_semaphore, #tpu.memory_space<semaphore_mem>>) attributes {dimension_semantics = [#tpu.dimension_semantics<core_parallel>, #tpu.dimension_semantics<subcore_parallel>], iteration_bounds = array<i64: 2, 16>, scalar_prefetch = 0 : i64, scratch_operands = 9 : i64, tpu.core_type = #tpu.core_type<sc_vector_subcore>, window_params = [{transform_indices = #map}, {transform_indices = #map1}, {transform_indices = #map}, {transform_indices = #map}]} {
    %mul3A = arith.constant 2 : i32
    %mul3A_0 = arith.muli %arg1, %mul3A : i32
    %add3A = arith.addi %mul3A_0, %arg0 : i32
    %mul3A_1 = arith.constant 2 : i32
    %mul3A_2 = arith.muli %add3A, %mul3A_1 : i32
    %iota3A = tpu.iota {dimensions = array<i32: 0>} : vector<16xi32>
    %broadcast_in_dim3A = vector.broadcast %mul3A_2 : i32 to vector<16xi32>
    %shift_right_logical3A = arith.constant 3 : i32
    %shift_right_logical3A_3 = vector.broadcast %shift_right_logical3A : i32 to vector<16xi32>
    %shift_right_logical3A_4 = arith.shrui %iota3A, %shift_right_logical3A_3 : vector<16xi32>
    %add3A_5 = arith.addi %broadcast_in_dim3A, %shift_right_logical3A_4 : vector<16xi32>
    %swap3A = arith.constant 0 : index
    %swap3A_6 = tpu.vector_load %arg6[%swap3A] {strides = array<i32>} : memref<16xi32, #tpu.memory_space<vmem>>, vector<16xi32>,
    tpu.vector_store %arg6[%swap3A], %add3A_5 {strides = array<i32>} : memref<16xi32, #tpu.memory_space<vmem>>, vector<16xi32>,
    %jit3A = arith.constant 8 : i32
    %div3A = arith.divsi %mul3A_2, %jit3A : i32
    %sign3A = arith.constant 0 : i32
    %sign3A_7 = arith.cmpi sgt, %mul3A_2, %sign3A : i32
    %sign3A_8 = arith.extui %sign3A_7 : i1 to i32
    %sign3A_9 = arith.constant 0 : i32
    %sign3A_10 = arith.cmpi slt, %mul3A_2, %sign3A_9 : i32
    %sign3A_11 = arith.extui %sign3A_10 : i1 to i32
    %sign3A_12 = arith.subi %sign3A_8, %sign3A_11 : i32
    %sign3A_13 = arith.constant 0 : i32
    %sign3A_14 = arith.cmpi sgt, %jit3A, %sign3A_13 : i32
    %sign3A_15 = arith.extui %sign3A_14 : i1 to i32
    %sign3A_16 = arith.constant 0 : i32
    %sign3A_17 = arith.cmpi slt, %jit3A, %sign3A_16 : i32
    %sign3A_18 = arith.extui %sign3A_17 : i1 to i32
    %sign3A_19 = arith.subi %sign3A_15, %sign3A_18 : i32
    %ne3A = arith.cmpi ne, %sign3A_12, %sign3A_19 : i32
    %rem3A = arith.remsi %mul3A_2, %jit3A : i32
    %ne3A_20 = arith.constant 0 : i32
    %ne3A_21 = arith.cmpi ne, %rem3A, %ne3A_20 : i32
    %and3A = arith.andi %ne3A, %ne3A_21 : i1
    %sub3A = arith.constant 1 : i32
    %sub3A_22 = arith.subi %div3A, %sub3A : i32
    %select_n3A = arith.select %and3A, %sub3A_22, %div3A : i32
    %mul3A_23 = arith.constant 8 : i32
    %mul3A_24 = arith.muli %select_n3A, %mul3A_23 : i32
    %broadcast_in_dim3A_25 = arith.constant 0 : i32
    %broadcast_in_dim3A_26 = vector.broadcast %broadcast_in_dim3A_25 : i32 to vector<16xi32>
    %broadcast_in_dim3A_27 = arith.constant 99968 : i32
    %broadcast_in_dim3A_28 = vector.broadcast %broadcast_in_dim3A_27 : i32 to vector<16xi32>
    %broadcast_in_dim3A_29 = arith.constant 0.000000e+00 : f32
    %broadcast_in_dim3A_30 = vector.broadcast %broadcast_in_dim3A_29 : f32 to vector<16xf32>
    %dma_start3A = arith.constant 0 : i32
    %dma_start3A_31 = arith.constant 0 : i32
    %dma_start3A_32 = tpu.memref_slice %arg9[%dma_start3A, %dma_start3A_31] : memref<1x100000xf32, #tpu.memory_space<vmem>> -> memref<1x99968xf32, #tpu.memory_space<vmem>>
    %dma_start3A_33 = arith.constant 0 : i32
    %dma_start3A_34 = tpu.memref_slice %arg6[%dma_start3A_33] : memref<16xi32, #tpu.memory_space<vmem>> -> memref<1xi32, #tpu.memory_space<vmem>>
    %dma_start3A_35 = arith.constant 0 : i32
    %dma_start3A_36 = arith.constant 0 : i32
    %dma_start3A_37 = tpu.memref_slice %arg4[%dma_start3A_35, %dma_start3A_36] : memref<64x100000xf32, #tpu.memory_space<hbm>> -> memref<64x99968xf32, #tpu.memory_space<hbm>>
    tpu.enqueue_indirect_dma source(%dma_start3A_37 : memref<64x99968xf32, #tpu.memory_space<hbm>>) target(%dma_start3A_32 : memref<1x99968xf32, #tpu.memory_space<vmem>>) offsets(%dma_start3A_34 : memref<1xi32, #tpu.memory_space<vmem>>) semaphore(%arg12 : memref<!tpu.dma_semaphore, #tpu.memory_space<semaphore_mem>>)
    %dma_start3A_38 = arith.constant 99968 : i32
    %dma_start3A_39 = tpu.memref_slice %arg4[%mul3A_24, %dma_start3A_38] : memref<64x100000xf32, #tpu.memory_space<hbm>> -> memref<8x32xf32, #tpu.memory_space<hbm>>
    %dma_start3A_40 = arith.constant 99968 : i32
    %dma_start3A_41 = tpu.memref_slice %arg4[%mul3A_24, %dma_start3A_40] : memref<64x100000xf32, #tpu.memory_space<hbm>> -> memref<8x32xf32, #tpu.memory_space<hbm>>
    tpu.enqueue_dma source(%dma_start3A_41 : memref<8x32xf32, #tpu.memory_space<hbm>>) target(%arg10 : memref<8x32xf32, #tpu.memory_space<vmem>>) target_semaphore(%arg12 : memref<!tpu.dma_semaphore, #tpu.memory_space<semaphore_mem>>)
    %dma_start3A_42 = arith.constant 0 : i32
    %dma_start3A_43 = tpu.memref_slice %arg6[%dma_start3A_42] : memref<16xi32, #tpu.memory_space<vmem>> -> memref<1xi32, #tpu.memory_space<vmem>>
    %dma_start3A_44 = arith.constant 0 : i32
    %dma_start3A_45 = arith.constant 0 : i32
    %dma_start3A_46 = tpu.memref_slice %arg2[%dma_start3A_44, %dma_start3A_45] : memref<64x16384xf32, #tpu.memory_space<hbm>> -> memref<64x16384xf32, #tpu.memory_space<hbm>>
    tpu.enqueue_indirect_dma source(%dma_start3A_46 : memref<64x16384xf32, #tpu.memory_space<hbm>>) target(%arg8 : memref<1x16384xf32, #tpu.memory_space<vmem>>) offsets(%dma_start3A_43 : memref<1xi32, #tpu.memory_space<vmem>>) semaphore(%arg13 : memref<!tpu.dma_semaphore, #tpu.memory_space<semaphore_mem>>)
    %dma_start3A_47 = arith.constant 0 : i32
    %dma_start3A_48 = arith.constant 0 : i32
    %dma_start3A_49 = tpu.memref_slice %arg7[%dma_start3A_47, %dma_start3A_48] : memref<2x4096xi32, #tpu.memory_space<vmem>> -> memref<1x4096xi32, #tpu.memory_space<vmem>>
    %dma_start3A_50 = tpu.memref_squeeze %dma_start3A_49 : memref<1x4096xi32, #tpu.memory_space<vmem>> -> memref<4096xi32, #tpu.memory_space<vmem>>
    %dma_start3A_51 = arith.constant 0 : i32
    %dma_start3A_52 = tpu.memref_slice %arg3[%dma_start3A_51] : memref<16384xi32, #tpu.memory_space<hbm>> -> memref<4096xi32, #tpu.memory_space<hbm>>
    %dma_start3A_53 = arith.constant 0 : i32
    %dma_start3A_54 = tpu.memref_slice %arg7[%dma_start3A_47, %dma_start3A_53] : memref<2x4096xi32, #tpu.memory_space<vmem>> -> memref<1x4096xi32, #tpu.memory_space<vmem>>
    %dma_start3A_55 = tpu.memref_squeeze %dma_start3A_54 : memref<1x4096xi32, #tpu.memory_space<vmem>> -> memref<4096xi32, #tpu.memory_space<vmem>>
    %dma_start3A_56 = arith.constant 0 : i32
    %dma_start3A_57 = tpu.memref_slice %arg3[%dma_start3A_56] : memref<16384xi32, #tpu.memory_space<hbm>> -> memref<4096xi32, #tpu.memory_space<hbm>>
    tpu.enqueue_dma source(%dma_start3A_57 : memref<4096xi32, #tpu.memory_space<hbm>>) target(%dma_start3A_55 : memref<4096xi32, #tpu.memory_space<vmem>>) target_semaphore(%arg14 : memref<!tpu.dma_semaphore, #tpu.memory_space<semaphore_mem>>)
    %dma_wait3A = arith.constant 0 : i32
    %dma_wait3A_58 = tpu.memref_slice %arg6[%dma_wait3A] : memref<16xi32, #tpu.memory_space<vmem>> -> memref<1xi32, #tpu.memory_space<vmem>>
    %dma_wait3A_59 = arith.constant 0 : i32
    %dma_wait3A_60 = arith.constant 0 : i32
    %dma_wait3A_61 = tpu.memref_slice %arg2[%dma_wait3A_59, %dma_wait3A_60] : memref<64x16384xf32, #tpu.memory_space<hbm>> -> memref<64x16384xf32, #tpu.memory_space<hbm>>
    tpu.wait_indirect_dma semaphore(%arg13 : memref<!tpu.dma_semaphore, #tpu.memory_space<semaphore_mem>>) src(%dma_wait3A_61 : memref<64x16384xf32, #tpu.memory_space<hbm>>) dst(%arg8 : memref<1x16384xf32, #tpu.memory_space<vmem>>)
    %dma_wait3A_62 = arith.constant 0 : i32
    %dma_wait3A_63 = arith.constant 0 : i32
    %dma_wait3A_64 = tpu.memref_slice %arg9[%dma_wait3A_62, %dma_wait3A_63] : memref<1x100000xf32, #tpu.memory_space<vmem>> -> memref<1x99968xf32, #tpu.memory_space<vmem>>
    %dma_wait3A_65 = arith.constant 0 : i32
    %dma_wait3A_66 = tpu.memref_slice %arg6[%dma_wait3A_65] : memref<16xi32, #tpu.memory_space<vmem>> -> memref<1xi32, #tpu.memory_space<vmem>>
    %dma_wait3A_67 = arith.constant 0 : i32
    %dma_wait3A_68 = arith.constant 0 : i32
    %dma_wait3A_69 = tpu.memref_slice %arg4[%dma_wait3A_67, %dma_wait3A_68] : memref<64x100000xf32, #tpu.memory_space<hbm>> -> memref<64x99968xf32, #tpu.memory_space<hbm>>
    tpu.wait_indirect_dma semaphore(%arg12 : memref<!tpu.dma_semaphore, #tpu.memory_space<semaphore_mem>>) src(%dma_wait3A_69 : memref<64x99968xf32, #tpu.memory_space<hbm>>) dst(%dma_wait3A_64 : memref<1x99968xf32, #tpu.memory_space<vmem>>)
    %dma_wait3A_70 = arith.constant 99968 : i32
    %dma_wait3A_71 = tpu.memref_slice %arg4[%mul3A_24, %dma_wait3A_70] : memref<64x100000xf32, #tpu.memory_space<hbm>> -> memref<8x32xf32, #tpu.memory_space<hbm>>
    %dma_wait3A_72 = arith.constant 99968 : i32
    %dma_wait3A_73 = tpu.memref_slice %arg4[%mul3A_24, %dma_wait3A_72] : memref<64x100000xf32, #tpu.memory_space<hbm>> -> memref<8x32xf32, #tpu.memory_space<hbm>>
    tpu.wait_dma2 semaphore(%arg12 : memref<!tpu.dma_semaphore, #tpu.memory_space<semaphore_mem>>) src(%dma_wait3A_73 : memref<8x32xf32, #tpu.memory_space<hbm>>) dst(%arg10 : memref<8x32xf32, #tpu.memory_space<vmem>>)
    %sub3A_74 = arith.subi %mul3A_2, %mul3A_24 : i32
    %add3A_75 = arith.constant 0 : i32
    %add3A_76 = arith.addi %sub3A_74, %add3A_75 : i32
    %get3A = arith.index_cast %add3A_76 : i32 to index
    %get3A_77 = arith.constant 0 : index
    %get3A_78 = tpu.vector_load %arg10[%get3A, %get3A_77] {strides = array<i32>} : memref<8x32xf32, #tpu.memory_space<vmem>>, vector<16xf32>,
    %swap3A_79 = arith.constant 0 : i32
    %swap3A_80 = arith.index_cast %swap3A_79 : i32 to index
    %swap3A_81 = arith.constant 99968 : index
    %swap3A_82 = tpu.vector_load %arg9[%swap3A_80, %swap3A_81] {strides = array<i32>} : memref<1x100000xf32, #tpu.memory_space<vmem>>, vector<16xf32>,
    tpu.vector_store %arg9[%swap3A_80, %swap3A_81], %get3A_78 {strides = array<i32>} : memref<1x100000xf32, #tpu.memory_space<vmem>>, vector<16xf32>,
    %get3A_83 = arith.index_cast %add3A_76 : i32 to index
    %get3A_84 = arith.constant 16 : index
    %get3A_85 = tpu.vector_load %arg10[%get3A_83, %get3A_84] {strides = array<i32>} : memref<8x32xf32, #tpu.memory_space<vmem>>, vector<16xf32>,
    %swap3A_86 = arith.constant 0 : i32
    %swap3A_87 = arith.index_cast %swap3A_86 : i32 to index
    %swap3A_88 = arith.constant 99984 : index
    %swap3A_89 = tpu.vector_load %arg9[%swap3A_87, %swap3A_88] {strides = array<i32>} : memref<1x100000xf32, #tpu.memory_space<vmem>>, vector<16xf32>,
    tpu.vector_store %arg9[%swap3A_87, %swap3A_88], %get3A_85 {strides = array<i32>} : memref<1x100000xf32, #tpu.memory_space<vmem>>, vector<16xf32>,
    %dma_wait3A_90 = arith.constant 0 : i32
    %dma_wait3A_91 = arith.constant 0 : i32
    %dma_wait3A_92 = tpu.memref_slice %arg7[%dma_wait3A_90, %dma_wait3A_91] : memref<2x4096xi32, #tpu.memory_space<vmem>> -> memref<1x4096xi32, #tpu.memory_space<vmem>>
    %dma_wait3A_93 = tpu.memref_squeeze %dma_wait3A_92 : memref<1x4096xi32, #tpu.memory_space<vmem>> -> memref<4096xi32, #tpu.memory_space<vmem>>
    %dma_wait3A_94 = arith.constant 0 : i32
    %dma_wait3A_95 = tpu.memref_slice %arg3[%dma_wait3A_94] : memref<16384xi32, #tpu.memory_space<hbm>> -> memref<4096xi32, #tpu.memory_space<hbm>>
    %dma_wait3A_96 = arith.constant 0 : i32
    %dma_wait3A_97 = tpu.memref_slice %arg7[%dma_wait3A_90, %dma_wait3A_96] : memref<2x4096xi32, #tpu.memory_space<vmem>> -> memref<1x4096xi32, #tpu.memory_space<vmem>>
    %dma_wait3A_98 = tpu.memref_squeeze %dma_wait3A_97 : memref<1x4096xi32, #tpu.memory_space<vmem>> -> memref<4096xi32, #tpu.memory_space<vmem>>
    %dma_wait3A_99 = arith.constant 0 : i32
    %dma_wait3A_100 = tpu.memref_slice %arg3[%dma_wait3A_99] : memref<16384xi32, #tpu.memory_space<hbm>> -> memref<4096xi32, #tpu.memory_space<hbm>>
    tpu.wait_dma2 semaphore(%arg14 : memref<!tpu.dma_semaphore, #tpu.memory_space<semaphore_mem>>) src(%dma_wait3A_100 : memref<4096xi32, #tpu.memory_space<hbm>>) dst(%dma_wait3A_98 : memref<4096xi32, #tpu.memory_space<vmem>>)
    %dma_start3A_101 = arith.constant 1 : i32
    %dma_start3A_102 = arith.constant 0 : i32
    %dma_start3A_103 = tpu.memref_slice %arg7[%dma_start3A_101, %dma_start3A_102] : memref<2x4096xi32, #tpu.memory_space<vmem>> -> memref<1x4096xi32, #tpu.memory_space<vmem>>
    %dma_start3A_104 = tpu.memref_squeeze %dma_start3A_103 : memref<1x4096xi32, #tpu.memory_space<vmem>> -> memref<4096xi32, #tpu.memory_space<vmem>>
    %dma_start3A_105 = arith.constant 4096 : i32
    %dma_start3A_106 = tpu.memref_slice %arg3[%dma_start3A_105] : memref<16384xi32, #tpu.memory_space<hbm>> -> memref<4096xi32, #tpu.memory_space<hbm>>
    %dma_start3A_107 = arith.constant 0 : i32
    %dma_start3A_108 = tpu.memref_slice %arg7[%dma_start3A_101, %dma_start3A_107] : memref<2x4096xi32, #tpu.memory_space<vmem>> -> memref<1x4096xi32, #tpu.memory_space<vmem>>
    %dma_start3A_109 = tpu.memref_squeeze %dma_start3A_108 : memref<1x4096xi32, #tpu.memory_space<vmem>> -> memref<4096xi32, #tpu.memory_space<vmem>>
    %dma_start3A_110 = arith.constant 4096 : i32
    %dma_start3A_111 = tpu.memref_slice %arg3[%dma_start3A_110] : memref<16384xi32, #tpu.memory_space<hbm>> -> memref<4096xi32, #tpu.memory_space<hbm>>
    tpu.enqueue_dma source(%dma_start3A_111 : memref<4096xi32, #tpu.memory_space<hbm>>) target(%dma_start3A_109 : memref<4096xi32, #tpu.memory_space<vmem>>) target_semaphore(%arg14 : memref<!tpu.dma_semaphore, #tpu.memory_space<semaphore_mem>>)
    %scan3A = arith.constant 0 : i32
    %scan3A_112 = arith.constant 256 : i32
    %scan3A_113 = arith.addi %scan3A, %scan3A_112 : i32
    %scan3A_114 = arith.constant 8 : i32
    %scan3A_115 = scf.for %scan3A_347 = %scan3A to %scan3A_113 step %scan3A_114 iter_args(%scan3A_348 = %broadcast_in_dim3A_30) -> (vector<16xf32>)  : i32 {
      %mul3A_349 = arith.constant 16 : i32
      %mul3A_350 = arith.muli %scan3A_347, %mul3A_349 : i32
      %get3A_351 = arith.constant 0 : i32
      %get3A_352 = arith.index_cast %get3A_351 : i32 to index
      %get3A_353 = arith.index_cast %mul3A_350 : i32 to index
      %get3A_354 = tpu.vector_load %arg7[%get3A_352, %get3A_353] {strides = array<i32>} : memref<2x4096xi32, #tpu.memory_space<vmem>>, vector<16xi32>,
      %gather3A = tpu.vector_load_idx %arg9[%broadcast_in_dim3A_26, %get3A_354] : memref<1x100000xf32, #tpu.memory_space<vmem>>[vector<16xi32>, vector<16xi32>], vector<16xf32>,
      %mul3A_355 = arith.constant 16 : i32
      %mul3A_356 = arith.muli %scan3A_347, %mul3A_355 : i32
      %add3A_357 = arith.constant 0 : i32
      %add3A_358 = arith.addi %add3A_357, %mul3A_356 : i32
      %get3A_359 = arith.constant 0 : i32
      %get3A_360 = arith.index_cast %get3A_359 : i32 to index
      %get3A_361 = arith.index_cast %add3A_358 : i32 to index
      %get3A_362 = tpu.vector_load %arg8[%get3A_360, %get3A_361] {strides = array<i32>} : memref<1x16384xf32, #tpu.memory_space<vmem>>, vector<16xf32>,
      %sub3A_363 = arith.subf %get3A_362, %gather3A : vector<16xf32>
      %mul3A_364 = arith.mulf %sub3A_363, %sub3A_363 : vector<16xf32>
      %add3A_365 = arith.addf %scan3A_348, %mul3A_364 : vector<16xf32>
      %scan3A_366 = arith.constant 1 : i32
      %scan3A_367 = arith.addi %scan3A_347, %scan3A_366 : i32
      %mul3A_368 = arith.constant 16 : i32
      %mul3A_369 = arith.muli %scan3A_367, %mul3A_368 : i32
      %get3A_370 = arith.constant 0 : i32
      %get3A_371 = arith.index_cast %get3A_370 : i32 to index
      %get3A_372 = arith.index_cast %mul3A_369 : i32 to index
      %get3A_373 = tpu.vector_load %arg7[%get3A_371, %get3A_372] {strides = array<i32>} : memref<2x4096xi32, #tpu.memory_space<vmem>>, vector<16xi32>,
      %gather3A_374 = tpu.vector_load_idx %arg9[%broadcast_in_dim3A_26, %get3A_373] : memref<1x100000xf32, #tpu.memory_space<vmem>>[vector<16xi32>, vector<16xi32>], vector<16xf32>,
      %mul3A_375 = arith.constant 16 : i32
      %mul3A_376 = arith.muli %scan3A_367, %mul3A_375 : i32
      %add3A_377 = arith.constant 0 : i32
      %add3A_378 = arith.addi %add3A_377, %mul3A_376 : i32
      %get3A_379 = arith.constant 0 : i32
      %get3A_380 = arith.index_cast %get3A_379 : i32 to index
      %get3A_381 = arith.index_cast %add3A_378 : i32 to index
      %get3A_382 = tpu.vector_load %arg8[%get3A_380, %get3A_381] {strides = array<i32>} : memref<1x16384xf32, #tpu.memory_space<vmem>>, vector<16xf32>,
      %sub3A_383 = arith.subf %get3A_382, %gather3A_374 : vector<16xf32>
      %mul3A_384 = arith.mulf %sub3A_383, %sub3A_383 : vector<16xf32>
      %add3A_385 = arith.addf %add3A_365, %mul3A_384 : vector<16xf32>
      %scan3A_386 = arith.constant 2 : i32
      %scan3A_387 = arith.addi %scan3A_347, %scan3A_386 : i32
      %mul3A_388 = arith.constant 16 : i32
      %mul3A_389 = arith.muli %scan3A_387, %mul3A_388 : i32
      %get3A_390 = arith.constant 0 : i32
      %get3A_391 = arith.index_cast %get3A_390 : i32 to index
      %get3A_392 = arith.index_cast %mul3A_389 : i32 to index
      %get3A_393 = tpu.vector_load %arg7[%get3A_391, %get3A_392] {strides = array<i32>} : memref<2x4096xi32, #tpu.memory_space<vmem>>, vector<16xi32>,
      %gather3A_394 = tpu.vector_load_idx %arg9[%broadcast_in_dim3A_26, %get3A_393] : memref<1x100000xf32, #tpu.memory_space<vmem>>[vector<16xi32>, vector<16xi32>], vector<16xf32>,
      %mul3A_395 = arith.constant 16 : i32
      %mul3A_396 = arith.muli %scan3A_387, %mul3A_395 : i32
      %add3A_397 = arith.constant 0 : i32
      %add3A_398 = arith.addi %add3A_397, %mul3A_396 : i32
      %get3A_399 = arith.constant 0 : i32
      %get3A_400 = arith.index_cast %get3A_399 : i32 to index
      %get3A_401 = arith.index_cast %add3A_398 : i32 to index
      %get3A_402 = tpu.vector_load %arg8[%get3A_400, %get3A_401] {strides = array<i32>} : memref<1x16384xf32, #tpu.memory_space<vmem>>, vector<16xf32>,
      %sub3A_403 = arith.subf %get3A_402, %gather3A_394 : vector<16xf32>
      %mul3A_404 = arith.mulf %sub3A_403, %sub3A_403 : vector<16xf32>
      %add3A_405 = arith.addf %add3A_385, %mul3A_404 : vector<16xf32>
      %scan3A_406 = arith.constant 3 : i32
      %scan3A_407 = arith.addi %scan3A_347, %scan3A_406 : i32
      %mul3A_408 = arith.constant 16 : i32
      %mul3A_409 = arith.muli %scan3A_407, %mul3A_408 : i32
      %get3A_410 = arith.constant 0 : i32
      %get3A_411 = arith.index_cast %get3A_410 : i32 to index
      %get3A_412 = arith.index_cast %mul3A_409 : i32 to index
      %get3A_413 = tpu.vector_load %arg7[%get3A_411, %get3A_412] {strides = array<i32>} : memref<2x4096xi32, #tpu.memory_space<vmem>>, vector<16xi32>,
      %gather3A_414 = tpu.vector_load_idx %arg9[%broadcast_in_dim3A_26, %get3A_413] : memref<1x100000xf32, #tpu.memory_space<vmem>>[vector<16xi32>, vector<16xi32>], vector<16xf32>,
      %mul3A_415 = arith.constant 16 : i32
      %mul3A_416 = arith.muli %scan3A_407, %mul3A_415 : i32
      %add3A_417 = arith.constant 0 : i32
      %add3A_418 = arith.addi %add3A_417, %mul3A_416 : i32
      %get3A_419 = arith.constant 0 : i32
      %get3A_420 = arith.index_cast %get3A_419 : i32 to index
      %get3A_421 = arith.index_cast %add3A_418 : i32 to index
      %get3A_422 = tpu.vector_load %arg8[%get3A_420, %get3A_421] {strides = array<i32>} : memref<1x16384xf32, #tpu.memory_space<vmem>>, vector<16xf32>,
      %sub3A_423 = arith.subf %get3A_422, %gather3A_414 : vector<16xf32>
      %mul3A_424 = arith.mulf %sub3A_423, %sub3A_423 : vector<16xf32>
      %add3A_425 = arith.addf %add3A_405, %mul3A_424 : vector<16xf32>
      %scan3A_426 = arith.constant 4 : i32
      %scan3A_427 = arith.addi %scan3A_347, %scan3A_426 : i32
      %mul3A_428 = arith.constant 16 : i32
      %mul3A_429 = arith.muli %scan3A_427, %mul3A_428 : i32
      %get3A_430 = arith.constant 0 : i32
      %get3A_431 = arith.index_cast %get3A_430 : i32 to index
      %get3A_432 = arith.index_cast %mul3A_429 : i32 to index
      %get3A_433 = tpu.vector_load %arg7[%get3A_431, %get3A_432] {strides = array<i32>} : memref<2x4096xi32, #tpu.memory_space<vmem>>, vector<16xi32>,
      %gather3A_434 = tpu.vector_load_idx %arg9[%broadcast_in_dim3A_26, %get3A_433] : memref<1x100000xf32, #tpu.memory_space<vmem>>[vector<16xi32>, vector<16xi32>], vector<16xf32>,
      %mul3A_435 = arith.constant 16 : i32
      %mul3A_436 = arith.muli %scan3A_427, %mul3A_435 : i32
      %add3A_437 = arith.constant 0 : i32
      %add3A_438 = arith.addi %add3A_437, %mul3A_436 : i32
      %get3A_439 = arith.constant 0 : i32
      %get3A_440 = arith.index_cast %get3A_439 : i32 to index
      %get3A_441 = arith.index_cast %add3A_438 : i32 to index
      %get3A_442 = tpu.vector_load %arg8[%get3A_440, %get3A_441] {strides = array<i32>} : memref<1x16384xf32, #tpu.memory_space<vmem>>, vector<16xf32>,
      %sub3A_443 = arith.subf %get3A_442, %gather3A_434 : vector<16xf32>
      %mul3A_444 = arith.mulf %sub3A_443, %sub3A_443 : vector<16xf32>
      %add3A_445 = arith.addf %add3A_425, %mul3A_444 : vector<16xf32>
      %scan3A_446 = arith.constant 5 : i32
      %scan3A_447 = arith.addi %scan3A_347, %scan3A_446 : i32
      %mul3A_448 = arith.constant 16 : i32
      %mul3A_449 = arith.muli %scan3A_447, %mul3A_448 : i32
      %get3A_450 = arith.constant 0 : i32
      %get3A_451 = arith.index_cast %get3A_450 : i32 to index
      %get3A_452 = arith.index_cast %mul3A_449 : i32 to index
      %get3A_453 = tpu.vector_load %arg7[%get3A_451, %get3A_452] {strides = array<i32>} : memref<2x4096xi32, #tpu.memory_space<vmem>>, vector<16xi32>,
      %gather3A_454 = tpu.vector_load_idx %arg9[%broadcast_in_dim3A_26, %get3A_453] : memref<1x100000xf32, #tpu.memory_space<vmem>>[vector<16xi32>, vector<16xi32>], vector<16xf32>,
      %mul3A_455 = arith.constant 16 : i32
      %mul3A_456 = arith.muli %scan3A_447, %mul3A_455 : i32
      %add3A_457 = arith.constant 0 : i32
      %add3A_458 = arith.addi %add3A_457, %mul3A_456 : i32
      %get3A_459 = arith.constant 0 : i32
      %get3A_460 = arith.index_cast %get3A_459 : i32 to index
      %get3A_461 = arith.index_cast %add3A_458 : i32 to index
      %get3A_462 = tpu.vector_load %arg8[%get3A_460, %get3A_461] {strides = array<i32>} : memref<1x16384xf32, #tpu.memory_space<vmem>>, vector<16xf32>,
      %sub3A_463 = arith.subf %get3A_462, %gather3A_454 : vector<16xf32>
      %mul3A_464 = arith.mulf %sub3A_463, %sub3A_463 : vector<16xf32>
      %add3A_465 = arith.addf %add3A_445, %mul3A_464 : vector<16xf32>
      %scan3A_466 = arith.constant 6 : i32
      %scan3A_467 = arith.addi %scan3A_347, %scan3A_466 : i32
      %mul3A_468 = arith.constant 16 : i32
      %mul3A_469 = arith.muli %scan3A_467, %mul3A_468 : i32
      %get3A_470 = arith.constant 0 : i32
      %get3A_471 = arith.index_cast %get3A_470 : i32 to index
      %get3A_472 = arith.index_cast %mul3A_469 : i32 to index
      %get3A_473 = tpu.vector_load %arg7[%get3A_471, %get3A_472] {strides = array<i32>} : memref<2x4096xi32, #tpu.memory_space<vmem>>, vector<16xi32>,
      %gather3A_474 = tpu.vector_load_idx %arg9[%broadcast_in_dim3A_26, %get3A_473] : memref<1x100000xf32, #tpu.memory_space<vmem>>[vector<16xi32>, vector<16xi32>], vector<16xf32>,
      %mul3A_475 = arith.constant 16 : i32
      %mul3A_476 = arith.muli %scan3A_467, %mul3A_475 : i32
      %add3A_477 = arith.constant 0 : i32
      %add3A_478 = arith.addi %add3A_477, %mul3A_476 : i32
      %get3A_479 = arith.constant 0 : i32
      %get3A_480 = arith.index_cast %get3A_479 : i32 to index
      %get3A_481 = arith.index_cast %add3A_478 : i32 to index
      %get3A_482 = tpu.vector_load %arg8[%get3A_480, %get3A_481] {strides = array<i32>} : memref<1x16384xf32, #tpu.memory_space<vmem>>, vector<16xf32>,
      %sub3A_483 = arith.subf %get3A_482, %gather3A_474 : vector<16xf32>
      %mul3A_484 = arith.mulf %sub3A_483, %sub3A_483 : vector<16xf32>
      %add3A_485 = arith.addf %add3A_465, %mul3A_484 : vector<16xf32>
      %scan3A_486 = arith.constant 7 : i32
      %scan3A_487 = arith.addi %scan3A_347, %scan3A_486 : i32
      %mul3A_488 = arith.constant 16 : i32
      %mul3A_489 = arith.muli %scan3A_487, %mul3A_488 : i32
      %get3A_490 = arith.constant 0 : i32
      %get3A_491 = arith.index_cast %get3A_490 : i32 to index
      %get3A_492 = arith.index_cast %mul3A_489 : i32 to index
      %get3A_493 = tpu.vector_load %arg7[%get3A_491, %get3A_492] {strides = array<i32>} : memref<2x4096xi32, #tpu.memory_space<vmem>>, vector<16xi32>,
      %gather3A_494 = tpu.vector_load_idx %arg9[%broadcast_in_dim3A_26, %get3A_493] : memref<1x100000xf32, #tpu.memory_space<vmem>>[vector<16xi32>, vector<16xi32>], vector<16xf32>,
      %mul3A_495 = arith.constant 16 : i32
      %mul3A_496 = arith.muli %scan3A_487, %mul3A_495 : i32
      %add3A_497 = arith.constant 0 : i32
      %add3A_498 = arith.addi %add3A_497, %mul3A_496 : i32
      %get3A_499 = arith.constant 0 : i32
      %get3A_500 = arith.index_cast %get3A_499 : i32 to index
      %get3A_501 = arith.index_cast %add3A_498 : i32 to index
      %get3A_502 = tpu.vector_load %arg8[%get3A_500, %get3A_501] {strides = array<i32>} : memref<1x16384xf32, #tpu.memory_space<vmem>>, vector<16xf32>,
      %sub3A_503 = arith.subf %get3A_502, %gather3A_494 : vector<16xf32>
      %mul3A_504 = arith.mulf %sub3A_503, %sub3A_503 : vector<16xf32>
      %add3A_505 = arith.addf %add3A_485, %mul3A_504 : vector<16xf32>
      scf.yield %add3A_505 : vector<16xf32>
    }
    %scan3A_116 = arith.constant 256 : i32
    %dma_wait3A_117 = arith.constant 1 : i32
    %dma_wait3A_118 = arith.constant 0 : i32
    %dma_wait3A_119 = tpu.memref_slice %arg7[%dma_wait3A_117, %dma_wait3A_118] : memref<2x4096xi32, #tpu.memory_space<vmem>> -> memref<1x4096xi32, #tpu.memory_space<vmem>>
    %dma_wait3A_120 = tpu.memref_squeeze %dma_wait3A_119 : memref<1x4096xi32, #tpu.memory_space<vmem>> -> memref<4096xi32, #tpu.memory_space<vmem>>
    %dma_wait3A_121 = arith.constant 4096 : i32
    %dma_wait3A_122 = tpu.memref_slice %arg3[%dma_wait3A_121] : memref<16384xi32, #tpu.memory_space<hbm>> -> memref<4096xi32, #tpu.memory_space<hbm>>
    %dma_wait3A_123 = arith.constant 0 : i32
    %dma_wait3A_124 = tpu.memref_slice %arg7[%dma_wait3A_117, %dma_wait3A_123] : memref<2x4096xi32, #tpu.memory_space<vmem>> -> memref<1x4096xi32, #tpu.memory_space<vmem>>
    %dma_wait3A_125 = tpu.memref_squeeze %dma_wait3A_124 : memref<1x4096xi32, #tpu.memory_space<vmem>> -> memref<4096xi32, #tpu.memory_space<vmem>>
    %dma_wait3A_126 = arith.constant 4096 : i32
    %dma_wait3A_127 = tpu.memref_slice %arg3[%dma_wait3A_126] : memref<16384xi32, #tpu.memory_space<hbm>> -> memref<4096xi32, #tpu.memory_space<hbm>>
    tpu.wait_dma2 semaphore(%arg14 : memref<!tpu.dma_semaphore, #tpu.memory_space<semaphore_mem>>) src(%dma_wait3A_127 : memref<4096xi32, #tpu.memory_space<hbm>>) dst(%dma_wait3A_125 : memref<4096xi32, #tpu.memory_space<vmem>>)
    %dma_start3A_128 = arith.constant 0 : i32
    %dma_start3A_129 = arith.constant 0 : i32
    %dma_start3A_130 = tpu.memref_slice %arg7[%dma_start3A_128, %dma_start3A_129] : memref<2x4096xi32, #tpu.memory_space<vmem>> -> memref<1x4096xi32, #tpu.memory_space<vmem>>
    %dma_start3A_131 = tpu.memref_squeeze %dma_start3A_130 : memref<1x4096xi32, #tpu.memory_space<vmem>> -> memref<4096xi32, #tpu.memory_space<vmem>>
    %dma_start3A_132 = arith.constant 8192 : i32
    %dma_start3A_133 = tpu.memref_slice %arg3[%dma_start3A_132] : memref<16384xi32, #tpu.memory_space<hbm>> -> memref<4096xi32, #tpu.memory_space<hbm>>
    %dma_start3A_134 = arith.constant 0 : i32
    %dma_start3A_135 = tpu.memref_slice %arg7[%dma_start3A_128, %dma_start3A_134] : memref<2x4096xi32, #tpu.memory_space<vmem>> -> memref<1x4096xi32, #tpu.memory_space<vmem>>
    %dma_start3A_136 = tpu.memref_squeeze %dma_start3A_135 : memref<1x4096xi32, #tpu.memory_space<vmem>> -> memref<4096xi32, #tpu.memory_space<vmem>>
    %dma_start3A_137 = arith.constant 8192 : i32
    %dma_start3A_138 = tpu.memref_slice %arg3[%dma_start3A_137] : memref<16384xi32, #tpu.memory_space<hbm>> -> memref<4096xi32, #tpu.memory_space<hbm>>
    tpu.enqueue_dma source(%dma_start3A_138 : memref<4096xi32, #tpu.memory_space<hbm>>) target(%dma_start3A_136 : memref<4096xi32, #tpu.memory_space<vmem>>) target_semaphore(%arg14 : memref<!tpu.dma_semaphore, #tpu.memory_space<semaphore_mem>>)
    %scan3A_139 = arith.constant 0 : i32
    %scan3A_140 = arith.constant 256 : i32
    %scan3A_141 = arith.addi %scan3A_139, %scan3A_140 : i32
    %scan3A_142 = arith.constant 8 : i32
    %scan3A_143 = scf.for %scan3A_347 = %scan3A_139 to %scan3A_141 step %scan3A_142 iter_args(%scan3A_348 = %scan3A_115) -> (vector<16xf32>)  : i32 {
      %mul3A_349 = arith.constant 16 : i32
      %mul3A_350 = arith.muli %scan3A_347, %mul3A_349 : i32
      %get3A_351 = arith.constant 1 : i32
      %get3A_352 = arith.index_cast %get3A_351 : i32 to index
      %get3A_353 = arith.index_cast %mul3A_350 : i32 to index
      %get3A_354 = tpu.vector_load %arg7[%get3A_352, %get3A_353] {strides = array<i32>} : memref<2x4096xi32, #tpu.memory_space<vmem>>, vector<16xi32>,
      %gather3A = tpu.vector_load_idx %arg9[%broadcast_in_dim3A_26, %get3A_354] : memref<1x100000xf32, #tpu.memory_space<vmem>>[vector<16xi32>, vector<16xi32>], vector<16xf32>,
      %mul3A_355 = arith.constant 16 : i32
      %mul3A_356 = arith.muli %scan3A_347, %mul3A_355 : i32
      %add3A_357 = arith.constant 4096 : i32
      %add3A_358 = arith.addi %add3A_357, %mul3A_356 : i32
      %get3A_359 = arith.constant 0 : i32
      %get3A_360 = arith.index_cast %get3A_359 : i32 to index
      %get3A_361 = arith.index_cast %add3A_358 : i32 to index
      %get3A_362 = tpu.vector_load %arg8[%get3A_360, %get3A_361] {strides = array<i32>} : memref<1x16384xf32, #tpu.memory_space<vmem>>, vector<16xf32>,
      %sub3A_363 = arith.subf %get3A_362, %gather3A : vector<16xf32>
      %mul3A_364 = arith.mulf %sub3A_363, %sub3A_363 : vector<16xf32>
      %add3A_365 = arith.addf %scan3A_348, %mul3A_364 : vector<16xf32>
      %scan3A_366 = arith.constant 1 : i32
      %scan3A_367 = arith.addi %scan3A_347, %scan3A_366 : i32
      %mul3A_368 = arith.constant 16 : i32
      %mul3A_369 = arith.muli %scan3A_367, %mul3A_368 : i32
      %get3A_370 = arith.constant 1 : i32
      %get3A_371 = arith.index_cast %get3A_370 : i32 to index
      %get3A_372 = arith.index_cast %mul3A_369 : i32 to index
      %get3A_373 = tpu.vector_load %arg7[%get3A_371, %get3A_372] {strides = array<i32>} : memref<2x4096xi32, #tpu.memory_space<vmem>>, vector<16xi32>,
      %gather3A_374 = tpu.vector_load_idx %arg9[%broadcast_in_dim3A_26, %get3A_373] : memref<1x100000xf32, #tpu.memory_space<vmem>>[vector<16xi32>, vector<16xi32>], vector<16xf32>,
      %mul3A_375 = arith.constant 16 : i32
      %mul3A_376 = arith.muli %scan3A_367, %mul3A_375 : i32
      %add3A_377 = arith.constant 4096 : i32
      %add3A_378 = arith.addi %add3A_377, %mul3A_376 : i32
      %get3A_379 = arith.constant 0 : i32
      %get3A_380 = arith.index_cast %get3A_379 : i32 to index
      %get3A_381 = arith.index_cast %add3A_378 : i32 to index
      %get3A_382 = tpu.vector_load %arg8[%get3A_380, %get3A_381] {strides = array<i32>} : memref<1x16384xf32, #tpu.memory_space<vmem>>, vector<16xf32>,
      %sub3A_383 = arith.subf %get3A_382, %gather3A_374 : vector<16xf32>
      %mul3A_384 = arith.mulf %sub3A_383, %sub3A_383 : vector<16xf32>
      %add3A_385 = arith.addf %add3A_365, %mul3A_384 : vector<16xf32>
      %scan3A_386 = arith.constant 2 : i32
      %scan3A_387 = arith.addi %scan3A_347, %scan3A_386 : i32
      %mul3A_388 = arith.constant 16 : i32
      %mul3A_389 = arith.muli %scan3A_387, %mul3A_388 : i32
      %get3A_390 = arith.constant 1 : i32
      %get3A_391 = arith.index_cast %get3A_390 : i32 to index
      %get3A_392 = arith.index_cast %mul3A_389 : i32 to index
      %get3A_393 = tpu.vector_load %arg7[%get3A_391, %get3A_392] {strides = array<i32>} : memref<2x4096xi32, #tpu.memory_space<vmem>>, vector<16xi32>,
      %gather3A_394 = tpu.vector_load_idx %arg9[%broadcast_in_dim3A_26, %get3A_393] : memref<1x100000xf32, #tpu.memory_space<vmem>>[vector<16xi32>, vector<16xi32>], vector<16xf32>,
      %mul3A_395 = arith.constant 16 : i32
      %mul3A_396 = arith.muli %scan3A_387, %mul3A_395 : i32
      %add3A_397 = arith.constant 4096 : i32
      %add3A_398 = arith.addi %add3A_397, %mul3A_396 : i32
      %get3A_399 = arith.constant 0 : i32
      %get3A_400 = arith.index_cast %get3A_399 : i32 to index
      %get3A_401 = arith.index_cast %add3A_398 : i32 to index
      %get3A_402 = tpu.vector_load %arg8[%get3A_400, %get3A_401] {strides = array<i32>} : memref<1x16384xf32, #tpu.memory_space<vmem>>, vector<16xf32>,
      %sub3A_403 = arith.subf %get3A_402, %gather3A_394 : vector<16xf32>
      %mul3A_404 = arith.mulf %sub3A_403, %sub3A_403 : vector<16xf32>
      %add3A_405 = arith.addf %add3A_385, %mul3A_404 : vector<16xf32>
      %scan3A_406 = arith.constant 3 : i32
      %scan3A_407 = arith.addi %scan3A_347, %scan3A_406 : i32
      %mul3A_408 = arith.constant 16 : i32
      %mul3A_409 = arith.muli %scan3A_407, %mul3A_408 : i32
      %get3A_410 = arith.constant 1 : i32
      %get3A_411 = arith.index_cast %get3A_410 : i32 to index
      %get3A_412 = arith.index_cast %mul3A_409 : i32 to index
      %get3A_413 = tpu.vector_load %arg7[%get3A_411, %get3A_412] {strides = array<i32>} : memref<2x4096xi32, #tpu.memory_space<vmem>>, vector<16xi32>,
      %gather3A_414 = tpu.vector_load_idx %arg9[%broadcast_in_dim3A_26, %get3A_413] : memref<1x100000xf32, #tpu.memory_space<vmem>>[vector<16xi32>, vector<16xi32>], vector<16xf32>,
      %mul3A_415 = arith.constant 16 : i32
      %mul3A_416 = arith.muli %scan3A_407, %mul3A_415 : i32
      %add3A_417 = arith.constant 4096 : i32
      %add3A_418 = arith.addi %add3A_417, %mul3A_416 : i32
      %get3A_419 = arith.constant 0 : i32
      %get3A_420 = arith.index_cast %get3A_419 : i32 to index
      %get3A_421 = arith.index_cast %add3A_418 : i32 to index
      %get3A_422 = tpu.vector_load %arg8[%get3A_420, %get3A_421] {strides = array<i32>} : memref<1x16384xf32, #tpu.memory_space<vmem>>, vector<16xf32>,
      %sub3A_423 = arith.subf %get3A_422, %gather3A_414 : vector<16xf32>
      %mul3A_424 = arith.mulf %sub3A_423, %sub3A_423 : vector<16xf32>
      %add3A_425 = arith.addf %add3A_405, %mul3A_424 : vector<16xf32>
      %scan3A_426 = arith.constant 4 : i32
      %scan3A_427 = arith.addi %scan3A_347, %scan3A_426 : i32
      %mul3A_428 = arith.constant 16 : i32
      %mul3A_429 = arith.muli %scan3A_427, %mul3A_428 : i32
      %get3A_430 = arith.constant 1 : i32
      %get3A_431 = arith.index_cast %get3A_430 : i32 to index
      %get3A_432 = arith.index_cast %mul3A_429 : i32 to index
      %get3A_433 = tpu.vector_load %arg7[%get3A_431, %get3A_432] {strides = array<i32>} : memref<2x4096xi32, #tpu.memory_space<vmem>>, vector<16xi32>,
      %gather3A_434 = tpu.vector_load_idx %arg9[%broadcast_in_dim3A_26, %get3A_433] : memref<1x100000xf32, #tpu.memory_space<vmem>>[vector<16xi32>, vector<16xi32>], vector<16xf32>,
      %mul3A_435 = arith.constant 16 : i32
      %mul3A_436 = arith.muli %scan3A_427, %mul3A_435 : i32
      %add3A_437 = arith.constant 4096 : i32
      %add3A_438 = arith.addi %add3A_437, %mul3A_436 : i32
      %get3A_439 = arith.constant 0 : i32
      %get3A_440 = arith.index_cast %get3A_439 : i32 to index
      %get3A_441 = arith.index_cast %add3A_438 : i32 to index
      %get3A_442 = tpu.vector_load %arg8[%get3A_440, %get3A_441] {strides = array<i32>} : memref<1x16384xf32, #tpu.memory_space<vmem>>, vector<16xf32>,
      %sub3A_443 = arith.subf %get3A_442, %gather3A_434 : vector<16xf32>
      %mul3A_444 = arith.mulf %sub3A_443, %sub3A_443 : vector<16xf32>
      %add3A_445 = arith.addf %add3A_425, %mul3A_444 : vector<16xf32>
      %scan3A_446 = arith.constant 5 : i32
      %scan3A_447 = arith.addi %scan3A_347, %scan3A_446 : i32
      %mul3A_448 = arith.constant 16 : i32
      %mul3A_449 = arith.muli %scan3A_447, %mul3A_448 : i32
      %get3A_450 = arith.constant 1 : i32
      %get3A_451 = arith.index_cast %get3A_450 : i32 to index
      %get3A_452 = arith.index_cast %mul3A_449 : i32 to index
      %get3A_453 = tpu.vector_load %arg7[%get3A_451, %get3A_452] {strides = array<i32>} : memref<2x4096xi32, #tpu.memory_space<vmem>>, vector<16xi32>,
      %gather3A_454 = tpu.vector_load_idx %arg9[%broadcast_in_dim3A_26, %get3A_453] : memref<1x100000xf32, #tpu.memory_space<vmem>>[vector<16xi32>, vector<16xi32>], vector<16xf32>,
      %mul3A_455 = arith.constant 16 : i32
      %mul3A_456 = arith.muli %scan3A_447, %mul3A_455 : i32
      %add3A_457 = arith.constant 4096 : i32
      %add3A_458 = arith.addi %add3A_457, %mul3A_456 : i32
      %get3A_459 = arith.constant 0 : i32
      %get3A_460 = arith.index_cast %get3A_459 : i32 to index
      %get3A_461 = arith.index_cast %add3A_458 : i32 to index
      %get3A_462 = tpu.vector_load %arg8[%get3A_460, %get3A_461] {strides = array<i32>} : memref<1x16384xf32, #tpu.memory_space<vmem>>, vector<16xf32>,
      %sub3A_463 = arith.subf %get3A_462, %gather3A_454 : vector<16xf32>
      %mul3A_464 = arith.mulf %sub3A_463, %sub3A_463 : vector<16xf32>
      %add3A_465 = arith.addf %add3A_445, %mul3A_464 : vector<16xf32>
      %scan3A_466 = arith.constant 6 : i32
      %scan3A_467 = arith.addi %scan3A_347, %scan3A_466 : i32
      %mul3A_468 = arith.constant 16 : i32
      %mul3A_469 = arith.muli %scan3A_467, %mul3A_468 : i32
      %get3A_470 = arith.constant 1 : i32
      %get3A_471 = arith.index_cast %get3A_470 : i32 to index
      %get3A_472 = arith.index_cast %mul3A_469 : i32 to index
      %get3A_473 = tpu.vector_load %arg7[%get3A_471, %get3A_472] {strides = array<i32>} : memref<2x4096xi32, #tpu.memory_space<vmem>>, vector<16xi32>,
      %gather3A_474 = tpu.vector_load_idx %arg9[%broadcast_in_dim3A_26, %get3A_473] : memref<1x100000xf32, #tpu.memory_space<vmem>>[vector<16xi32>, vector<16xi32>], vector<16xf32>,
      %mul3A_475 = arith.constant 16 : i32
      %mul3A_476 = arith.muli %scan3A_467, %mul3A_475 : i32
      %add3A_477 = arith.constant 4096 : i32
      %add3A_478 = arith.addi %add3A_477, %mul3A_476 : i32
      %get3A_479 = arith.constant 0 : i32
      %get3A_480 = arith.index_cast %get3A_479 : i32 to index
      %get3A_481 = arith.index_cast %add3A_478 : i32 to index
      %get3A_482 = tpu.vector_load %arg8[%get3A_480, %get3A_481] {strides = array<i32>} : memref<1x16384xf32, #tpu.memory_space<vmem>>, vector<16xf32>,
      %sub3A_483 = arith.subf %get3A_482, %gather3A_474 : vector<16xf32>
      %mul3A_484 = arith.mulf %sub3A_483, %sub3A_483 : vector<16xf32>
      %add3A_485 = arith.addf %add3A_465, %mul3A_484 : vector<16xf32>
      %scan3A_486 = arith.constant 7 : i32
      %scan3A_487 = arith.addi %scan3A_347, %scan3A_486 : i32
      %mul3A_488 = arith.constant 16 : i32
      %mul3A_489 = arith.muli %scan3A_487, %mul3A_488 : i32
      %get3A_490 = arith.constant 1 : i32
      %get3A_491 = arith.index_cast %get3A_490 : i32 to index
      %get3A_492 = arith.index_cast %mul3A_489 : i32 to index
      %get3A_493 = tpu.vector_load %arg7[%get3A_491, %get3A_492] {strides = array<i32>} : memref<2x4096xi32, #tpu.memory_space<vmem>>, vector<16xi32>,
      %gather3A_494 = tpu.vector_load_idx %arg9[%broadcast_in_dim3A_26, %get3A_493] : memref<1x100000xf32, #tpu.memory_space<vmem>>[vector<16xi32>, vector<16xi32>], vector<16xf32>,
      %mul3A_495 = arith.constant 16 : i32
      %mul3A_496 = arith.muli %scan3A_487, %mul3A_495 : i32
      %add3A_497 = arith.constant 4096 : i32
      %add3A_498 = arith.addi %add3A_497, %mul3A_496 : i32
      %get3A_499 = arith.constant 0 : i32
      %get3A_500 = arith.index_cast %get3A_499 : i32 to index
      %get3A_501 = arith.index_cast %add3A_498 : i32 to index
      %get3A_502 = tpu.vector_load %arg8[%get3A_500, %get3A_501] {strides = array<i32>} : memref<1x16384xf32, #tpu.memory_space<vmem>>, vector<16xf32>,
      %sub3A_503 = arith.subf %get3A_502, %gather3A_494 : vector<16xf32>
      %mul3A_504 = arith.mulf %sub3A_503, %sub3A_503 : vector<16xf32>
      %add3A_505 = arith.addf %add3A_485, %mul3A_504 : vector<16xf32>
      scf.yield %add3A_505 : vector<16xf32>
    }
    %scan3A_144 = arith.constant 256 : i32
    %dma_wait3A_145 = arith.constant 0 : i32
    %dma_wait3A_146 = arith.constant 0 : i32
    %dma_wait3A_147 = tpu.memref_slice %arg7[%dma_wait3A_145, %dma_wait3A_146] : memref<2x4096xi32, #tpu.memory_space<vmem>> -> memref<1x4096xi32, #tpu.memory_space<vmem>>
    %dma_wait3A_148 = tpu.memref_squeeze %dma_wait3A_147 : memref<1x4096xi32, #tpu.memory_space<vmem>> -> memref<4096xi32, #tpu.memory_space<vmem>>
    %dma_wait3A_149 = arith.constant 8192 : i32
    %dma_wait3A_150 = tpu.memref_slice %arg3[%dma_wait3A_149] : memref<16384xi32, #tpu.memory_space<hbm>> -> memref<4096xi32, #tpu.memory_space<hbm>>
    %dma_wait3A_151 = arith.constant 0 : i32
    %dma_wait3A_152 = tpu.memref_slice %arg7[%dma_wait3A_145, %dma_wait3A_151] : memref<2x4096xi32, #tpu.memory_space<vmem>> -> memref<1x4096xi32, #tpu.memory_space<vmem>>
    %dma_wait3A_153 = tpu.memref_squeeze %dma_wait3A_152 : memref<1x4096xi32, #tpu.memory_space<vmem>> -> memref<4096xi32, #tpu.memory_space<vmem>>
    %dma_wait3A_154 = arith.constant 8192 : i32
    %dma_wait3A_155 = tpu.memref_slice %arg3[%dma_wait3A_154] : memref<16384xi32, #tpu.memory_space<hbm>> -> memref<4096xi32, #tpu.memory_space<hbm>>
    tpu.wait_dma2 semaphore(%arg14 : memref<!tpu.dma_semaphore, #tpu.memory_space<semaphore_mem>>) src(%dma_wait3A_155 : memref<4096xi32, #tpu.memory_space<hbm>>) dst(%dma_wait3A_153 : memref<4096xi32, #tpu.memory_space<vmem>>)
    %dma_start3A_156 = arith.constant 1 : i32
    %dma_start3A_157 = arith.constant 0 : i32
    %dma_start3A_158 = tpu.memref_slice %arg7[%dma_start3A_156, %dma_start3A_157] : memref<2x4096xi32, #tpu.memory_space<vmem>> -> memref<1x4096xi32, #tpu.memory_space<vmem>>
    %dma_start3A_159 = tpu.memref_squeeze %dma_start3A_158 : memref<1x4096xi32, #tpu.memory_space<vmem>> -> memref<4096xi32, #tpu.memory_space<vmem>>
    %dma_start3A_160 = arith.constant 12288 : i32
    %dma_start3A_161 = tpu.memref_slice %arg3[%dma_start3A_160] : memref<16384xi32, #tpu.memory_space<hbm>> -> memref<4096xi32, #tpu.memory_space<hbm>>
    %dma_start3A_162 = arith.constant 0 : i32
    %dma_start3A_163 = tpu.memref_slice %arg7[%dma_start3A_156, %dma_start3A_162] : memref<2x4096xi32, #tpu.memory_space<vmem>> -> memref<1x4096xi32, #tpu.memory_space<vmem>>
    %dma_start3A_164 = tpu.memref_squeeze %dma_start3A_163 : memref<1x4096xi32, #tpu.memory_space<vmem>> -> memref<4096xi32, #tpu.memory_space<vmem>>
    %dma_start3A_165 = arith.constant 12288 : i32
    %dma_start3A_166 = tpu.memref_slice %arg3[%dma_start3A_165] : memref<16384xi32, #tpu.memory_space<hbm>> -> memref<4096xi32, #tpu.memory_space<hbm>>
    tpu.enqueue_dma source(%dma_start3A_166 : memref<4096xi32, #tpu.memory_space<hbm>>) target(%dma_start3A_164 : memref<4096xi32, #tpu.memory_space<vmem>>) target_semaphore(%arg14 : memref<!tpu.dma_semaphore, #tpu.memory_space<semaphore_mem>>)
    %scan3A_167 = arith.constant 0 : i32
    %scan3A_168 = arith.constant 256 : i32
    %scan3A_169 = arith.addi %scan3A_167, %scan3A_168 : i32
    %scan3A_170 = arith.constant 8 : i32
    %scan3A_171 = scf.for %scan3A_347 = %scan3A_167 to %scan3A_169 step %scan3A_170 iter_args(%scan3A_348 = %scan3A_143) -> (vector<16xf32>)  : i32 {
      %mul3A_349 = arith.constant 16 : i32
      %mul3A_350 = arith.muli %scan3A_347, %mul3A_349 : i32
      %get3A_351 = arith.constant 0 : i32
      %get3A_352 = arith.index_cast %get3A_351 : i32 to index
      %get3A_353 = arith.index_cast %mul3A_350 : i32 to index
      %get3A_354 = tpu.vector_load %arg7[%get3A_352, %get3A_353] {strides = array<i32>} : memref<2x4096xi32, #tpu.memory_space<vmem>>, vector<16xi32>,
      %gather3A = tpu.vector_load_idx %arg9[%broadcast_in_dim3A_26, %get3A_354] : memref<1x100000xf32, #tpu.memory_space<vmem>>[vector<16xi32>, vector<16xi32>], vector<16xf32>,
      %mul3A_355 = arith.constant 16 : i32
      %mul3A_356 = arith.muli %scan3A_347, %mul3A_355 : i32
      %add3A_357 = arith.constant 8192 : i32
      %add3A_358 = arith.addi %add3A_357, %mul3A_356 : i32
      %get3A_359 = arith.constant 0 : i32
      %get3A_360 = arith.index_cast %get3A_359 : i32 to index
      %get3A_361 = arith.index_cast %add3A_358 : i32 to index
      %get3A_362 = tpu.vector_load %arg8[%get3A_360, %get3A_361] {strides = array<i32>} : memref<1x16384xf32, #tpu.memory_space<vmem>>, vector<16xf32>,
      %sub3A_363 = arith.subf %get3A_362, %gather3A : vector<16xf32>
      %mul3A_364 = arith.mulf %sub3A_363, %sub3A_363 : vector<16xf32>
      %add3A_365 = arith.addf %scan3A_348, %mul3A_364 : vector<16xf32>
      %scan3A_366 = arith.constant 1 : i32
      %scan3A_367 = arith.addi %scan3A_347, %scan3A_366 : i32
      %mul3A_368 = arith.constant 16 : i32
      %mul3A_369 = arith.muli %scan3A_367, %mul3A_368 : i32
      %get3A_370 = arith.constant 0 : i32
      %get3A_371 = arith.index_cast %get3A_370 : i32 to index
      %get3A_372 = arith.index_cast %mul3A_369 : i32 to index
      %get3A_373 = tpu.vector_load %arg7[%get3A_371, %get3A_372] {strides = array<i32>} : memref<2x4096xi32, #tpu.memory_space<vmem>>, vector<16xi32>,
      %gather3A_374 = tpu.vector_load_idx %arg9[%broadcast_in_dim3A_26, %get3A_373] : memref<1x100000xf32, #tpu.memory_space<vmem>>[vector<16xi32>, vector<16xi32>], vector<16xf32>,
      %mul3A_375 = arith.constant 16 : i32
      %mul3A_376 = arith.muli %scan3A_367, %mul3A_375 : i32
      %add3A_377 = arith.constant 8192 : i32
      %add3A_378 = arith.addi %add3A_377, %mul3A_376 : i32
      %get3A_379 = arith.constant 0 : i32
      %get3A_380 = arith.index_cast %get3A_379 : i32 to index
      %get3A_381 = arith.index_cast %add3A_378 : i32 to index
      %get3A_382 = tpu.vector_load %arg8[%get3A_380, %get3A_381] {strides = array<i32>} : memref<1x16384xf32, #tpu.memory_space<vmem>>, vector<16xf32>,
      %sub3A_383 = arith.subf %get3A_382, %gather3A_374 : vector<16xf32>
      %mul3A_384 = arith.mulf %sub3A_383, %sub3A_383 : vector<16xf32>
      %add3A_385 = arith.addf %add3A_365, %mul3A_384 : vector<16xf32>
      %scan3A_386 = arith.constant 2 : i32
      %scan3A_387 = arith.addi %scan3A_347, %scan3A_386 : i32
      %mul3A_388 = arith.constant 16 : i32
      %mul3A_389 = arith.muli %scan3A_387, %mul3A_388 : i32
      %get3A_390 = arith.constant 0 : i32
      %get3A_391 = arith.index_cast %get3A_390 : i32 to index
      %get3A_392 = arith.index_cast %mul3A_389 : i32 to index
      %get3A_393 = tpu.vector_load %arg7[%get3A_391, %get3A_392] {strides = array<i32>} : memref<2x4096xi32, #tpu.memory_space<vmem>>, vector<16xi32>,
      %gather3A_394 = tpu.vector_load_idx %arg9[%broadcast_in_dim3A_26, %get3A_393] : memref<1x100000xf32, #tpu.memory_space<vmem>>[vector<16xi32>, vector<16xi32>], vector<16xf32>,
      %mul3A_395 = arith.constant 16 : i32
      %mul3A_396 = arith.muli %scan3A_387, %mul3A_395 : i32
      %add3A_397 = arith.constant 8192 : i32
      %add3A_398 = arith.addi %add3A_397, %mul3A_396 : i32
      %get3A_399 = arith.constant 0 : i32
      %get3A_400 = arith.index_cast %get3A_399 : i32 to index
      %get3A_401 = arith.index_cast %add3A_398 : i32 to index
      %get3A_402 = tpu.vector_load %arg8[%get3A_400, %get3A_401] {strides = array<i32>} : memref<1x16384xf32, #tpu.memory_space<vmem>>, vector<16xf32>,
      %sub3A_403 = arith.subf %get3A_402, %gather3A_394 : vector<16xf32>
      %mul3A_404 = arith.mulf %sub3A_403, %sub3A_403 : vector<16xf32>
      %add3A_405 = arith.addf %add3A_385, %mul3A_404 : vector<16xf32>
      %scan3A_406 = arith.constant 3 : i32
      %scan3A_407 = arith.addi %scan3A_347, %scan3A_406 : i32
      %mul3A_408 = arith.constant 16 : i32
      %mul3A_409 = arith.muli %scan3A_407, %mul3A_408 : i32
      %get3A_410 = arith.constant 0 : i32
      %get3A_411 = arith.index_cast %get3A_410 : i32 to index
      %get3A_412 = arith.index_cast %mul3A_409 : i32 to index
      %get3A_413 = tpu.vector_load %arg7[%get3A_411, %get3A_412] {strides = array<i32>} : memref<2x4096xi32, #tpu.memory_space<vmem>>, vector<16xi32>,
      %gather3A_414 = tpu.vector_load_idx %arg9[%broadcast_in_dim3A_26, %get3A_413] : memref<1x100000xf32, #tpu.memory_space<vmem>>[vector<16xi32>, vector<16xi32>], vector<16xf32>,
      %mul3A_415 = arith.constant 16 : i32
      %mul3A_416 = arith.muli %scan3A_407, %mul3A_415 : i32
      %add3A_417 = arith.constant 8192 : i32
      %add3A_418 = arith.addi %add3A_417, %mul3A_416 : i32
      %get3A_419 = arith.constant 0 : i32
      %get3A_420 = arith.index_cast %get3A_419 : i32 to index
      %get3A_421 = arith.index_cast %add3A_418 : i32 to index
      %get3A_422 = tpu.vector_load %arg8[%get3A_420, %get3A_421] {strides = array<i32>} : memref<1x16384xf32, #tpu.memory_space<vmem>>, vector<16xf32>,
      %sub3A_423 = arith.subf %get3A_422, %gather3A_414 : vector<16xf32>
      %mul3A_424 = arith.mulf %sub3A_423, %sub3A_423 : vector<16xf32>
      %add3A_425 = arith.addf %add3A_405, %mul3A_424 : vector<16xf32>
      %scan3A_426 = arith.constant 4 : i32
      %scan3A_427 = arith.addi %scan3A_347, %scan3A_426 : i32
      %mul3A_428 = arith.constant 16 : i32
      %mul3A_429 = arith.muli %scan3A_427, %mul3A_428 : i32
      %get3A_430 = arith.constant 0 : i32
      %get3A_431 = arith.index_cast %get3A_430 : i32 to index
      %get3A_432 = arith.index_cast %mul3A_429 : i32 to index
      %get3A_433 = tpu.vector_load %arg7[%get3A_431, %get3A_432] {strides = array<i32>} : memref<2x4096xi32, #tpu.memory_space<vmem>>, vector<16xi32>,
      %gather3A_434 = tpu.vector_load_idx %arg9[%broadcast_in_dim3A_26, %get3A_433] : memref<1x100000xf32, #tpu.memory_space<vmem>>[vector<16xi32>, vector<16xi32>], vector<16xf32>,
      %mul3A_435 = arith.constant 16 : i32
      %mul3A_436 = arith.muli %scan3A_427, %mul3A_435 : i32
      %add3A_437 = arith.constant 8192 : i32
      %add3A_438 = arith.addi %add3A_437, %mul3A_436 : i32
      %get3A_439 = arith.constant 0 : i32
      %get3A_440 = arith.index_cast %get3A_439 : i32 to index
      %get3A_441 = arith.index_cast %add3A_438 : i32 to index
      %get3A_442 = tpu.vector_load %arg8[%get3A_440, %get3A_441] {strides = array<i32>} : memref<1x16384xf32, #tpu.memory_space<vmem>>, vector<16xf32>,
      %sub3A_443 = arith.subf %get3A_442, %gather3A_434 : vector<16xf32>
      %mul3A_444 = arith.mulf %sub3A_443, %sub3A_443 : vector<16xf32>
      %add3A_445 = arith.addf %add3A_425, %mul3A_444 : vector<16xf32>
      %scan3A_446 = arith.constant 5 : i32
      %scan3A_447 = arith.addi %scan3A_347, %scan3A_446 : i32
      %mul3A_448 = arith.constant 16 : i32
      %mul3A_449 = arith.muli %scan3A_447, %mul3A_448 : i32
      %get3A_450 = arith.constant 0 : i32
      %get3A_451 = arith.index_cast %get3A_450 : i32 to index
      %get3A_452 = arith.index_cast %mul3A_449 : i32 to index
      %get3A_453 = tpu.vector_load %arg7[%get3A_451, %get3A_452] {strides = array<i32>} : memref<2x4096xi32, #tpu.memory_space<vmem>>, vector<16xi32>,
      %gather3A_454 = tpu.vector_load_idx %arg9[%broadcast_in_dim3A_26, %get3A_453] : memref<1x100000xf32, #tpu.memory_space<vmem>>[vector<16xi32>, vector<16xi32>], vector<16xf32>,
      %mul3A_455 = arith.constant 16 : i32
      %mul3A_456 = arith.muli %scan3A_447, %mul3A_455 : i32
      %add3A_457 = arith.constant 8192 : i32
      %add3A_458 = arith.addi %add3A_457, %mul3A_456 : i32
      %get3A_459 = arith.constant 0 : i32
      %get3A_460 = arith.index_cast %get3A_459 : i32 to index
      %get3A_461 = arith.index_cast %add3A_458 : i32 to index
      %get3A_462 = tpu.vector_load %arg8[%get3A_460, %get3A_461] {strides = array<i32>} : memref<1x16384xf32, #tpu.memory_space<vmem>>, vector<16xf32>,
      %sub3A_463 = arith.subf %get3A_462, %gather3A_454 : vector<16xf32>
      %mul3A_464 = arith.mulf %sub3A_463, %sub3A_463 : vector<16xf32>
      %add3A_465 = arith.addf %add3A_445, %mul3A_464 : vector<16xf32>
      %scan3A_466 = arith.constant 6 : i32
      %scan3A_467 = arith.addi %scan3A_347, %scan3A_466 : i32
      %mul3A_468 = arith.constant 16 : i32
      %mul3A_469 = arith.muli %scan3A_467, %mul3A_468 : i32
      %get3A_470 = arith.constant 0 : i32
      %get3A_471 = arith.index_cast %get3A_470 : i32 to index
      %get3A_472 = arith.index_cast %mul3A_469 : i32 to index
      %get3A_473 = tpu.vector_load %arg7[%get3A_471, %get3A_472] {strides = array<i32>} : memref<2x4096xi32, #tpu.memory_space<vmem>>, vector<16xi32>,
      %gather3A_474 = tpu.vector_load_idx %arg9[%broadcast_in_dim3A_26, %get3A_473] : memref<1x100000xf32, #tpu.memory_space<vmem>>[vector<16xi32>, vector<16xi32>], vector<16xf32>,
      %mul3A_475 = arith.constant 16 : i32
      %mul3A_476 = arith.muli %scan3A_467, %mul3A_475 : i32
      %add3A_477 = arith.constant 8192 : i32
      %add3A_478 = arith.addi %add3A_477, %mul3A_476 : i32
      %get3A_479 = arith.constant 0 : i32
      %get3A_480 = arith.index_cast %get3A_479 : i32 to index
      %get3A_481 = arith.index_cast %add3A_478 : i32 to index
      %get3A_482 = tpu.vector_load %arg8[%get3A_480, %get3A_481] {strides = array<i32>} : memref<1x16384xf32, #tpu.memory_space<vmem>>, vector<16xf32>,
      %sub3A_483 = arith.subf %get3A_482, %gather3A_474 : vector<16xf32>
      %mul3A_484 = arith.mulf %sub3A_483, %sub3A_483 : vector<16xf32>
      %add3A_485 = arith.addf %add3A_465, %mul3A_484 : vector<16xf32>
      %scan3A_486 = arith.constant 7 : i32
      %scan3A_487 = arith.addi %scan3A_347, %scan3A_486 : i32
      %mul3A_488 = arith.constant 16 : i32
      %mul3A_489 = arith.muli %scan3A_487, %mul3A_488 : i32
      %get3A_490 = arith.constant 0 : i32
      %get3A_491 = arith.index_cast %get3A_490 : i32 to index
      %get3A_492 = arith.index_cast %mul3A_489 : i32 to index
      %get3A_493 = tpu.vector_load %arg7[%get3A_491, %get3A_492] {strides = array<i32>} : memref<2x4096xi32, #tpu.memory_space<vmem>>, vector<16xi32>,
      %gather3A_494 = tpu.vector_load_idx %arg9[%broadcast_in_dim3A_26, %get3A_493] : memref<1x100000xf32, #tpu.memory_space<vmem>>[vector<16xi32>, vector<16xi32>], vector<16xf32>,
      %mul3A_495 = arith.constant 16 : i32
      %mul3A_496 = arith.muli %scan3A_487, %mul3A_495 : i32
      %add3A_497 = arith.constant 8192 : i32
      %add3A_498 = arith.addi %add3A_497, %mul3A_496 : i32
      %get3A_499 = arith.constant 0 : i32
      %get3A_500 = arith.index_cast %get3A_499 : i32 to index
      %get3A_501 = arith.index_cast %add3A_498 : i32 to index
      %get3A_502 = tpu.vector_load %arg8[%get3A_500, %get3A_501] {strides = array<i32>} : memref<1x16384xf32, #tpu.memory_space<vmem>>, vector<16xf32>,
      %sub3A_503 = arith.subf %get3A_502, %gather3A_494 : vector<16xf32>
      %mul3A_504 = arith.mulf %sub3A_503, %sub3A_503 : vector<16xf32>
      %add3A_505 = arith.addf %add3A_485, %mul3A_504 : vector<16xf32>
      scf.yield %add3A_505 : vector<16xf32>
    }
    %scan3A_172 = arith.constant 256 : i32
    %dma_wait3A_173 = arith.constant 1 : i32
    %dma_wait3A_174 = arith.constant 0 : i32
    %dma_wait3A_175 = tpu.memref_slice %arg7[%dma_wait3A_173, %dma_wait3A_174] : memref<2x4096xi32, #tpu.memory_space<vmem>> -> memref<1x4096xi32, #tpu.memory_space<vmem>>
    %dma_wait3A_176 = tpu.memref_squeeze %dma_wait3A_175 : memref<1x4096xi32, #tpu.memory_space<vmem>> -> memref<4096xi32, #tpu.memory_space<vmem>>
    %dma_wait3A_177 = arith.constant 12288 : i32
    %dma_wait3A_178 = tpu.memref_slice %arg3[%dma_wait3A_177] : memref<16384xi32, #tpu.memory_space<hbm>> -> memref<4096xi32, #tpu.memory_space<hbm>>
    %dma_wait3A_179 = arith.constant 0 : i32
    %dma_wait3A_180 = tpu.memref_slice %arg7[%dma_wait3A_173, %dma_wait3A_179] : memref<2x4096xi32, #tpu.memory_space<vmem>> -> memref<1x4096xi32, #tpu.memory_space<vmem>>
    %dma_wait3A_181 = tpu.memref_squeeze %dma_wait3A_180 : memref<1x4096xi32, #tpu.memory_space<vmem>> -> memref<4096xi32, #tpu.memory_space<vmem>>
    %dma_wait3A_182 = arith.constant 12288 : i32
    %dma_wait3A_183 = tpu.memref_slice %arg3[%dma_wait3A_182] : memref<16384xi32, #tpu.memory_space<hbm>> -> memref<4096xi32, #tpu.memory_space<hbm>>
    tpu.wait_dma2 semaphore(%arg14 : memref<!tpu.dma_semaphore, #tpu.memory_space<semaphore_mem>>) src(%dma_wait3A_183 : memref<4096xi32, #tpu.memory_space<hbm>>) dst(%dma_wait3A_181 : memref<4096xi32, #tpu.memory_space<vmem>>)
    %scan3A_184 = arith.constant 0 : i32
    %scan3A_185 = arith.constant 256 : i32
    %scan3A_186 = arith.addi %scan3A_184, %scan3A_185 : i32
    %scan3A_187 = arith.constant 8 : i32
    %scan3A_188 = scf.for %scan3A_347 = %scan3A_184 to %scan3A_186 step %scan3A_187 iter_args(%scan3A_348 = %scan3A_171) -> (vector<16xf32>)  : i32 {
      %mul3A_349 = arith.constant 16 : i32
      %mul3A_350 = arith.muli %scan3A_347, %mul3A_349 : i32
      %get3A_351 = arith.constant 1 : i32
      %get3A_352 = arith.index_cast %get3A_351 : i32 to index
      %get3A_353 = arith.index_cast %mul3A_350 : i32 to index
      %get3A_354 = tpu.vector_load %arg7[%get3A_352, %get3A_353] {strides = array<i32>} : memref<2x4096xi32, #tpu.memory_space<vmem>>, vector<16xi32>,
      %gather3A = tpu.vector_load_idx %arg9[%broadcast_in_dim3A_26, %get3A_354] : memref<1x100000xf32, #tpu.memory_space<vmem>>[vector<16xi32>, vector<16xi32>], vector<16xf32>,
      %mul3A_355 = arith.constant 16 : i32
      %mul3A_356 = arith.muli %scan3A_347, %mul3A_355 : i32
      %add3A_357 = arith.constant 12288 : i32
      %add3A_358 = arith.addi %add3A_357, %mul3A_356 : i32
      %get3A_359 = arith.constant 0 : i32
      %get3A_360 = arith.index_cast %get3A_359 : i32 to index
      %get3A_361 = arith.index_cast %add3A_358 : i32 to index
      %get3A_362 = tpu.vector_load %arg8[%get3A_360, %get3A_361] {strides = array<i32>} : memref<1x16384xf32, #tpu.memory_space<vmem>>, vector<16xf32>,
      %sub3A_363 = arith.subf %get3A_362, %gather3A : vector<16xf32>
      %mul3A_364 = arith.mulf %sub3A_363, %sub3A_363 : vector<16xf32>
      %add3A_365 = arith.addf %scan3A_348, %mul3A_364 : vector<16xf32>
      %scan3A_366 = arith.constant 1 : i32
      %scan3A_367 = arith.addi %scan3A_347, %scan3A_366 : i32
      %mul3A_368 = arith.constant 16 : i32
      %mul3A_369 = arith.muli %scan3A_367, %mul3A_368 : i32
      %get3A_370 = arith.constant 1 : i32
      %get3A_371 = arith.index_cast %get3A_370 : i32 to index
      %get3A_372 = arith.index_cast %mul3A_369 : i32 to index
      %get3A_373 = tpu.vector_load %arg7[%get3A_371, %get3A_372] {strides = array<i32>} : memref<2x4096xi32, #tpu.memory_space<vmem>>, vector<16xi32>,
      %gather3A_374 = tpu.vector_load_idx %arg9[%broadcast_in_dim3A_26, %get3A_373] : memref<1x100000xf32, #tpu.memory_space<vmem>>[vector<16xi32>, vector<16xi32>], vector<16xf32>,
      %mul3A_375 = arith.constant 16 : i32
      %mul3A_376 = arith.muli %scan3A_367, %mul3A_375 : i32
      %add3A_377 = arith.constant 12288 : i32
      %add3A_378 = arith.addi %add3A_377, %mul3A_376 : i32
      %get3A_379 = arith.constant 0 : i32
      %get3A_380 = arith.index_cast %get3A_379 : i32 to index
      %get3A_381 = arith.index_cast %add3A_378 : i32 to index
      %get3A_382 = tpu.vector_load %arg8[%get3A_380, %get3A_381] {strides = array<i32>} : memref<1x16384xf32, #tpu.memory_space<vmem>>, vector<16xf32>,
      %sub3A_383 = arith.subf %get3A_382, %gather3A_374 : vector<16xf32>
      %mul3A_384 = arith.mulf %sub3A_383, %sub3A_383 : vector<16xf32>
      %add3A_385 = arith.addf %add3A_365, %mul3A_384 : vector<16xf32>
      %scan3A_386 = arith.constant 2 : i32
      %scan3A_387 = arith.addi %scan3A_347, %scan3A_386 : i32
      %mul3A_388 = arith.constant 16 : i32
      %mul3A_389 = arith.muli %scan3A_387, %mul3A_388 : i32
      %get3A_390 = arith.constant 1 : i32
      %get3A_391 = arith.index_cast %get3A_390 : i32 to index
      %get3A_392 = arith.index_cast %mul3A_389 : i32 to index
      %get3A_393 = tpu.vector_load %arg7[%get3A_391, %get3A_392] {strides = array<i32>} : memref<2x4096xi32, #tpu.memory_space<vmem>>, vector<16xi32>,
      %gather3A_394 = tpu.vector_load_idx %arg9[%broadcast_in_dim3A_26, %get3A_393] : memref<1x100000xf32, #tpu.memory_space<vmem>>[vector<16xi32>, vector<16xi32>], vector<16xf32>,
      %mul3A_395 = arith.constant 16 : i32
      %mul3A_396 = arith.muli %scan3A_387, %mul3A_395 : i32
      %add3A_397 = arith.constant 12288 : i32
      %add3A_398 = arith.addi %add3A_397, %mul3A_396 : i32
      %get3A_399 = arith.constant 0 : i32
      %get3A_400 = arith.index_cast %get3A_399 : i32 to index
      %get3A_401 = arith.index_cast %add3A_398 : i32 to index
      %get3A_402 = tpu.vector_load %arg8[%get3A_400, %get3A_401] {strides = array<i32>} : memref<1x16384xf32, #tpu.memory_space<vmem>>, vector<16xf32>,
      %sub3A_403 = arith.subf %get3A_402, %gather3A_394 : vector<16xf32>
      %mul3A_404 = arith.mulf %sub3A_403, %sub3A_403 : vector<16xf32>
      %add3A_405 = arith.addf %add3A_385, %mul3A_404 : vector<16xf32>
      %scan3A_406 = arith.constant 3 : i32
      %scan3A_407 = arith.addi %scan3A_347, %scan3A_406 : i32
      %mul3A_408 = arith.constant 16 : i32
      %mul3A_409 = arith.muli %scan3A_407, %mul3A_408 : i32
      %get3A_410 = arith.constant 1 : i32
      %get3A_411 = arith.index_cast %get3A_410 : i32 to index
      %get3A_412 = arith.index_cast %mul3A_409 : i32 to index
      %get3A_413 = tpu.vector_load %arg7[%get3A_411, %get3A_412] {strides = array<i32>} : memref<2x4096xi32, #tpu.memory_space<vmem>>, vector<16xi32>,
      %gather3A_414 = tpu.vector_load_idx %arg9[%broadcast_in_dim3A_26, %get3A_413] : memref<1x100000xf32, #tpu.memory_space<vmem>>[vector<16xi32>, vector<16xi32>], vector<16xf32>,
      %mul3A_415 = arith.constant 16 : i32
      %mul3A_416 = arith.muli %scan3A_407, %mul3A_415 : i32
      %add3A_417 = arith.constant 12288 : i32
      %add3A_418 = arith.addi %add3A_417, %mul3A_416 : i32
      %get3A_419 = arith.constant 0 : i32
      %get3A_420 = arith.index_cast %get3A_419 : i32 to index
      %get3A_421 = arith.index_cast %add3A_418 : i32 to index
      %get3A_422 = tpu.vector_load %arg8[%get3A_420, %get3A_421] {strides = array<i32>} : memref<1x16384xf32, #tpu.memory_space<vmem>>, vector<16xf32>,
      %sub3A_423 = arith.subf %get3A_422, %gather3A_414 : vector<16xf32>
      %mul3A_424 = arith.mulf %sub3A_423, %sub3A_423 : vector<16xf32>
      %add3A_425 = arith.addf %add3A_405, %mul3A_424 : vector<16xf32>
      %scan3A_426 = arith.constant 4 : i32
      %scan3A_427 = arith.addi %scan3A_347, %scan3A_426 : i32
      %mul3A_428 = arith.constant 16 : i32
      %mul3A_429 = arith.muli %scan3A_427, %mul3A_428 : i32
      %get3A_430 = arith.constant 1 : i32
      %get3A_431 = arith.index_cast %get3A_430 : i32 to index
      %get3A_432 = arith.index_cast %mul3A_429 : i32 to index
      %get3A_433 = tpu.vector_load %arg7[%get3A_431, %get3A_432] {strides = array<i32>} : memref<2x4096xi32, #tpu.memory_space<vmem>>, vector<16xi32>,
      %gather3A_434 = tpu.vector_load_idx %arg9[%broadcast_in_dim3A_26, %get3A_433] : memref<1x100000xf32, #tpu.memory_space<vmem>>[vector<16xi32>, vector<16xi32>], vector<16xf32>,
      %mul3A_435 = arith.constant 16 : i32
      %mul3A_436 = arith.muli %scan3A_427, %mul3A_435 : i32
      %add3A_437 = arith.constant 12288 : i32
      %add3A_438 = arith.addi %add3A_437, %mul3A_436 : i32
      %get3A_439 = arith.constant 0 : i32
      %get3A_440 = arith.index_cast %get3A_439 : i32 to index
      %get3A_441 = arith.index_cast %add3A_438 : i32 to index
      %get3A_442 = tpu.vector_load %arg8[%get3A_440, %get3A_441] {strides = array<i32>} : memref<1x16384xf32, #tpu.memory_space<vmem>>, vector<16xf32>,
      %sub3A_443 = arith.subf %get3A_442, %gather3A_434 : vector<16xf32>
      %mul3A_444 = arith.mulf %sub3A_443, %sub3A_443 : vector<16xf32>
      %add3A_445 = arith.addf %add3A_425, %mul3A_444 : vector<16xf32>
      %scan3A_446 = arith.constant 5 : i32
      %scan3A_447 = arith.addi %scan3A_347, %scan3A_446 : i32
      %mul3A_448 = arith.constant 16 : i32
      %mul3A_449 = arith.muli %scan3A_447, %mul3A_448 : i32
      %get3A_450 = arith.constant 1 : i32
      %get3A_451 = arith.index_cast %get3A_450 : i32 to index
      %get3A_452 = arith.index_cast %mul3A_449 : i32 to index
      %get3A_453 = tpu.vector_load %arg7[%get3A_451, %get3A_452] {strides = array<i32>} : memref<2x4096xi32, #tpu.memory_space<vmem>>, vector<16xi32>,
      %gather3A_454 = tpu.vector_load_idx %arg9[%broadcast_in_dim3A_26, %get3A_453] : memref<1x100000xf32, #tpu.memory_space<vmem>>[vector<16xi32>, vector<16xi32>], vector<16xf32>,
      %mul3A_455 = arith.constant 16 : i32
      %mul3A_456 = arith.muli %scan3A_447, %mul3A_455 : i32
      %add3A_457 = arith.constant 12288 : i32
      %add3A_458 = arith.addi %add3A_457, %mul3A_456 : i32
      %get3A_459 = arith.constant 0 : i32
      %get3A_460 = arith.index_cast %get3A_459 : i32 to index
      %get3A_461 = arith.index_cast %add3A_458 : i32 to index
      %get3A_462 = tpu.vector_load %arg8[%get3A_460, %get3A_461] {strides = array<i32>} : memref<1x16384xf32, #tpu.memory_space<vmem>>, vector<16xf32>,
      %sub3A_463 = arith.subf %get3A_462, %gather3A_454 : vector<16xf32>
      %mul3A_464 = arith.mulf %sub3A_463, %sub3A_463 : vector<16xf32>
      %add3A_465 = arith.addf %add3A_445, %mul3A_464 : vector<16xf32>
      %scan3A_466 = arith.constant 6 : i32
      %scan3A_467 = arith.addi %scan3A_347, %scan3A_466 : i32
      %mul3A_468 = arith.constant 16 : i32
      %mul3A_469 = arith.muli %scan3A_467, %mul3A_468 : i32
      %get3A_470 = arith.constant 1 : i32
      %get3A_471 = arith.index_cast %get3A_470 : i32 to index
      %get3A_472 = arith.index_cast %mul3A_469 : i32 to index
      %get3A_473 = tpu.vector_load %arg7[%get3A_471, %get3A_472] {strides = array<i32>} : memref<2x4096xi32, #tpu.memory_space<vmem>>, vector<16xi32>,
      %gather3A_474 = tpu.vector_load_idx %arg9[%broadcast_in_dim3A_26, %get3A_473] : memref<1x100000xf32, #tpu.memory_space<vmem>>[vector<16xi32>, vector<16xi32>], vector<16xf32>,
      %mul3A_475 = arith.constant 16 : i32
      %mul3A_476 = arith.muli %scan3A_467, %mul3A_475 : i32
      %add3A_477 = arith.constant 12288 : i32
      %add3A_478 = arith.addi %add3A_477, %mul3A_476 : i32
      %get3A_479 = arith.constant 0 : i32
      %get3A_480 = arith.index_cast %get3A_479 : i32 to index
      %get3A_481 = arith.index_cast %add3A_478 : i32 to index
      %get3A_482 = tpu.vector_load %arg8[%get3A_480, %get3A_481] {strides = array<i32>} : memref<1x16384xf32, #tpu.memory_space<vmem>>, vector<16xf32>,
      %sub3A_483 = arith.subf %get3A_482, %gather3A_474 : vector<16xf32>
      %mul3A_484 = arith.mulf %sub3A_483, %sub3A_483 : vector<16xf32>
      %add3A_485 = arith.addf %add3A_465, %mul3A_484 : vector<16xf32>
      %scan3A_486 = arith.constant 7 : i32
      %scan3A_487 = arith.addi %scan3A_347, %scan3A_486 : i32
      %mul3A_488 = arith.constant 16 : i32
      %mul3A_489 = arith.muli %scan3A_487, %mul3A_488 : i32
      %get3A_490 = arith.constant 1 : i32
      %get3A_491 = arith.index_cast %get3A_490 : i32 to index
      %get3A_492 = arith.index_cast %mul3A_489 : i32 to index
      %get3A_493 = tpu.vector_load %arg7[%get3A_491, %get3A_492] {strides = array<i32>} : memref<2x4096xi32, #tpu.memory_space<vmem>>, vector<16xi32>,
      %gather3A_494 = tpu.vector_load_idx %arg9[%broadcast_in_dim3A_26, %get3A_493] : memref<1x100000xf32, #tpu.memory_space<vmem>>[vector<16xi32>, vector<16xi32>], vector<16xf32>,
      %mul3A_495 = arith.constant 16 : i32
      %mul3A_496 = arith.muli %scan3A_487, %mul3A_495 : i32
      %add3A_497 = arith.constant 12288 : i32
      %add3A_498 = arith.addi %add3A_497, %mul3A_496 : i32
      %get3A_499 = arith.constant 0 : i32
      %get3A_500 = arith.index_cast %get3A_499 : i32 to index
      %get3A_501 = arith.index_cast %add3A_498 : i32 to index
      %get3A_502 = tpu.vector_load %arg8[%get3A_500, %get3A_501] {strides = array<i32>} : memref<1x16384xf32, #tpu.memory_space<vmem>>, vector<16xf32>,
      %sub3A_503 = arith.subf %get3A_502, %gather3A_494 : vector<16xf32>
      %mul3A_504 = arith.mulf %sub3A_503, %sub3A_503 : vector<16xf32>
      %add3A_505 = arith.addf %add3A_485, %mul3A_504 : vector<16xf32>
      scf.yield %add3A_505 : vector<16xf32>
    }
    %scan3A_189 = arith.constant 256 : i32
    %dma_start3A_190 = arith.constant 0 : i32
    %dma_start3A_191 = arith.constant 0 : i32
    %dma_start3A_192 = tpu.memref_slice %arg9[%dma_start3A_190, %dma_start3A_191] : memref<1x100000xf32, #tpu.memory_space<vmem>> -> memref<1x99968xf32, #tpu.memory_space<vmem>>
    %dma_start3A_193 = arith.constant 8 : i32
    %dma_start3A_194 = tpu.memref_slice %arg6[%dma_start3A_193] : memref<16xi32, #tpu.memory_space<vmem>> -> memref<1xi32, #tpu.memory_space<vmem>>
    %dma_start3A_195 = arith.constant 0 : i32
    %dma_start3A_196 = arith.constant 0 : i32
    %dma_start3A_197 = tpu.memref_slice %arg4[%dma_start3A_195, %dma_start3A_196] : memref<64x100000xf32, #tpu.memory_space<hbm>> -> memref<64x99968xf32, #tpu.memory_space<hbm>>
    tpu.enqueue_indirect_dma source(%dma_start3A_197 : memref<64x99968xf32, #tpu.memory_space<hbm>>) target(%dma_start3A_192 : memref<1x99968xf32, #tpu.memory_space<vmem>>) offsets(%dma_start3A_194 : memref<1xi32, #tpu.memory_space<vmem>>) semaphore(%arg12 : memref<!tpu.dma_semaphore, #tpu.memory_space<semaphore_mem>>)
    %dma_start3A_198 = arith.constant 8 : i32
    %dma_start3A_199 = tpu.memref_slice %arg6[%dma_start3A_198] : memref<16xi32, #tpu.memory_space<vmem>> -> memref<1xi32, #tpu.memory_space<vmem>>
    %dma_start3A_200 = arith.constant 0 : i32
    %dma_start3A_201 = arith.constant 0 : i32
    %dma_start3A_202 = tpu.memref_slice %arg2[%dma_start3A_200, %dma_start3A_201] : memref<64x16384xf32, #tpu.memory_space<hbm>> -> memref<64x16384xf32, #tpu.memory_space<hbm>>
    tpu.enqueue_indirect_dma source(%dma_start3A_202 : memref<64x16384xf32, #tpu.memory_space<hbm>>) target(%arg8 : memref<1x16384xf32, #tpu.memory_space<vmem>>) offsets(%dma_start3A_199 : memref<1xi32, #tpu.memory_space<vmem>>) semaphore(%arg13 : memref<!tpu.dma_semaphore, #tpu.memory_space<semaphore_mem>>)
    %dma_start3A_203 = arith.constant 0 : i32
    %dma_start3A_204 = arith.constant 0 : i32
    %dma_start3A_205 = tpu.memref_slice %arg7[%dma_start3A_203, %dma_start3A_204] : memref<2x4096xi32, #tpu.memory_space<vmem>> -> memref<1x4096xi32, #tpu.memory_space<vmem>>
    %dma_start3A_206 = tpu.memref_squeeze %dma_start3A_205 : memref<1x4096xi32, #tpu.memory_space<vmem>> -> memref<4096xi32, #tpu.memory_space<vmem>>
    %dma_start3A_207 = arith.constant 0 : i32
    %dma_start3A_208 = tpu.memref_slice %arg3[%dma_start3A_207] : memref<16384xi32, #tpu.memory_space<hbm>> -> memref<4096xi32, #tpu.memory_space<hbm>>
    %dma_start3A_209 = arith.constant 0 : i32
    %dma_start3A_210 = tpu.memref_slice %arg7[%dma_start3A_203, %dma_start3A_209] : memref<2x4096xi32, #tpu.memory_space<vmem>> -> memref<1x4096xi32, #tpu.memory_space<vmem>>
    %dma_start3A_211 = tpu.memref_squeeze %dma_start3A_210 : memref<1x4096xi32, #tpu.memory_space<vmem>> -> memref<4096xi32, #tpu.memory_space<vmem>>
    %dma_start3A_212 = arith.constant 0 : i32
    %dma_start3A_213 = tpu.memref_slice %arg3[%dma_start3A_212] : memref<16384xi32, #tpu.memory_space<hbm>> -> memref<4096xi32, #tpu.memory_space<hbm>>
    tpu.enqueue_dma source(%dma_start3A_213 : memref<4096xi32, #tpu.memory_space<hbm>>) target(%dma_start3A_211 : memref<4096xi32, #tpu.memory_space<vmem>>) target_semaphore(%arg14 : memref<!tpu.dma_semaphore, #tpu.memory_space<semaphore_mem>>)
    %dma_wait3A_214 = arith.constant 8 : i32
    %dma_wait3A_215 = tpu.memref_slice %arg6[%dma_wait3A_214] : memref<16xi32, #tpu.memory_space<vmem>> -> memref<1xi32, #tpu.memory_space<vmem>>
    %dma_wait3A_216 = arith.constant 0 : i32
    %dma_wait3A_217 = arith.constant 0 : i32
    %dma_wait3A_218 = tpu.memref_slice %arg2[%dma_wait3A_216, %dma_wait3A_217] : memref<64x16384xf32, #tpu.memory_space<hbm>> -> memref<64x16384xf32, #tpu.memory_space<hbm>>
    tpu.wait_indirect_dma semaphore(%arg13 : memref<!tpu.dma_semaphore, #tpu.memory_space<semaphore_mem>>) src(%dma_wait3A_218 : memref<64x16384xf32, #tpu.memory_space<hbm>>) dst(%arg8 : memref<1x16384xf32, #tpu.memory_space<vmem>>)
    %dma_wait3A_219 = arith.constant 0 : i32
    %dma_wait3A_220 = arith.constant 0 : i32
    %dma_wait3A_221 = tpu.memref_slice %arg9[%dma_wait3A_219, %dma_wait3A_220] : memref<1x100000xf32, #tpu.memory_space<vmem>> -> memref<1x99968xf32, #tpu.memory_space<vmem>>
    %dma_wait3A_222 = arith.constant 8 : i32
    %dma_wait3A_223 = tpu.memref_slice %arg6[%dma_wait3A_222] : memref<16xi32, #tpu.memory_space<vmem>> -> memref<1xi32, #tpu.memory_space<vmem>>
    %dma_wait3A_224 = arith.constant 0 : i32
    %dma_wait3A_225 = arith.constant 0 : i32
    %dma_wait3A_226 = tpu.memref_slice %arg4[%dma_wait3A_224, %dma_wait3A_225] : memref<64x100000xf32, #tpu.memory_space<hbm>> -> memref<64x99968xf32, #tpu.memory_space<hbm>>
    tpu.wait_indirect_dma semaphore(%arg12 : memref<!tpu.dma_semaphore, #tpu.memory_space<semaphore_mem>>) src(%dma_wait3A_226 : memref<64x99968xf32, #tpu.memory_space<hbm>>) dst(%dma_wait3A_221 : memref<1x99968xf32, #tpu.memory_space<vmem>>)
    %sub3A_227 = arith.subi %mul3A_2, %mul3A_24 : i32
    %add3A_228 = arith.constant 1 : i32
    %add3A_229 = arith.addi %sub3A_227, %add3A_228 : i32
    %get3A_230 = arith.index_cast %add3A_229 : i32 to index
    %get3A_231 = arith.constant 0 : index
    %get3A_232 = tpu.vector_load %arg10[%get3A_230, %get3A_231] {strides = array<i32>} : memref<8x32xf32, #tpu.memory_space<vmem>>, vector<16xf32>,
    %swap3A_233 = arith.constant 0 : i32
    %swap3A_234 = arith.index_cast %swap3A_233 : i32 to index
    %swap3A_235 = arith.constant 99968 : index
    %swap3A_236 = tpu.vector_load %arg9[%swap3A_234, %swap3A_235] {strides = array<i32>} : memref<1x100000xf32, #tpu.memory_space<vmem>>, vector<16xf32>,
    tpu.vector_store %arg9[%swap3A_234, %swap3A_235], %get3A_232 {strides = array<i32>} : memref<1x100000xf32, #tpu.memory_space<vmem>>, vector<16xf32>,
    %get3A_237 = arith.index_cast %add3A_229 : i32 to index
    %get3A_238 = arith.constant 16 : index
    %get3A_239 = tpu.vector_load %arg10[%get3A_237, %get3A_238] {strides = array<i32>} : memref<8x32xf32, #tpu.memory_space<vmem>>, vector<16xf32>,
    %swap3A_240 = arith.constant 0 : i32
    %swap3A_241 = arith.index_cast %swap3A_240 : i32 to index
    %swap3A_242 = arith.constant 99984 : index
    %swap3A_243 = tpu.vector_load %arg9[%swap3A_241, %swap3A_242] {strides = array<i32>} : memref<1x100000xf32, #tpu.memory_space<vmem>>, vector<16xf32>,
    tpu.vector_store %arg9[%swap3A_241, %swap3A_242], %get3A_239 {strides = array<i32>} : memref<1x100000xf32, #tpu.memory_space<vmem>>, vector<16xf32>,
    %dma_wait3A_244 = arith.constant 0 : i32
    %dma_wait3A_245 = arith.constant 0 : i32
    %dma_wait3A_246 = tpu.memref_slice %arg7[%dma_wait3A_244, %dma_wait3A_245] : memref<2x4096xi32, #tpu.memory_space<vmem>> -> memref<1x4096xi32, #tpu.memory_space<vmem>>
    %dma_wait3A_247 = tpu.memref_squeeze %dma_wait3A_246 : memref<1x4096xi32, #tpu.memory_space<vmem>> -> memref<4096xi32, #tpu.memory_space<vmem>>
    %dma_wait3A_248 = arith.constant 0 : i32
    %dma_wait3A_249 = tpu.memref_slice %arg3[%dma_wait3A_248] : memref<16384xi32, #tpu.memory_space<hbm>> -> memref<4096xi32, #tpu.memory_space<hbm>>
    %dma_wait3A_250 = arith.constant 0 : i32
    %dma_wait3A_251 = tpu.memref_slice %arg7[%dma_wait3A_244, %dma_wait3A_250] : memref<2x4096xi32, #tpu.memory_space<vmem>> -> memref<1x4096xi32, #tpu.memory_space<vmem>>
    %dma_wait3A_252 = tpu.memref_squeeze %dma_wait3A_251 : memref<1x4096xi32, #tpu.memory_space<vmem>> -> memref<4096xi32, #tpu.memory_space<vmem>>
    %dma_wait3A_253 = arith.constant 0 : i32
    %dma_wait3A_254 = tpu.memref_slice %arg3[%dma_wait3A_253] : memref<16384xi32, #tpu.memory_space<hbm>> -> memref<4096xi32, #tpu.memory_space<hbm>>
    tpu.wait_dma2 semaphore(%arg14 : memref<!tpu.dma_semaphore, #tpu.memory_space<semaphore_mem>>) src(%dma_wait3A_254 : memref<4096xi32, #tpu.memory_space<hbm>>) dst(%dma_wait3A_252 : memref<4096xi32, #tpu.memory_space<vmem>>)
    %dma_start3A_255 = arith.constant 1 : i32
    %dma_start3A_256 = arith.constant 0 : i32
    %dma_start3A_257 = tpu.memref_slice %arg7[%dma_start3A_255, %dma_start3A_256] : memref<2x4096xi32, #tpu.memory_space<vmem>> -> memref<1x4096xi32, #tpu.memory_space<vmem>>
    %dma_start3A_258 = tpu.memref_squeeze %dma_start3A_257 : memref<1x4096xi32, #tpu.memory_space<vmem>> -> memref<4096xi32, #tpu.memory_space<vmem>>
    %dma_start3A_259 = arith.constant 4096 : i32
    %dma_start3A_260 = tpu.memref_slice %arg3[%dma_start3A_259] : memref<16384xi32, #tpu.memory_space<hbm>> -> memref<4096xi32, #tpu.memory_space<hbm>>
    %dma_start3A_261 = arith.constant 0 : i32
    %dma_start3A_262 = tpu.memref_slice %arg7[%dma_start3A_255, %dma_start3A_261] : memref<2x4096xi32, #tpu.memory_space<vmem>> -> memref<1x4096xi32, #tpu.memory_space<vmem>>
    %dma_start3A_263 = tpu.memref_squeeze %dma_start3A_262 : memref<1x4096xi32, #tpu.memory_space<vmem>> -> memref<4096xi32, #tpu.memory_space<vmem>>
    %dma_start3A_264 = arith.constant 4096 : i32
    %dma_start3A_265 = tpu.memref_slice %arg3[%dma_start3A_264] : memref<16384xi32, #tpu.memory_space<hbm>> -> memref<4096xi32, #tpu.memory_space<hbm>>
    tpu.enqueue_dma source(%dma_start3A_265 : memref<4096xi32, #tpu.memory_space<hbm>>) target(%dma_start3A_263 : memref<4096xi32, #tpu.memory_space<vmem>>) target_semaphore(%arg14 : memref<!tpu.dma_semaphore, #tpu.memory_space<semaphore_mem>>)
    %scan3A_266 = arith.constant 0 : i32
    %scan3A_267 = arith.constant 256 : i32
    %scan3A_268 = arith.addi %scan3A_266, %scan3A_267 : i32
    %scan3A_269 = arith.constant 8 : i32
    %scan3A_270 = scf.for %scan3A_347 = %scan3A_266 to %scan3A_268 step %scan3A_269 iter_args(%scan3A_348 = %scan3A_188) -> (vector<16xf32>)  : i32 {
      %mul3A_349 = arith.constant 16 : i32
      %mul3A_350 = arith.muli %scan3A_347, %mul3A_349 : i32
      %get3A_351 = arith.constant 0 : i32
      %get3A_352 = arith.index_cast %get3A_351 : i32 to index
      %get3A_353 = arith.index_cast %mul3A_350 : i32 to index
      %get3A_354 = tpu.vector_load %arg7[%get3A_352, %get3A_353] {strides = array<i32>} : memref<2x4096xi32, #tpu.memory_space<vmem>>, vector<16xi32>,
      %gather3A = tpu.vector_load_idx %arg9[%broadcast_in_dim3A_26, %get3A_354] : memref<1x100000xf32, #tpu.memory_space<vmem>>[vector<16xi32>, vector<16xi32>], vector<16xf32>,
      %mul3A_355 = arith.constant 16 : i32
      %mul3A_356 = arith.muli %scan3A_347, %mul3A_355 : i32
      %add3A_357 = arith.constant 0 : i32
      %add3A_358 = arith.addi %add3A_357, %mul3A_356 : i32
      %get3A_359 = arith.constant 0 : i32
      %get3A_360 = arith.index_cast %get3A_359 : i32 to index
      %get3A_361 = arith.index_cast %add3A_358 : i32 to index
      %get3A_362 = tpu.vector_load %arg8[%get3A_360, %get3A_361] {strides = array<i32>} : memref<1x16384xf32, #tpu.memory_space<vmem>>, vector<16xf32>,
      %sub3A_363 = arith.subf %get3A_362, %gather3A : vector<16xf32>
      %mul3A_364 = arith.mulf %sub3A_363, %sub3A_363 : vector<16xf32>
      %add3A_365 = arith.addf %scan3A_348, %mul3A_364 : vector<16xf32>
      %scan3A_366 = arith.constant 1 : i32
      %scan3A_367 = arith.addi %scan3A_347, %scan3A_366 : i32
      %mul3A_368 = arith.constant 16 : i32
      %mul3A_369 = arith.muli %scan3A_367, %mul3A_368 : i32
      %get3A_370 = arith.constant 0 : i32
      %get3A_371 = arith.index_cast %get3A_370 : i32 to index
      %get3A_372 = arith.index_cast %mul3A_369 : i32 to index
      %get3A_373 = tpu.vector_load %arg7[%get3A_371, %get3A_372] {strides = array<i32>} : memref<2x4096xi32, #tpu.memory_space<vmem>>, vector<16xi32>,
      %gather3A_374 = tpu.vector_load_idx %arg9[%broadcast_in_dim3A_26, %get3A_373] : memref<1x100000xf32, #tpu.memory_space<vmem>>[vector<16xi32>, vector<16xi32>], vector<16xf32>,
      %mul3A_375 = arith.constant 16 : i32
      %mul3A_376 = arith.muli %scan3A_367, %mul3A_375 : i32
      %add3A_377 = arith.constant 0 : i32
      %add3A_378 = arith.addi %add3A_377, %mul3A_376 : i32
      %get3A_379 = arith.constant 0 : i32
      %get3A_380 = arith.index_cast %get3A_379 : i32 to index
      %get3A_381 = arith.index_cast %add3A_378 : i32 to index
      %get3A_382 = tpu.vector_load %arg8[%get3A_380, %get3A_381] {strides = array<i32>} : memref<1x16384xf32, #tpu.memory_space<vmem>>, vector<16xf32>,
      %sub3A_383 = arith.subf %get3A_382, %gather3A_374 : vector<16xf32>
      %mul3A_384 = arith.mulf %sub3A_383, %sub3A_383 : vector<16xf32>
      %add3A_385 = arith.addf %add3A_365, %mul3A_384 : vector<16xf32>
      %scan3A_386 = arith.constant 2 : i32
      %scan3A_387 = arith.addi %scan3A_347, %scan3A_386 : i32
      %mul3A_388 = arith.constant 16 : i32
      %mul3A_389 = arith.muli %scan3A_387, %mul3A_388 : i32
      %get3A_390 = arith.constant 0 : i32
      %get3A_391 = arith.index_cast %get3A_390 : i32 to index
      %get3A_392 = arith.index_cast %mul3A_389 : i32 to index
      %get3A_393 = tpu.vector_load %arg7[%get3A_391, %get3A_392] {strides = array<i32>} : memref<2x4096xi32, #tpu.memory_space<vmem>>, vector<16xi32>,
      %gather3A_394 = tpu.vector_load_idx %arg9[%broadcast_in_dim3A_26, %get3A_393] : memref<1x100000xf32, #tpu.memory_space<vmem>>[vector<16xi32>, vector<16xi32>], vector<16xf32>,
      %mul3A_395 = arith.constant 16 : i32
      %mul3A_396 = arith.muli %scan3A_387, %mul3A_395 : i32
      %add3A_397 = arith.constant 0 : i32
      %add3A_398 = arith.addi %add3A_397, %mul3A_396 : i32
      %get3A_399 = arith.constant 0 : i32
      %get3A_400 = arith.index_cast %get3A_399 : i32 to index
      %get3A_401 = arith.index_cast %add3A_398 : i32 to index
      %get3A_402 = tpu.vector_load %arg8[%get3A_400, %get3A_401] {strides = array<i32>} : memref<1x16384xf32, #tpu.memory_space<vmem>>, vector<16xf32>,
      %sub3A_403 = arith.subf %get3A_402, %gather3A_394 : vector<16xf32>
      %mul3A_404 = arith.mulf %sub3A_403, %sub3A_403 : vector<16xf32>
      %add3A_405 = arith.addf %add3A_385, %mul3A_404 : vector<16xf32>
      %scan3A_406 = arith.constant 3 : i32
      %scan3A_407 = arith.addi %scan3A_347, %scan3A_406 : i32
      %mul3A_408 = arith.constant 16 : i32
      %mul3A_409 = arith.muli %scan3A_407, %mul3A_408 : i32
      %get3A_410 = arith.constant 0 : i32
      %get3A_411 = arith.index_cast %get3A_410 : i32 to index
      %get3A_412 = arith.index_cast %mul3A_409 : i32 to index
      %get3A_413 = tpu.vector_load %arg7[%get3A_411, %get3A_412] {strides = array<i32>} : memref<2x4096xi32, #tpu.memory_space<vmem>>, vector<16xi32>,
      %gather3A_414 = tpu.vector_load_idx %arg9[%broadcast_in_dim3A_26, %get3A_413] : memref<1x100000xf32, #tpu.memory_space<vmem>>[vector<16xi32>, vector<16xi32>], vector<16xf32>,
      %mul3A_415 = arith.constant 16 : i32
      %mul3A_416 = arith.muli %scan3A_407, %mul3A_415 : i32
      %add3A_417 = arith.constant 0 : i32
      %add3A_418 = arith.addi %add3A_417, %mul3A_416 : i32
      %get3A_419 = arith.constant 0 : i32
      %get3A_420 = arith.index_cast %get3A_419 : i32 to index
      %get3A_421 = arith.index_cast %add3A_418 : i32 to index
      %get3A_422 = tpu.vector_load %arg8[%get3A_420, %get3A_421] {strides = array<i32>} : memref<1x16384xf32, #tpu.memory_space<vmem>>, vector<16xf32>,
      %sub3A_423 = arith.subf %get3A_422, %gather3A_414 : vector<16xf32>
      %mul3A_424 = arith.mulf %sub3A_423, %sub3A_423 : vector<16xf32>
      %add3A_425 = arith.addf %add3A_405, %mul3A_424 : vector<16xf32>
      %scan3A_426 = arith.constant 4 : i32
      %scan3A_427 = arith.addi %scan3A_347, %scan3A_426 : i32
      %mul3A_428 = arith.constant 16 : i32
      %mul3A_429 = arith.muli %scan3A_427, %mul3A_428 : i32
      %get3A_430 = arith.constant 0 : i32
      %get3A_431 = arith.index_cast %get3A_430 : i32 to index
      %get3A_432 = arith.index_cast %mul3A_429 : i32 to index
      %get3A_433 = tpu.vector_load %arg7[%get3A_431, %get3A_432] {strides = array<i32>} : memref<2x4096xi32, #tpu.memory_space<vmem>>, vector<16xi32>,
      %gather3A_434 = tpu.vector_load_idx %arg9[%broadcast_in_dim3A_26, %get3A_433] : memref<1x100000xf32, #tpu.memory_space<vmem>>[vector<16xi32>, vector<16xi32>], vector<16xf32>,
      %mul3A_435 = arith.constant 16 : i32
      %mul3A_436 = arith.muli %scan3A_427, %mul3A_435 : i32
      %add3A_437 = arith.constant 0 : i32
      %add3A_438 = arith.addi %add3A_437, %mul3A_436 : i32
      %get3A_439 = arith.constant 0 : i32
      %get3A_440 = arith.index_cast %get3A_439 : i32 to index
      %get3A_441 = arith.index_cast %add3A_438 : i32 to index
      %get3A_442 = tpu.vector_load %arg8[%get3A_440, %get3A_441] {strides = array<i32>} : memref<1x16384xf32, #tpu.memory_space<vmem>>, vector<16xf32>,
      %sub3A_443 = arith.subf %get3A_442, %gather3A_434 : vector<16xf32>
      %mul3A_444 = arith.mulf %sub3A_443, %sub3A_443 : vector<16xf32>
      %add3A_445 = arith.addf %add3A_425, %mul3A_444 : vector<16xf32>
      %scan3A_446 = arith.constant 5 : i32
      %scan3A_447 = arith.addi %scan3A_347, %scan3A_446 : i32
      %mul3A_448 = arith.constant 16 : i32
      %mul3A_449 = arith.muli %scan3A_447, %mul3A_448 : i32
      %get3A_450 = arith.constant 0 : i32
      %get3A_451 = arith.index_cast %get3A_450 : i32 to index
      %get3A_452 = arith.index_cast %mul3A_449 : i32 to index
      %get3A_453 = tpu.vector_load %arg7[%get3A_451, %get3A_452] {strides = array<i32>} : memref<2x4096xi32, #tpu.memory_space<vmem>>, vector<16xi32>,
      %gather3A_454 = tpu.vector_load_idx %arg9[%broadcast_in_dim3A_26, %get3A_453] : memref<1x100000xf32, #tpu.memory_space<vmem>>[vector<16xi32>, vector<16xi32>], vector<16xf32>,
      %mul3A_455 = arith.constant 16 : i32
      %mul3A_456 = arith.muli %scan3A_447, %mul3A_455 : i32
      %add3A_457 = arith.constant 0 : i32
      %add3A_458 = arith.addi %add3A_457, %mul3A_456 : i32
      %get3A_459 = arith.constant 0 : i32
      %get3A_460 = arith.index_cast %get3A_459 : i32 to index
      %get3A_461 = arith.index_cast %add3A_458 : i32 to index
      %get3A_462 = tpu.vector_load %arg8[%get3A_460, %get3A_461] {strides = array<i32>} : memref<1x16384xf32, #tpu.memory_space<vmem>>, vector<16xf32>,
      %sub3A_463 = arith.subf %get3A_462, %gather3A_454 : vector<16xf32>
      %mul3A_464 = arith.mulf %sub3A_463, %sub3A_463 : vector<16xf32>
      %add3A_465 = arith.addf %add3A_445, %mul3A_464 : vector<16xf32>
      %scan3A_466 = arith.constant 6 : i32
      %scan3A_467 = arith.addi %scan3A_347, %scan3A_466 : i32
      %mul3A_468 = arith.constant 16 : i32
      %mul3A_469 = arith.muli %scan3A_467, %mul3A_468 : i32
      %get3A_470 = arith.constant 0 : i32
      %get3A_471 = arith.index_cast %get3A_470 : i32 to index
      %get3A_472 = arith.index_cast %mul3A_469 : i32 to index
      %get3A_473 = tpu.vector_load %arg7[%get3A_471, %get3A_472] {strides = array<i32>} : memref<2x4096xi32, #tpu.memory_space<vmem>>, vector<16xi32>,
      %gather3A_474 = tpu.vector_load_idx %arg9[%broadcast_in_dim3A_26, %get3A_473] : memref<1x100000xf32, #tpu.memory_space<vmem>>[vector<16xi32>, vector<16xi32>], vector<16xf32>,
      %mul3A_475 = arith.constant 16 : i32
      %mul3A_476 = arith.muli %scan3A_467, %mul3A_475 : i32
      %add3A_477 = arith.constant 0 : i32
      %add3A_478 = arith.addi %add3A_477, %mul3A_476 : i32
      %get3A_479 = arith.constant 0 : i32
      %get3A_480 = arith.index_cast %get3A_479 : i32 to index
      %get3A_481 = arith.index_cast %add3A_478 : i32 to index
      %get3A_482 = tpu.vector_load %arg8[%get3A_480, %get3A_481] {strides = array<i32>} : memref<1x16384xf32, #tpu.memory_space<vmem>>, vector<16xf32>,
      %sub3A_483 = arith.subf %get3A_482, %gather3A_474 : vector<16xf32>
      %mul3A_484 = arith.mulf %sub3A_483, %sub3A_483 : vector<16xf32>
      %add3A_485 = arith.addf %add3A_465, %mul3A_484 : vector<16xf32>
      %scan3A_486 = arith.constant 7 : i32
      %scan3A_487 = arith.addi %scan3A_347, %scan3A_486 : i32
      %mul3A_488 = arith.constant 16 : i32
      %mul3A_489 = arith.muli %scan3A_487, %mul3A_488 : i32
      %get3A_490 = arith.constant 0 : i32
      %get3A_491 = arith.index_cast %get3A_490 : i32 to index
      %get3A_492 = arith.index_cast %mul3A_489 : i32 to index
      %get3A_493 = tpu.vector_load %arg7[%get3A_491, %get3A_492] {strides = array<i32>} : memref<2x4096xi32, #tpu.memory_space<vmem>>, vector<16xi32>,
      %gather3A_494 = tpu.vector_load_idx %arg9[%broadcast_in_dim3A_26, %get3A_493] : memref<1x100000xf32, #tpu.memory_space<vmem>>[vector<16xi32>, vector<16xi32>], vector<16xf32>,
      %mul3A_495 = arith.constant 16 : i32
      %mul3A_496 = arith.muli %scan3A_487, %mul3A_495 : i32
      %add3A_497 = arith.constant 0 : i32
      %add3A_498 = arith.addi %add3A_497, %mul3A_496 : i32
      %get3A_499 = arith.constant 0 : i32
      %get3A_500 = arith.index_cast %get3A_499 : i32 to index
      %get3A_501 = arith.index_cast %add3A_498 : i32 to index
      %get3A_502 = tpu.vector_load %arg8[%get3A_500, %get3A_501] {strides = array<i32>} : memref<1x16384xf32, #tpu.memory_space<vmem>>, vector<16xf32>,
      %sub3A_503 = arith.subf %get3A_502, %gather3A_494 : vector<16xf32>
      %mul3A_504 = arith.mulf %sub3A_503, %sub3A_503 : vector<16xf32>
      %add3A_505 = arith.addf %add3A_485, %mul3A_504 : vector<16xf32>
      scf.yield %add3A_505 : vector<16xf32>
    }
    %scan3A_271 = arith.constant 256 : i32
    %dma_wait3A_272 = arith.constant 1 : i32
    %dma_wait3A_273 = arith.constant 0 : i32
    %dma_wait3A_274 = tpu.memref_slice %arg7[%dma_wait3A_272, %dma_wait3A_273] : memref<2x4096xi32, #tpu.memory_space<vmem>> -> memref<1x4096xi32, #tpu.memory_space<vmem>>
    %dma_wait3A_275 = tpu.memref_squeeze %dma_wait3A_274 : memref<1x4096xi32, #tpu.memory_space<vmem>> -> memref<4096xi32, #tpu.memory_space<vmem>>
    %dma_wait3A_276 = arith.constant 4096 : i32
    %dma_wait3A_277 = tpu.memref_slice %arg3[%dma_wait3A_276] : memref<16384xi32, #tpu.memory_space<hbm>> -> memref<4096xi32, #tpu.memory_space<hbm>>
    %dma_wait3A_278 = arith.constant 0 : i32
    %dma_wait3A_279 = tpu.memref_slice %arg7[%dma_wait3A_272, %dma_wait3A_278] : memref<2x4096xi32, #tpu.memory_space<vmem>> -> memref<1x4096xi32, #tpu.memory_space<vmem>>
    %dma_wait3A_280 = tpu.memref_squeeze %dma_wait3A_279 : memref<1x4096xi32, #tpu.memory_space<vmem>> -> memref<4096xi32, #tpu.memory_space<vmem>>
    %dma_wait3A_281 = arith.constant 4096 : i32
    %dma_wait3A_282 = tpu.memref_slice %arg3[%dma_wait3A_281] : memref<16384xi32, #tpu.memory_space<hbm>> -> memref<4096xi32, #tpu.memory_space<hbm>>
    tpu.wait_dma2 semaphore(%arg14 : memref<!tpu.dma_semaphore, #tpu.memory_space<semaphore_mem>>) src(%dma_wait3A_282 : memref<4096xi32, #tpu.memory_space<hbm>>) dst(%dma_wait3A_280 : memref<4096xi32, #tpu.memory_space<vmem>>)
    %dma_start3A_283 = arith.constant 0 : i32
    %dma_start3A_284 = arith.constant 0 : i32
    %dma_start3A_285 = tpu.memref_slice %arg7[%dma_start3A_283, %dma_start3A_284] : memref<2x4096xi32, #tpu.memory_space<vmem>> -> memref<1x4096xi32, #tpu.memory_space<vmem>>
    %dma_start3A_286 = tpu.memref_squeeze %dma_start3A_285 : memref<1x4096xi32, #tpu.memory_space<vmem>> -> memref<4096xi32, #tpu.memory_space<vmem>>
    %dma_start3A_287 = arith.constant 8192 : i32
    %dma_start3A_288 = tpu.memref_slice %arg3[%dma_start3A_287] : memref<16384xi32, #tpu.memory_space<hbm>> -> memref<4096xi32, #tpu.memory_space<hbm>>
    %dma_start3A_289 = arith.constant 0 : i32
    %dma_start3A_290 = tpu.memref_slice %arg7[%dma_start3A_283, %dma_start3A_289] : memref<2x4096xi32, #tpu.memory_space<vmem>> -> memref<1x4096xi32, #tpu.memory_space<vmem>>
    %dma_start3A_291 = tpu.memref_squeeze %dma_start3A_290 : memref<1x4096xi32, #tpu.memory_space<vmem>> -> memref<4096xi32, #tpu.memory_space<vmem>>
    %dma_start3A_292 = arith.constant 8192 : i32
    %dma_start3A_293 = tpu.memref_slice %arg3[%dma_start3A_292] : memref<16384xi32, #tpu.memory_space<hbm>> -> memref<4096xi32, #tpu.memory_space<hbm>>
    tpu.enqueue_dma source(%dma_start3A_293 : memref<4096xi32, #tpu.memory_space<hbm>>) target(%dma_start3A_291 : memref<4096xi32, #tpu.memory_space<vmem>>) target_semaphore(%arg14 : memref<!tpu.dma_semaphore, #tpu.memory_space<semaphore_mem>>)
    %scan3A_294 = arith.constant 0 : i32
    %scan3A_295 = arith.constant 256 : i32
    %scan3A_296 = arith.addi %scan3A_294, %scan3A_295 : i32
    %scan3A_297 = arith.constant 8 : i32
    %scan3A_298 = scf.for %scan3A_347 = %scan3A_294 to %scan3A_296 step %scan3A_297 iter_args(%scan3A_348 = %scan3A_270) -> (vector<16xf32>)  : i32 {
      %mul3A_349 = arith.constant 16 : i32
      %mul3A_350 = arith.muli %scan3A_347, %mul3A_349 : i32
      %get3A_351 = arith.constant 1 : i32
      %get3A_352 = arith.index_cast %get3A_351 : i32 to index
      %get3A_353 = arith.index_cast %mul3A_350 : i32 to index
      %get3A_354 = tpu.vector_load %arg7[%get3A_352, %get3A_353] {strides = array<i32>} : memref<2x4096xi32, #tpu.memory_space<vmem>>, vector<16xi32>,
      %gather3A = tpu.vector_load_idx %arg9[%broadcast_in_dim3A_26, %get3A_354] : memref<1x100000xf32, #tpu.memory_space<vmem>>[vector<16xi32>, vector<16xi32>], vector<16xf32>,
      %mul3A_355 = arith.constant 16 : i32
      %mul3A_356 = arith.muli %scan3A_347, %mul3A_355 : i32
      %add3A_357 = arith.constant 4096 : i32
      %add3A_358 = arith.addi %add3A_357, %mul3A_356 : i32
      %get3A_359 = arith.constant 0 : i32
      %get3A_360 = arith.index_cast %get3A_359 : i32 to index
      %get3A_361 = arith.index_cast %add3A_358 : i32 to index
      %get3A_362 = tpu.vector_load %arg8[%get3A_360, %get3A_361] {strides = array<i32>} : memref<1x16384xf32, #tpu.memory_space<vmem>>, vector<16xf32>,
      %sub3A_363 = arith.subf %get3A_362, %gather3A : vector<16xf32>
      %mul3A_364 = arith.mulf %sub3A_363, %sub3A_363 : vector<16xf32>
      %add3A_365 = arith.addf %scan3A_348, %mul3A_364 : vector<16xf32>
      %scan3A_366 = arith.constant 1 : i32
      %scan3A_367 = arith.addi %scan3A_347, %scan3A_366 : i32
      %mul3A_368 = arith.constant 16 : i32
      %mul3A_369 = arith.muli %scan3A_367, %mul3A_368 : i32
      %get3A_370 = arith.constant 1 : i32
      %get3A_371 = arith.index_cast %get3A_370 : i32 to index
      %get3A_372 = arith.index_cast %mul3A_369 : i32 to index
      %get3A_373 = tpu.vector_load %arg7[%get3A_371, %get3A_372] {strides = array<i32>} : memref<2x4096xi32, #tpu.memory_space<vmem>>, vector<16xi32>,
      %gather3A_374 = tpu.vector_load_idx %arg9[%broadcast_in_dim3A_26, %get3A_373] : memref<1x100000xf32, #tpu.memory_space<vmem>>[vector<16xi32>, vector<16xi32>], vector<16xf32>,
      %mul3A_375 = arith.constant 16 : i32
      %mul3A_376 = arith.muli %scan3A_367, %mul3A_375 : i32
      %add3A_377 = arith.constant 4096 : i32
      %add3A_378 = arith.addi %add3A_377, %mul3A_376 : i32
      %get3A_379 = arith.constant 0 : i32
      %get3A_380 = arith.index_cast %get3A_379 : i32 to index
      %get3A_381 = arith.index_cast %add3A_378 : i32 to index
      %get3A_382 = tpu.vector_load %arg8[%get3A_380, %get3A_381] {strides = array<i32>} : memref<1x16384xf32, #tpu.memory_space<vmem>>, vector<16xf32>,
      %sub3A_383 = arith.subf %get3A_382, %gather3A_374 : vector<16xf32>
      %mul3A_384 = arith.mulf %sub3A_383, %sub3A_383 : vector<16xf32>
      %add3A_385 = arith.addf %add3A_365, %mul3A_384 : vector<16xf32>
      %scan3A_386 = arith.constant 2 : i32
      %scan3A_387 = arith.addi %scan3A_347, %scan3A_386 : i32
      %mul3A_388 = arith.constant 16 : i32
      %mul3A_389 = arith.muli %scan3A_387, %mul3A_388 : i32
      %get3A_390 = arith.constant 1 : i32
      %get3A_391 = arith.index_cast %get3A_390 : i32 to index
      %get3A_392 = arith.index_cast %mul3A_389 : i32 to index
      %get3A_393 = tpu.vector_load %arg7[%get3A_391, %get3A_392] {strides = array<i32>} : memref<2x4096xi32, #tpu.memory_space<vmem>>, vector<16xi32>,
      %gather3A_394 = tpu.vector_load_idx %arg9[%broadcast_in_dim3A_26, %get3A_393] : memref<1x100000xf32, #tpu.memory_space<vmem>>[vector<16xi32>, vector<16xi32>], vector<16xf32>,
      %mul3A_395 = arith.constant 16 : i32
      %mul3A_396 = arith.muli %scan3A_387, %mul3A_395 : i32
      %add3A_397 = arith.constant 4096 : i32
      %add3A_398 = arith.addi %add3A_397, %mul3A_396 : i32
      %get3A_399 = arith.constant 0 : i32
      %get3A_400 = arith.index_cast %get3A_399 : i32 to index
      %get3A_401 = arith.index_cast %add3A_398 : i32 to index
      %get3A_402 = tpu.vector_load %arg8[%get3A_400, %get3A_401] {strides = array<i32>} : memref<1x16384xf32, #tpu.memory_space<vmem>>, vector<16xf32>,
      %sub3A_403 = arith.subf %get3A_402, %gather3A_394 : vector<16xf32>
      %mul3A_404 = arith.mulf %sub3A_403, %sub3A_403 : vector<16xf32>
      %add3A_405 = arith.addf %add3A_385, %mul3A_404 : vector<16xf32>
      %scan3A_406 = arith.constant 3 : i32
      %scan3A_407 = arith.addi %scan3A_347, %scan3A_406 : i32
      %mul3A_408 = arith.constant 16 : i32
      %mul3A_409 = arith.muli %scan3A_407, %mul3A_408 : i32
      %get3A_410 = arith.constant 1 : i32
      %get3A_411 = arith.index_cast %get3A_410 : i32 to index
      %get3A_412 = arith.index_cast %mul3A_409 : i32 to index
      %get3A_413 = tpu.vector_load %arg7[%get3A_411, %get3A_412] {strides = array<i32>} : memref<2x4096xi32, #tpu.memory_space<vmem>>, vector<16xi32>,
      %gather3A_414 = tpu.vector_load_idx %arg9[%broadcast_in_dim3A_26, %get3A_413] : memref<1x100000xf32, #tpu.memory_space<vmem>>[vector<16xi32>, vector<16xi32>], vector<16xf32>,
      %mul3A_415 = arith.constant 16 : i32
      %mul3A_416 = arith.muli %scan3A_407, %mul3A_415 : i32
      %add3A_417 = arith.constant 4096 : i32
      %add3A_418 = arith.addi %add3A_417, %mul3A_416 : i32
      %get3A_419 = arith.constant 0 : i32
      %get3A_420 = arith.index_cast %get3A_419 : i32 to index
      %get3A_421 = arith.index_cast %add3A_418 : i32 to index
      %get3A_422 = tpu.vector_load %arg8[%get3A_420, %get3A_421] {strides = array<i32>} : memref<1x16384xf32, #tpu.memory_space<vmem>>, vector<16xf32>,
      %sub3A_423 = arith.subf %get3A_422, %gather3A_414 : vector<16xf32>
      %mul3A_424 = arith.mulf %sub3A_423, %sub3A_423 : vector<16xf32>
      %add3A_425 = arith.addf %add3A_405, %mul3A_424 : vector<16xf32>
      %scan3A_426 = arith.constant 4 : i32
      %scan3A_427 = arith.addi %scan3A_347, %scan3A_426 : i32
      %mul3A_428 = arith.constant 16 : i32
      %mul3A_429 = arith.muli %scan3A_427, %mul3A_428 : i32
      %get3A_430 = arith.constant 1 : i32
      %get3A_431 = arith.index_cast %get3A_430 : i32 to index
      %get3A_432 = arith.index_cast %mul3A_429 : i32 to index
      %get3A_433 = tpu.vector_load %arg7[%get3A_431, %get3A_432] {strides = array<i32>} : memref<2x4096xi32, #tpu.memory_space<vmem>>, vector<16xi32>,
      %gather3A_434 = tpu.vector_load_idx %arg9[%broadcast_in_dim3A_26, %get3A_433] : memref<1x100000xf32, #tpu.memory_space<vmem>>[vector<16xi32>, vector<16xi32>], vector<16xf32>,
      %mul3A_435 = arith.constant 16 : i32
      %mul3A_436 = arith.muli %scan3A_427, %mul3A_435 : i32
      %add3A_437 = arith.constant 4096 : i32
      %add3A_438 = arith.addi %add3A_437, %mul3A_436 : i32
      %get3A_439 = arith.constant 0 : i32
      %get3A_440 = arith.index_cast %get3A_439 : i32 to index
      %get3A_441 = arith.index_cast %add3A_438 : i32 to index
      %get3A_442 = tpu.vector_load %arg8[%get3A_440, %get3A_441] {strides = array<i32>} : memref<1x16384xf32, #tpu.memory_space<vmem>>, vector<16xf32>,
      %sub3A_443 = arith.subf %get3A_442, %gather3A_434 : vector<16xf32>
      %mul3A_444 = arith.mulf %sub3A_443, %sub3A_443 : vector<16xf32>
      %add3A_445 = arith.addf %add3A_425, %mul3A_444 : vector<16xf32>
      %scan3A_446 = arith.constant 5 : i32
      %scan3A_447 = arith.addi %scan3A_347, %scan3A_446 : i32
      %mul3A_448 = arith.constant 16 : i32
      %mul3A_449 = arith.muli %scan3A_447, %mul3A_448 : i32
      %get3A_450 = arith.constant 1 : i32
      %get3A_451 = arith.index_cast %get3A_450 : i32 to index
      %get3A_452 = arith.index_cast %mul3A_449 : i32 to index
      %get3A_453 = tpu.vector_load %arg7[%get3A_451, %get3A_452] {strides = array<i32>} : memref<2x4096xi32, #tpu.memory_space<vmem>>, vector<16xi32>,
      %gather3A_454 = tpu.vector_load_idx %arg9[%broadcast_in_dim3A_26, %get3A_453] : memref<1x100000xf32, #tpu.memory_space<vmem>>[vector<16xi32>, vector<16xi32>], vector<16xf32>,
      %mul3A_455 = arith.constant 16 : i32
      %mul3A_456 = arith.muli %scan3A_447, %mul3A_455 : i32
      %add3A_457 = arith.constant 4096 : i32
      %add3A_458 = arith.addi %add3A_457, %mul3A_456 : i32
      %get3A_459 = arith.constant 0 : i32
      %get3A_460 = arith.index_cast %get3A_459 : i32 to index
      %get3A_461 = arith.index_cast %add3A_458 : i32 to index
      %get3A_462 = tpu.vector_load %arg8[%get3A_460, %get3A_461] {strides = array<i32>} : memref<1x16384xf32, #tpu.memory_space<vmem>>, vector<16xf32>,
      %sub3A_463 = arith.subf %get3A_462, %gather3A_454 : vector<16xf32>
      %mul3A_464 = arith.mulf %sub3A_463, %sub3A_463 : vector<16xf32>
      %add3A_465 = arith.addf %add3A_445, %mul3A_464 : vector<16xf32>
      %scan3A_466 = arith.constant 6 : i32
      %scan3A_467 = arith.addi %scan3A_347, %scan3A_466 : i32
      %mul3A_468 = arith.constant 16 : i32
      %mul3A_469 = arith.muli %scan3A_467, %mul3A_468 : i32
      %get3A_470 = arith.constant 1 : i32
      %get3A_471 = arith.index_cast %get3A_470 : i32 to index
      %get3A_472 = arith.index_cast %mul3A_469 : i32 to index
      %get3A_473 = tpu.vector_load %arg7[%get3A_471, %get3A_472] {strides = array<i32>} : memref<2x4096xi32, #tpu.memory_space<vmem>>, vector<16xi32>,
      %gather3A_474 = tpu.vector_load_idx %arg9[%broadcast_in_dim3A_26, %get3A_473] : memref<1x100000xf32, #tpu.memory_space<vmem>>[vector<16xi32>, vector<16xi32>], vector<16xf32>,
      %mul3A_475 = arith.constant 16 : i32
      %mul3A_476 = arith.muli %scan3A_467, %mul3A_475 : i32
      %add3A_477 = arith.constant 4096 : i32
      %add3A_478 = arith.addi %add3A_477, %mul3A_476 : i32
      %get3A_479 = arith.constant 0 : i32
      %get3A_480 = arith.index_cast %get3A_479 : i32 to index
      %get3A_481 = arith.index_cast %add3A_478 : i32 to index
      %get3A_482 = tpu.vector_load %arg8[%get3A_480, %get3A_481] {strides = array<i32>} : memref<1x16384xf32, #tpu.memory_space<vmem>>, vector<16xf32>,
      %sub3A_483 = arith.subf %get3A_482, %gather3A_474 : vector<16xf32>
      %mul3A_484 = arith.mulf %sub3A_483, %sub3A_483 : vector<16xf32>
      %add3A_485 = arith.addf %add3A_465, %mul3A_484 : vector<16xf32>
      %scan3A_486 = arith.constant 7 : i32
      %scan3A_487 = arith.addi %scan3A_347, %scan3A_486 : i32
      %mul3A_488 = arith.constant 16 : i32
      %mul3A_489 = arith.muli %scan3A_487, %mul3A_488 : i32
      %get3A_490 = arith.constant 1 : i32
      %get3A_491 = arith.index_cast %get3A_490 : i32 to index
      %get3A_492 = arith.index_cast %mul3A_489 : i32 to index
      %get3A_493 = tpu.vector_load %arg7[%get3A_491, %get3A_492] {strides = array<i32>} : memref<2x4096xi32, #tpu.memory_space<vmem>>, vector<16xi32>,
      %gather3A_494 = tpu.vector_load_idx %arg9[%broadcast_in_dim3A_26, %get3A_493] : memref<1x100000xf32, #tpu.memory_space<vmem>>[vector<16xi32>, vector<16xi32>], vector<16xf32>,
      %mul3A_495 = arith.constant 16 : i32
      %mul3A_496 = arith.muli %scan3A_487, %mul3A_495 : i32
      %add3A_497 = arith.constant 4096 : i32
      %add3A_498 = arith.addi %add3A_497, %mul3A_496 : i32
      %get3A_499 = arith.constant 0 : i32
      %get3A_500 = arith.index_cast %get3A_499 : i32 to index
      %get3A_501 = arith.index_cast %add3A_498 : i32 to index
      %get3A_502 = tpu.vector_load %arg8[%get3A_500, %get3A_501] {strides = array<i32>} : memref<1x16384xf32, #tpu.memory_space<vmem>>, vector<16xf32>,
      %sub3A_503 = arith.subf %get3A_502, %gather3A_494 : vector<16xf32>
      %mul3A_504 = arith.mulf %sub3A_503, %sub3A_503 : vector<16xf32>
      %add3A_505 = arith.addf %add3A_485, %mul3A_504 : vector<16xf32>
      scf.yield %add3A_505 : vector<16xf32>
    }
    %scan3A_299 = arith.constant 256 : i32
    %dma_wait3A_300 = arith.constant 0 : i32
    %dma_wait3A_301 = arith.constant 0 : i32
    %dma_wait3A_302 = tpu.memref_slice %arg7[%dma_wait3A_300, %dma_wait3A_301] : memref<2x4096xi32, #tpu.memory_space<vmem>> -> memref<1x4096xi32, #tpu.memory_space<vmem>>
    %dma_wait3A_303 = tpu.memref_squeeze %dma_wait3A_302 : memref<1x4096xi32, #tpu.memory_space<vmem>> -> memref<4096xi32, #tpu.memory_space<vmem>>
    %dma_wait3A_304 = arith.constant 8192 : i32
    %dma_wait3A_305 = tpu.memref_slice %arg3[%dma_wait3A_304] : memref<16384xi32, #tpu.memory_space<hbm>> -> memref<4096xi32, #tpu.memory_space<hbm>>
    %dma_wait3A_306 = arith.constant 0 : i32
    %dma_wait3A_307 = tpu.memref_slice %arg7[%dma_wait3A_300, %dma_wait3A_306] : memref<2x4096xi32, #tpu.memory_space<vmem>> -> memref<1x4096xi32, #tpu.memory_space<vmem>>
    %dma_wait3A_308 = tpu.memref_squeeze %dma_wait3A_307 : memref<1x4096xi32, #tpu.memory_space<vmem>> -> memref<4096xi32, #tpu.memory_space<vmem>>
    %dma_wait3A_309 = arith.constant 8192 : i32
    %dma_wait3A_310 = tpu.memref_slice %arg3[%dma_wait3A_309] : memref<16384xi32, #tpu.memory_space<hbm>> -> memref<4096xi32, #tpu.memory_space<hbm>>
    tpu.wait_dma2 semaphore(%arg14 : memref<!tpu.dma_semaphore, #tpu.memory_space<semaphore_mem>>) src(%dma_wait3A_310 : memref<4096xi32, #tpu.memory_space<hbm>>) dst(%dma_wait3A_308 : memref<4096xi32, #tpu.memory_space<vmem>>)
    %dma_start3A_311 = arith.constant 1 : i32
    %dma_start3A_312 = arith.constant 0 : i32
    %dma_start3A_313 = tpu.memref_slice %arg7[%dma_start3A_311, %dma_start3A_312] : memref<2x4096xi32, #tpu.memory_space<vmem>> -> memref<1x4096xi32, #tpu.memory_space<vmem>>
    %dma_start3A_314 = tpu.memref_squeeze %dma_start3A_313 : memref<1x4096xi32, #tpu.memory_space<vmem>> -> memref<4096xi32, #tpu.memory_space<vmem>>
    %dma_start3A_315 = arith.constant 12288 : i32
    %dma_start3A_316 = tpu.memref_slice %arg3[%dma_start3A_315] : memref<16384xi32, #tpu.memory_space<hbm>> -> memref<4096xi32, #tpu.memory_space<hbm>>
    %dma_start3A_317 = arith.constant 0 : i32
    %dma_start3A_318 = tpu.memref_slice %arg7[%dma_start3A_311, %dma_start3A_317] : memref<2x4096xi32, #tpu.memory_space<vmem>> -> memref<1x4096xi32, #tpu.memory_space<vmem>>
    %dma_start3A_319 = tpu.memref_squeeze %dma_start3A_318 : memref<1x4096xi32, #tpu.memory_space<vmem>> -> memref<4096xi32, #tpu.memory_space<vmem>>
    %dma_start3A_320 = arith.constant 12288 : i32
    %dma_start3A_321 = tpu.memref_slice %arg3[%dma_start3A_320] : memref<16384xi32, #tpu.memory_space<hbm>> -> memref<4096xi32, #tpu.memory_space<hbm>>
    tpu.enqueue_dma source(%dma_start3A_321 : memref<4096xi32, #tpu.memory_space<hbm>>) target(%dma_start3A_319 : memref<4096xi32, #tpu.memory_space<vmem>>) target_semaphore(%arg14 : memref<!tpu.dma_semaphore, #tpu.memory_space<semaphore_mem>>)
    %scan3A_322 = arith.constant 0 : i32
    %scan3A_323 = arith.constant 256 : i32
    %scan3A_324 = arith.addi %scan3A_322, %scan3A_323 : i32
    %scan3A_325 = arith.constant 8 : i32
    %scan3A_326 = scf.for %scan3A_347 = %scan3A_322 to %scan3A_324 step %scan3A_325 iter_args(%scan3A_348 = %scan3A_298) -> (vector<16xf32>)  : i32 {
      %mul3A_349 = arith.constant 16 : i32
      %mul3A_350 = arith.muli %scan3A_347, %mul3A_349 : i32
      %get3A_351 = arith.constant 0 : i32
      %get3A_352 = arith.index_cast %get3A_351 : i32 to index
      %get3A_353 = arith.index_cast %mul3A_350 : i32 to index
      %get3A_354 = tpu.vector_load %arg7[%get3A_352, %get3A_353] {strides = array<i32>} : memref<2x4096xi32, #tpu.memory_space<vmem>>, vector<16xi32>,
      %gather3A = tpu.vector_load_idx %arg9[%broadcast_in_dim3A_26, %get3A_354] : memref<1x100000xf32, #tpu.memory_space<vmem>>[vector<16xi32>, vector<16xi32>], vector<16xf32>,
      %mul3A_355 = arith.constant 16 : i32
      %mul3A_356 = arith.muli %scan3A_347, %mul3A_355 : i32
      %add3A_357 = arith.constant 8192 : i32
      %add3A_358 = arith.addi %add3A_357, %mul3A_356 : i32
      %get3A_359 = arith.constant 0 : i32
      %get3A_360 = arith.index_cast %get3A_359 : i32 to index
      %get3A_361 = arith.index_cast %add3A_358 : i32 to index
      %get3A_362 = tpu.vector_load %arg8[%get3A_360, %get3A_361] {strides = array<i32>} : memref<1x16384xf32, #tpu.memory_space<vmem>>, vector<16xf32>,
      %sub3A_363 = arith.subf %get3A_362, %gather3A : vector<16xf32>
      %mul3A_364 = arith.mulf %sub3A_363, %sub3A_363 : vector<16xf32>
      %add3A_365 = arith.addf %scan3A_348, %mul3A_364 : vector<16xf32>
      %scan3A_366 = arith.constant 1 : i32
      %scan3A_367 = arith.addi %scan3A_347, %scan3A_366 : i32
      %mul3A_368 = arith.constant 16 : i32
      %mul3A_369 = arith.muli %scan3A_367, %mul3A_368 : i32
      %get3A_370 = arith.constant 0 : i32
      %get3A_371 = arith.index_cast %get3A_370 : i32 to index
      %get3A_372 = arith.index_cast %mul3A_369 : i32 to index
      %get3A_373 = tpu.vector_load %arg7[%get3A_371, %get3A_372] {strides = array<i32>} : memref<2x4096xi32, #tpu.memory_space<vmem>>, vector<16xi32>,
      %gather3A_374 = tpu.vector_load_idx %arg9[%broadcast_in_dim3A_26, %get3A_373] : memref<1x100000xf32, #tpu.memory_space<vmem>>[vector<16xi32>, vector<16xi32>], vector<16xf32>,
      %mul3A_375 = arith.constant 16 : i32
      %mul3A_376 = arith.muli %scan3A_367, %mul3A_375 : i32
      %add3A_377 = arith.constant 8192 : i32
      %add3A_378 = arith.addi %add3A_377, %mul3A_376 : i32
      %get3A_379 = arith.constant 0 : i32
      %get3A_380 = arith.index_cast %get3A_379 : i32 to index
      %get3A_381 = arith.index_cast %add3A_378 : i32 to index
      %get3A_382 = tpu.vector_load %arg8[%get3A_380, %get3A_381] {strides = array<i32>} : memref<1x16384xf32, #tpu.memory_space<vmem>>, vector<16xf32>,
      %sub3A_383 = arith.subf %get3A_382, %gather3A_374 : vector<16xf32>
      %mul3A_384 = arith.mulf %sub3A_383, %sub3A_383 : vector<16xf32>
      %add3A_385 = arith.addf %add3A_365, %mul3A_384 : vector<16xf32>
      %scan3A_386 = arith.constant 2 : i32
      %scan3A_387 = arith.addi %scan3A_347, %scan3A_386 : i32
      %mul3A_388 = arith.constant 16 : i32
      %mul3A_389 = arith.muli %scan3A_387, %mul3A_388 : i32
      %get3A_390 = arith.constant 0 : i32
      %get3A_391 = arith.index_cast %get3A_390 : i32 to index
      %get3A_392 = arith.index_cast %mul3A_389 : i32 to index
      %get3A_393 = tpu.vector_load %arg7[%get3A_391, %get3A_392] {strides = array<i32>} : memref<2x4096xi32, #tpu.memory_space<vmem>>, vector<16xi32>,
      %gather3A_394 = tpu.vector_load_idx %arg9[%broadcast_in_dim3A_26, %get3A_393] : memref<1x100000xf32, #tpu.memory_space<vmem>>[vector<16xi32>, vector<16xi32>], vector<16xf32>,
      %mul3A_395 = arith.constant 16 : i32
      %mul3A_396 = arith.muli %scan3A_387, %mul3A_395 : i32
      %add3A_397 = arith.constant 8192 : i32
      %add3A_398 = arith.addi %add3A_397, %mul3A_396 : i32
      %get3A_399 = arith.constant 0 : i32
      %get3A_400 = arith.index_cast %get3A_399 : i32 to index
      %get3A_401 = arith.index_cast %add3A_398 : i32 to index
      %get3A_402 = tpu.vector_load %arg8[%get3A_400, %get3A_401] {strides = array<i32>} : memref<1x16384xf32, #tpu.memory_space<vmem>>, vector<16xf32>,
      %sub3A_403 = arith.subf %get3A_402, %gather3A_394 : vector<16xf32>
      %mul3A_404 = arith.mulf %sub3A_403, %sub3A_403 : vector<16xf32>
      %add3A_405 = arith.addf %add3A_385, %mul3A_404 : vector<16xf32>
      %scan3A_406 = arith.constant 3 : i32
      %scan3A_407 = arith.addi %scan3A_347, %scan3A_406 : i32
      %mul3A_408 = arith.constant 16 : i32
      %mul3A_409 = arith.muli %scan3A_407, %mul3A_408 : i32
      %get3A_410 = arith.constant 0 : i32
      %get3A_411 = arith.index_cast %get3A_410 : i32 to index
      %get3A_412 = arith.index_cast %mul3A_409 : i32 to index
      %get3A_413 = tpu.vector_load %arg7[%get3A_411, %get3A_412] {strides = array<i32>} : memref<2x4096xi32, #tpu.memory_space<vmem>>, vector<16xi32>,
      %gather3A_414 = tpu.vector_load_idx %arg9[%broadcast_in_dim3A_26, %get3A_413] : memref<1x100000xf32, #tpu.memory_space<vmem>>[vector<16xi32>, vector<16xi32>], vector<16xf32>,
      %mul3A_415 = arith.constant 16 : i32
      %mul3A_416 = arith.muli %scan3A_407, %mul3A_415 : i32
      %add3A_417 = arith.constant 8192 : i32
      %add3A_418 = arith.addi %add3A_417, %mul3A_416 : i32
      %get3A_419 = arith.constant 0 : i32
      %get3A_420 = arith.index_cast %get3A_419 : i32 to index
      %get3A_421 = arith.index_cast %add3A_418 : i32 to index
      %get3A_422 = tpu.vector_load %arg8[%get3A_420, %get3A_421] {strides = array<i32>} : memref<1x16384xf32, #tpu.memory_space<vmem>>, vector<16xf32>,
      %sub3A_423 = arith.subf %get3A_422, %gather3A_414 : vector<16xf32>
      %mul3A_424 = arith.mulf %sub3A_423, %sub3A_423 : vector<16xf32>
      %add3A_425 = arith.addf %add3A_405, %mul3A_424 : vector<16xf32>
      %scan3A_426 = arith.constant 4 : i32
      %scan3A_427 = arith.addi %scan3A_347, %scan3A_426 : i32
      %mul3A_428 = arith.constant 16 : i32
      %mul3A_429 = arith.muli %scan3A_427, %mul3A_428 : i32
      %get3A_430 = arith.constant 0 : i32
      %get3A_431 = arith.index_cast %get3A_430 : i32 to index
      %get3A_432 = arith.index_cast %mul3A_429 : i32 to index
      %get3A_433 = tpu.vector_load %arg7[%get3A_431, %get3A_432] {strides = array<i32>} : memref<2x4096xi32, #tpu.memory_space<vmem>>, vector<16xi32>,
      %gather3A_434 = tpu.vector_load_idx %arg9[%broadcast_in_dim3A_26, %get3A_433] : memref<1x100000xf32, #tpu.memory_space<vmem>>[vector<16xi32>, vector<16xi32>], vector<16xf32>,
      %mul3A_435 = arith.constant 16 : i32
      %mul3A_436 = arith.muli %scan3A_427, %mul3A_435 : i32
      %add3A_437 = arith.constant 8192 : i32
      %add3A_438 = arith.addi %add3A_437, %mul3A_436 : i32
      %get3A_439 = arith.constant 0 : i32
      %get3A_440 = arith.index_cast %get3A_439 : i32 to index
      %get3A_441 = arith.index_cast %add3A_438 : i32 to index
      %get3A_442 = tpu.vector_load %arg8[%get3A_440, %get3A_441] {strides = array<i32>} : memref<1x16384xf32, #tpu.memory_space<vmem>>, vector<16xf32>,
      %sub3A_443 = arith.subf %get3A_442, %gather3A_434 : vector<16xf32>
      %mul3A_444 = arith.mulf %sub3A_443, %sub3A_443 : vector<16xf32>
      %add3A_445 = arith.addf %add3A_425, %mul3A_444 : vector<16xf32>
      %scan3A_446 = arith.constant 5 : i32
      %scan3A_447 = arith.addi %scan3A_347, %scan3A_446 : i32
      %mul3A_448 = arith.constant 16 : i32
      %mul3A_449 = arith.muli %scan3A_447, %mul3A_448 : i32
      %get3A_450 = arith.constant 0 : i32
      %get3A_451 = arith.index_cast %get3A_450 : i32 to index
      %get3A_452 = arith.index_cast %mul3A_449 : i32 to index
      %get3A_453 = tpu.vector_load %arg7[%get3A_451, %get3A_452] {strides = array<i32>} : memref<2x4096xi32, #tpu.memory_space<vmem>>, vector<16xi32>,
      %gather3A_454 = tpu.vector_load_idx %arg9[%broadcast_in_dim3A_26, %get3A_453] : memref<1x100000xf32, #tpu.memory_space<vmem>>[vector<16xi32>, vector<16xi32>], vector<16xf32>,
      %mul3A_455 = arith.constant 16 : i32
      %mul3A_456 = arith.muli %scan3A_447, %mul3A_455 : i32
      %add3A_457 = arith.constant 8192 : i32
      %add3A_458 = arith.addi %add3A_457, %mul3A_456 : i32
      %get3A_459 = arith.constant 0 : i32
      %get3A_460 = arith.index_cast %get3A_459 : i32 to index
      %get3A_461 = arith.index_cast %add3A_458 : i32 to index
      %get3A_462 = tpu.vector_load %arg8[%get3A_460, %get3A_461] {strides = array<i32>} : memref<1x16384xf32, #tpu.memory_space<vmem>>, vector<16xf32>,
      %sub3A_463 = arith.subf %get3A_462, %gather3A_454 : vector<16xf32>
      %mul3A_464 = arith.mulf %sub3A_463, %sub3A_463 : vector<16xf32>
      %add3A_465 = arith.addf %add3A_445, %mul3A_464 : vector<16xf32>
      %scan3A_466 = arith.constant 6 : i32
      %scan3A_467 = arith.addi %scan3A_347, %scan3A_466 : i32
      %mul3A_468 = arith.constant 16 : i32
      %mul3A_469 = arith.muli %scan3A_467, %mul3A_468 : i32
      %get3A_470 = arith.constant 0 : i32
      %get3A_471 = arith.index_cast %get3A_470 : i32 to index
      %get3A_472 = arith.index_cast %mul3A_469 : i32 to index
      %get3A_473 = tpu.vector_load %arg7[%get3A_471, %get3A_472] {strides = array<i32>} : memref<2x4096xi32, #tpu.memory_space<vmem>>, vector<16xi32>,
      %gather3A_474 = tpu.vector_load_idx %arg9[%broadcast_in_dim3A_26, %get3A_473] : memref<1x100000xf32, #tpu.memory_space<vmem>>[vector<16xi32>, vector<16xi32>], vector<16xf32>,
      %mul3A_475 = arith.constant 16 : i32
      %mul3A_476 = arith.muli %scan3A_467, %mul3A_475 : i32
      %add3A_477 = arith.constant 8192 : i32
      %add3A_478 = arith.addi %add3A_477, %mul3A_476 : i32
      %get3A_479 = arith.constant 0 : i32
      %get3A_480 = arith.index_cast %get3A_479 : i32 to index
      %get3A_481 = arith.index_cast %add3A_478 : i32 to index
      %get3A_482 = tpu.vector_load %arg8[%get3A_480, %get3A_481] {strides = array<i32>} : memref<1x16384xf32, #tpu.memory_space<vmem>>, vector<16xf32>,
      %sub3A_483 = arith.subf %get3A_482, %gather3A_474 : vector<16xf32>
      %mul3A_484 = arith.mulf %sub3A_483, %sub3A_483 : vector<16xf32>
      %add3A_485 = arith.addf %add3A_465, %mul3A_484 : vector<16xf32>
      %scan3A_486 = arith.constant 7 : i32
      %scan3A_487 = arith.addi %scan3A_347, %scan3A_486 : i32
      %mul3A_488 = arith.constant 16 : i32
      %mul3A_489 = arith.muli %scan3A_487, %mul3A_488 : i32
      %get3A_490 = arith.constant 0 : i32
      %get3A_491 = arith.index_cast %get3A_490 : i32 to index
      %get3A_492 = arith.index_cast %mul3A_489 : i32 to index
      %get3A_493 = tpu.vector_load %arg7[%get3A_491, %get3A_492] {strides = array<i32>} : memref<2x4096xi32, #tpu.memory_space<vmem>>, vector<16xi32>,
      %gather3A_494 = tpu.vector_load_idx %arg9[%broadcast_in_dim3A_26, %get3A_493] : memref<1x100000xf32, #tpu.memory_space<vmem>>[vector<16xi32>, vector<16xi32>], vector<16xf32>,
      %mul3A_495 = arith.constant 16 : i32
      %mul3A_496 = arith.muli %scan3A_487, %mul3A_495 : i32
      %add3A_497 = arith.constant 8192 : i32
      %add3A_498 = arith.addi %add3A_497, %mul3A_496 : i32
      %get3A_499 = arith.constant 0 : i32
      %get3A_500 = arith.index_cast %get3A_499 : i32 to index
      %get3A_501 = arith.index_cast %add3A_498 : i32 to index
      %get3A_502 = tpu.vector_load %arg8[%get3A_500, %get3A_501] {strides = array<i32>} : memref<1x16384xf32, #tpu.memory_space<vmem>>, vector<16xf32>,
      %sub3A_503 = arith.subf %get3A_502, %gather3A_494 : vector<16xf32>
      %mul3A_504 = arith.mulf %sub3A_503, %sub3A_503 : vector<16xf32>
      %add3A_505 = arith.addf %add3A_485, %mul3A_504 : vector<16xf32>
      scf.yield %add3A_505 : vector<16xf32>
    }
    %scan3A_327 = arith.constant 256 : i32
    %dma_wait3A_328 = arith.constant 1 : i32
    %dma_wait3A_329 = arith.constant 0 : i32
    %dma_wait3A_330 = tpu.memref_slice %arg7[%dma_wait3A_328, %dma_wait3A_329] : memref<2x4096xi32, #tpu.memory_space<vmem>> -> memref<1x4096xi32, #tpu.memory_space<vmem>>
    %dma_wait3A_331 = tpu.memref_squeeze %dma_wait3A_330 : memref<1x4096xi32, #tpu.memory_space<vmem>> -> memref<4096xi32, #tpu.memory_space<vmem>>
    %dma_wait3A_332 = arith.constant 12288 : i32
    %dma_wait3A_333 = tpu.memref_slice %arg3[%dma_wait3A_332] : memref<16384xi32, #tpu.memory_space<hbm>> -> memref<4096xi32, #tpu.memory_space<hbm>>
    %dma_wait3A_334 = arith.constant 0 : i32
    %dma_wait3A_335 = tpu.memref_slice %arg7[%dma_wait3A_328, %dma_wait3A_334] : memref<2x4096xi32, #tpu.memory_space<vmem>> -> memref<1x4096xi32, #tpu.memory_space<vmem>>
    %dma_wait3A_336 = tpu.memref_squeeze %dma_wait3A_335 : memref<1x4096xi32, #tpu.memory_space<vmem>> -> memref<4096xi32, #tpu.memory_space<vmem>>
    %dma_wait3A_337 = arith.constant 12288 : i32
    %dma_wait3A_338 = tpu.memref_slice %arg3[%dma_wait3A_337] : memref<16384xi32, #tpu.memory_space<hbm>> -> memref<4096xi32, #tpu.memory_space<hbm>>
    tpu.wait_dma2 semaphore(%arg14 : memref<!tpu.dma_semaphore, #tpu.memory_space<semaphore_mem>>) src(%dma_wait3A_338 : memref<4096xi32, #tpu.memory_space<hbm>>) dst(%dma_wait3A_336 : memref<4096xi32, #tpu.memory_space<vmem>>)
    %scan3A_339 = arith.constant 0 : i32
    %scan3A_340 = arith.constant 256 : i32
    %scan3A_341 = arith.addi %scan3A_339, %scan3A_340 : i32
    %scan3A_342 = arith.constant 8 : i32
    %scan3A_343 = scf.for %scan3A_347 = %scan3A_339 to %scan3A_341 step %scan3A_342 iter_args(%scan3A_348 = %scan3A_326) -> (vector<16xf32>)  : i32 {
      %mul3A_349 = arith.constant 16 : i32
      %mul3A_350 = arith.muli %scan3A_347, %mul3A_349 : i32
      %get3A_351 = arith.constant 1 : i32
      %get3A_352 = arith.index_cast %get3A_351 : i32 to index
      %get3A_353 = arith.index_cast %mul3A_350 : i32 to index
      %get3A_354 = tpu.vector_load %arg7[%get3A_352, %get3A_353] {strides = array<i32>} : memref<2x4096xi32, #tpu.memory_space<vmem>>, vector<16xi32>,
      %gather3A = tpu.vector_load_idx %arg9[%broadcast_in_dim3A_26, %get3A_354] : memref<1x100000xf32, #tpu.memory_space<vmem>>[vector<16xi32>, vector<16xi32>], vector<16xf32>,
      %mul3A_355 = arith.constant 16 : i32
      %mul3A_356 = arith.muli %scan3A_347, %mul3A_355 : i32
      %add3A_357 = arith.constant 12288 : i32
      %add3A_358 = arith.addi %add3A_357, %mul3A_356 : i32
      %get3A_359 = arith.constant 0 : i32
      %get3A_360 = arith.index_cast %get3A_359 : i32 to index
      %get3A_361 = arith.index_cast %add3A_358 : i32 to index
      %get3A_362 = tpu.vector_load %arg8[%get3A_360, %get3A_361] {strides = array<i32>} : memref<1x16384xf32, #tpu.memory_space<vmem>>, vector<16xf32>,
      %sub3A_363 = arith.subf %get3A_362, %gather3A : vector<16xf32>
      %mul3A_364 = arith.mulf %sub3A_363, %sub3A_363 : vector<16xf32>
      %add3A_365 = arith.addf %scan3A_348, %mul3A_364 : vector<16xf32>
      %scan3A_366 = arith.constant 1 : i32
      %scan3A_367 = arith.addi %scan3A_347, %scan3A_366 : i32
      %mul3A_368 = arith.constant 16 : i32
      %mul3A_369 = arith.muli %scan3A_367, %mul3A_368 : i32
      %get3A_370 = arith.constant 1 : i32
      %get3A_371 = arith.index_cast %get3A_370 : i32 to index
      %get3A_372 = arith.index_cast %mul3A_369 : i32 to index
      %get3A_373 = tpu.vector_load %arg7[%get3A_371, %get3A_372] {strides = array<i32>} : memref<2x4096xi32, #tpu.memory_space<vmem>>, vector<16xi32>,
      %gather3A_374 = tpu.vector_load_idx %arg9[%broadcast_in_dim3A_26, %get3A_373] : memref<1x100000xf32, #tpu.memory_space<vmem>>[vector<16xi32>, vector<16xi32>], vector<16xf32>,
      %mul3A_375 = arith.constant 16 : i32
      %mul3A_376 = arith.muli %scan3A_367, %mul3A_375 : i32
      %add3A_377 = arith.constant 12288 : i32
      %add3A_378 = arith.addi %add3A_377, %mul3A_376 : i32
      %get3A_379 = arith.constant 0 : i32
      %get3A_380 = arith.index_cast %get3A_379 : i32 to index
      %get3A_381 = arith.index_cast %add3A_378 : i32 to index
      %get3A_382 = tpu.vector_load %arg8[%get3A_380, %get3A_381] {strides = array<i32>} : memref<1x16384xf32, #tpu.memory_space<vmem>>, vector<16xf32>,
      %sub3A_383 = arith.subf %get3A_382, %gather3A_374 : vector<16xf32>
      %mul3A_384 = arith.mulf %sub3A_383, %sub3A_383 : vector<16xf32>
      %add3A_385 = arith.addf %add3A_365, %mul3A_384 : vector<16xf32>
      %scan3A_386 = arith.constant 2 : i32
      %scan3A_387 = arith.addi %scan3A_347, %scan3A_386 : i32
      %mul3A_388 = arith.constant 16 : i32
      %mul3A_389 = arith.muli %scan3A_387, %mul3A_388 : i32
      %get3A_390 = arith.constant 1 : i32
      %get3A_391 = arith.index_cast %get3A_390 : i32 to index
      %get3A_392 = arith.index_cast %mul3A_389 : i32 to index
      %get3A_393 = tpu.vector_load %arg7[%get3A_391, %get3A_392] {strides = array<i32>} : memref<2x4096xi32, #tpu.memory_space<vmem>>, vector<16xi32>,
      %gather3A_394 = tpu.vector_load_idx %arg9[%broadcast_in_dim3A_26, %get3A_393] : memref<1x100000xf32, #tpu.memory_space<vmem>>[vector<16xi32>, vector<16xi32>], vector<16xf32>,
      %mul3A_395 = arith.constant 16 : i32
      %mul3A_396 = arith.muli %scan3A_387, %mul3A_395 : i32
      %add3A_397 = arith.constant 12288 : i32
      %add3A_398 = arith.addi %add3A_397, %mul3A_396 : i32
      %get3A_399 = arith.constant 0 : i32
      %get3A_400 = arith.index_cast %get3A_399 : i32 to index
      %get3A_401 = arith.index_cast %add3A_398 : i32 to index
      %get3A_402 = tpu.vector_load %arg8[%get3A_400, %get3A_401] {strides = array<i32>} : memref<1x16384xf32, #tpu.memory_space<vmem>>, vector<16xf32>,
      %sub3A_403 = arith.subf %get3A_402, %gather3A_394 : vector<16xf32>
      %mul3A_404 = arith.mulf %sub3A_403, %sub3A_403 : vector<16xf32>
      %add3A_405 = arith.addf %add3A_385, %mul3A_404 : vector<16xf32>
      %scan3A_406 = arith.constant 3 : i32
      %scan3A_407 = arith.addi %scan3A_347, %scan3A_406 : i32
      %mul3A_408 = arith.constant 16 : i32
      %mul3A_409 = arith.muli %scan3A_407, %mul3A_408 : i32
      %get3A_410 = arith.constant 1 : i32
      %get3A_411 = arith.index_cast %get3A_410 : i32 to index
      %get3A_412 = arith.index_cast %mul3A_409 : i32 to index
      %get3A_413 = tpu.vector_load %arg7[%get3A_411, %get3A_412] {strides = array<i32>} : memref<2x4096xi32, #tpu.memory_space<vmem>>, vector<16xi32>,
      %gather3A_414 = tpu.vector_load_idx %arg9[%broadcast_in_dim3A_26, %get3A_413] : memref<1x100000xf32, #tpu.memory_space<vmem>>[vector<16xi32>, vector<16xi32>], vector<16xf32>,
      %mul3A_415 = arith.constant 16 : i32
      %mul3A_416 = arith.muli %scan3A_407, %mul3A_415 : i32
      %add3A_417 = arith.constant 12288 : i32
      %add3A_418 = arith.addi %add3A_417, %mul3A_416 : i32
      %get3A_419 = arith.constant 0 : i32
      %get3A_420 = arith.index_cast %get3A_419 : i32 to index
      %get3A_421 = arith.index_cast %add3A_418 : i32 to index
      %get3A_422 = tpu.vector_load %arg8[%get3A_420, %get3A_421] {strides = array<i32>} : memref<1x16384xf32, #tpu.memory_space<vmem>>, vector<16xf32>,
      %sub3A_423 = arith.subf %get3A_422, %gather3A_414 : vector<16xf32>
      %mul3A_424 = arith.mulf %sub3A_423, %sub3A_423 : vector<16xf32>
      %add3A_425 = arith.addf %add3A_405, %mul3A_424 : vector<16xf32>
      %scan3A_426 = arith.constant 4 : i32
      %scan3A_427 = arith.addi %scan3A_347, %scan3A_426 : i32
      %mul3A_428 = arith.constant 16 : i32
      %mul3A_429 = arith.muli %scan3A_427, %mul3A_428 : i32
      %get3A_430 = arith.constant 1 : i32
      %get3A_431 = arith.index_cast %get3A_430 : i32 to index
      %get3A_432 = arith.index_cast %mul3A_429 : i32 to index
      %get3A_433 = tpu.vector_load %arg7[%get3A_431, %get3A_432] {strides = array<i32>} : memref<2x4096xi32, #tpu.memory_space<vmem>>, vector<16xi32>,
      %gather3A_434 = tpu.vector_load_idx %arg9[%broadcast_in_dim3A_26, %get3A_433] : memref<1x100000xf32, #tpu.memory_space<vmem>>[vector<16xi32>, vector<16xi32>], vector<16xf32>,
      %mul3A_435 = arith.constant 16 : i32
      %mul3A_436 = arith.muli %scan3A_427, %mul3A_435 : i32
      %add3A_437 = arith.constant 12288 : i32
      %add3A_438 = arith.addi %add3A_437, %mul3A_436 : i32
      %get3A_439 = arith.constant 0 : i32
      %get3A_440 = arith.index_cast %get3A_439 : i32 to index
      %get3A_441 = arith.index_cast %add3A_438 : i32 to index
      %get3A_442 = tpu.vector_load %arg8[%get3A_440, %get3A_441] {strides = array<i32>} : memref<1x16384xf32, #tpu.memory_space<vmem>>, vector<16xf32>,
      %sub3A_443 = arith.subf %get3A_442, %gather3A_434 : vector<16xf32>
      %mul3A_444 = arith.mulf %sub3A_443, %sub3A_443 : vector<16xf32>
      %add3A_445 = arith.addf %add3A_425, %mul3A_444 : vector<16xf32>
      %scan3A_446 = arith.constant 5 : i32
      %scan3A_447 = arith.addi %scan3A_347, %scan3A_446 : i32
      %mul3A_448 = arith.constant 16 : i32
      %mul3A_449 = arith.muli %scan3A_447, %mul3A_448 : i32
      %get3A_450 = arith.constant 1 : i32
      %get3A_451 = arith.index_cast %get3A_450 : i32 to index
      %get3A_452 = arith.index_cast %mul3A_449 : i32 to index
      %get3A_453 = tpu.vector_load %arg7[%get3A_451, %get3A_452] {strides = array<i32>} : memref<2x4096xi32, #tpu.memory_space<vmem>>, vector<16xi32>,
      %gather3A_454 = tpu.vector_load_idx %arg9[%broadcast_in_dim3A_26, %get3A_453] : memref<1x100000xf32, #tpu.memory_space<vmem>>[vector<16xi32>, vector<16xi32>], vector<16xf32>,
      %mul3A_455 = arith.constant 16 : i32
      %mul3A_456 = arith.muli %scan3A_447, %mul3A_455 : i32
      %add3A_457 = arith.constant 12288 : i32
      %add3A_458 = arith.addi %add3A_457, %mul3A_456 : i32
      %get3A_459 = arith.constant 0 : i32
      %get3A_460 = arith.index_cast %get3A_459 : i32 to index
      %get3A_461 = arith.index_cast %add3A_458 : i32 to index
      %get3A_462 = tpu.vector_load %arg8[%get3A_460, %get3A_461] {strides = array<i32>} : memref<1x16384xf32, #tpu.memory_space<vmem>>, vector<16xf32>,
      %sub3A_463 = arith.subf %get3A_462, %gather3A_454 : vector<16xf32>
      %mul3A_464 = arith.mulf %sub3A_463, %sub3A_463 : vector<16xf32>
      %add3A_465 = arith.addf %add3A_445, %mul3A_464 : vector<16xf32>
      %scan3A_466 = arith.constant 6 : i32
      %scan3A_467 = arith.addi %scan3A_347, %scan3A_466 : i32
      %mul3A_468 = arith.constant 16 : i32
      %mul3A_469 = arith.muli %scan3A_467, %mul3A_468 : i32
      %get3A_470 = arith.constant 1 : i32
      %get3A_471 = arith.index_cast %get3A_470 : i32 to index
      %get3A_472 = arith.index_cast %mul3A_469 : i32 to index
      %get3A_473 = tpu.vector_load %arg7[%get3A_471, %get3A_472] {strides = array<i32>} : memref<2x4096xi32, #tpu.memory_space<vmem>>, vector<16xi32>,
      %gather3A_474 = tpu.vector_load_idx %arg9[%broadcast_in_dim3A_26, %get3A_473] : memref<1x100000xf32, #tpu.memory_space<vmem>>[vector<16xi32>, vector<16xi32>], vector<16xf32>,
      %mul3A_475 = arith.constant 16 : i32
      %mul3A_476 = arith.muli %scan3A_467, %mul3A_475 : i32
      %add3A_477 = arith.constant 12288 : i32
      %add3A_478 = arith.addi %add3A_477, %mul3A_476 : i32
      %get3A_479 = arith.constant 0 : i32
      %get3A_480 = arith.index_cast %get3A_479 : i32 to index
      %get3A_481 = arith.index_cast %add3A_478 : i32 to index
      %get3A_482 = tpu.vector_load %arg8[%get3A_480, %get3A_481] {strides = array<i32>} : memref<1x16384xf32, #tpu.memory_space<vmem>>, vector<16xf32>,
      %sub3A_483 = arith.subf %get3A_482, %gather3A_474 : vector<16xf32>
      %mul3A_484 = arith.mulf %sub3A_483, %sub3A_483 : vector<16xf32>
      %add3A_485 = arith.addf %add3A_465, %mul3A_484 : vector<16xf32>
      %scan3A_486 = arith.constant 7 : i32
      %scan3A_487 = arith.addi %scan3A_347, %scan3A_486 : i32
      %mul3A_488 = arith.constant 16 : i32
      %mul3A_489 = arith.muli %scan3A_487, %mul3A_488 : i32
      %get3A_490 = arith.constant 1 : i32
      %get3A_491 = arith.index_cast %get3A_490 : i32 to index
      %get3A_492 = arith.index_cast %mul3A_489 : i32 to index
      %get3A_493 = tpu.vector_load %arg7[%get3A_491, %get3A_492] {strides = array<i32>} : memref<2x4096xi32, #tpu.memory_space<vmem>>, vector<16xi32>,
      %gather3A_494 = tpu.vector_load_idx %arg9[%broadcast_in_dim3A_26, %get3A_493] : memref<1x100000xf32, #tpu.memory_space<vmem>>[vector<16xi32>, vector<16xi32>], vector<16xf32>,
      %mul3A_495 = arith.constant 16 : i32
      %mul3A_496 = arith.muli %scan3A_487, %mul3A_495 : i32
      %add3A_497 = arith.constant 12288 : i32
      %add3A_498 = arith.addi %add3A_497, %mul3A_496 : i32
      %get3A_499 = arith.constant 0 : i32
      %get3A_500 = arith.index_cast %get3A_499 : i32 to index
      %get3A_501 = arith.index_cast %add3A_498 : i32 to index
      %get3A_502 = tpu.vector_load %arg8[%get3A_500, %get3A_501] {strides = array<i32>} : memref<1x16384xf32, #tpu.memory_space<vmem>>, vector<16xf32>,
      %sub3A_503 = arith.subf %get3A_502, %gather3A_494 : vector<16xf32>
      %mul3A_504 = arith.mulf %sub3A_503, %sub3A_503 : vector<16xf32>
      %add3A_505 = arith.addf %add3A_485, %mul3A_504 : vector<16xf32>
      scf.yield %add3A_505 : vector<16xf32>
    }
    %scan3A_344 = arith.constant 256 : i32
    %swap3A_345 = arith.constant 0 : index
    %swap3A_346 = tpu.vector_load %arg11[%swap3A_345] {strides = array<i32>} : memref<16xf32, #tpu.memory_space<vmem>>, vector<16xf32>,
    tpu.vector_store %arg11[%swap3A_345], %scan3A_343 {strides = array<i32>} : memref<16xf32, #tpu.memory_space<vmem>>, vector<16xf32>,
    "tpu.region"() ({
      %run_scoped3A = tpu.sem_alloc : memref<!tpu.dma_semaphore, #tpu.memory_space<semaphore_mem>>
      %dma_start3A_347 = arith.constant 0 : i32
      %dma_start3A_348 = tpu.memref_slice %arg5[%add3A, %dma_start3A_347] : memref<32x16xf32, #tpu.memory_space<hbm>> -> memref<1x16xf32, #tpu.memory_space<hbm>>
      %dma_start3A_349 = tpu.memref_squeeze %dma_start3A_348 : memref<1x16xf32, #tpu.memory_space<hbm>> -> memref<16xf32, #tpu.memory_space<hbm>>
      %dma_start3A_350 = arith.constant 0 : i32
      %dma_start3A_351 = tpu.memref_slice %arg5[%add3A, %dma_start3A_350] : memref<32x16xf32, #tpu.memory_space<hbm>> -> memref<1x16xf32, #tpu.memory_space<hbm>>
      %dma_start3A_352 = tpu.memref_squeeze %dma_start3A_351 : memref<1x16xf32, #tpu.memory_space<hbm>> -> memref<16xf32, #tpu.memory_space<hbm>>
      tpu.enqueue_dma source(%arg11 : memref<16xf32, #tpu.memory_space<vmem>>) target(%dma_start3A_352 : memref<16xf32, #tpu.memory_space<hbm>>) target_semaphore(%run_scoped3A : memref<!tpu.dma_semaphore, #tpu.memory_space<semaphore_mem>>)
      %dma_wait3A_353 = arith.constant 0 : i32
      %dma_wait3A_354 = tpu.memref_slice %arg5[%add3A, %dma_wait3A_353] : memref<32x16xf32, #tpu.memory_space<hbm>> -> memref<1x16xf32, #tpu.memory_space<hbm>>
      %dma_wait3A_355 = tpu.memref_squeeze %dma_wait3A_354 : memref<1x16xf32, #tpu.memory_space<hbm>> -> memref<16xf32, #tpu.memory_space<hbm>>
      %dma_wait3A_356 = arith.constant 0 : i32
      %dma_wait3A_357 = tpu.memref_slice %arg5[%add3A, %dma_wait3A_356] : memref<32x16xf32, #tpu.memory_space<hbm>> -> memref<1x16xf32, #tpu.memory_space<hbm>>
      %dma_wait3A_358 = tpu.memref_squeeze %dma_wait3A_357 : memref<1x16xf32, #tpu.memory_space<hbm>> -> memref<16xf32, #tpu.memory_space<hbm>>
      tpu.wait_dma2 semaphore(%run_scoped3A : memref<!tpu.dma_semaphore, #tpu.memory_space<semaphore_mem>>) src(%arg11 : memref<16xf32, #tpu.memory_space<vmem>>) dst(%dma_wait3A_358 : memref<16xf32, #tpu.memory_space<hbm>>)
      tpu.yield
    }) : () -> ()
    return
  }
}

</mosaic_0001>

<sc_bundles>
// kernel: kernel.3.cloned.1.call-start
scs
__scs_entry_jumppad:
0x0: {  	(pc) =	sbr.rel $0x88, $3  }
0x1: {  	(tag) =	ssettag $0x0;
	lr =	simm.s32 $0x1  }
0x2: {  	[smem:$0x3F9E] =	sst lr;
	_ =	strace $0xD0000000  }
0x3: {  	_ = 	snop  }
0x4: {  	_ = 	snop  }
0x5: {  	_ = 	snop  }
0x6: {  	_ = 	snop  }
0x7: {  	_ = 	snop  }
__scs_overlays_trampoline_lowered:
0x8: {  	[smem:$0x3FAD] =	sst s0  }
0x9: {  	[smem:$0x3FAE] =	sst s1  }
0xa: {  	[smem:$0x3FAF] =	sst s2  }
0xb: {  	[smem:$0x3FB0] =	sst s3  }
0xc: {  	[smem:$0x3FB1] =	sst s4  }
0xd: {  	[smem:$0x3FB2] =	sst s5  }
0xe: {  	[smem:$0x3FB3] =	sst s6  }
0xf: {  	[smem:$0x3FB4] =	sst s7  }
0x10: {  	[smem:$0x3FB5] =	sst s8  }
0x11: {  	[smem:$0x3FB6] =	sst s9;
	s0 =	simm.s32 @!p0 $0x0  }
0x12: {  	s1 =	sld [smem:$0x3F9C];
	s0 =	simm.s32 @p0 $0x1  }
0x13: {  	[smem:$0x3FB7] =	sst s0;
	s0 =	simm.s32 @!p1 $0x0  }
0x14: {  	s2 =	sld [smem:$0x3F9B];
	s0 =	simm.s32 @p1 $0x1  }
0x15: {  	[smem:$0x3FB8] =	sst s0;
	s0 =	simm.s32 @!p2 $0x0  }
0x16: {  	s3 =	sld [smem:$0x3FDB];
	s0 =	simm.s32 @p2 $0x1  }
0x17: {  	s4 =	simm.s32 $0x1BF5;
	[smem:$0x3FBA] =	sst s0  }
0x18: {  	s0 =	sld [smem:$0x3F9D];
	_ =	swait.ge [sflag:s4], $0x0  }
0x19: {  	s7 =	sld [smem:$0x3F9E]  }
0x1a: {  	s8 =	sadd.s32 $0xFFFFE003, lr  }
0x1b: {  	s9 =	sadd.s32 $0xFFFFFEF7, lr;
	s5 =	simm.s32 $0xFFFFFFFF;
	p2 =	slt.u32 s8, $0xFFFFF086  }
0x1c: {  	p1 =	slt.u32 s9, $0xF7A;
	s5 =	simm.s32 @!p2 $0x0  }
0x1d: {  	s5 =	simm.s32 @p1 $0x1;
	p0 =	seq.s32 s7, s2  }
0x1e: {  	s7 =	smul.u32 @!p0 $0xF7A, s2;
	p2 =	seq.s32 @!p0 s5, $0x0  }
0x1f: {  	s9 =	smul.u32 $0xF7A, s1;
	s8 =	simm.s32 @!p0 $0x1BF5;
	p2 =	por !p2, p0  }
0x20: {  	[sflag:s8] =	ssyncset.s32 @!p0 $0xFFFFF086;
	s6 =	sadd.s32 @!p0 s3, s7;
	s7 =	simm.s32 @!p0 $0x108  }
0x21: {  	s3 =	sadd.s32 s3, s9;
	s6 =	sadd.s32 @!p0 $0x88, s6;
	s7 =	simm.s32 @p2 $0x1082  }
0x22: {  	[simem:s7], [sflag:s8] =	dma.local @!p0 [hbm:s6], $0xF7A  }
0x23: {  	s9 =	sor.u32 $0xD0000000, s2;
	s6 =	simm.s32 $0x108;
	_ =	swait.ge @!p0 [sflag:s8], $0x0  }
0x24: {  	s3 =	sadd.s32 $0x88, s3;
	s6 =	simm.s32 @!p1 $0x1082;
	[sflag:s4] =	ssyncset.s32 $0xFFFFF086  }
0x25: {  	[simem:s6], [sflag:s4] =	dma.local [hbm:s3], $0xF7A  }
0x26: {  	[smem:$0x3F9E] =	sst s1;
	(tag) =	ssettag s2;
	_ =	strace s9  }
0x27: {  	s1 =	sld [smem:$0x3FAE]  }
0x28: {  	s2 =	sld [smem:$0x3FAF]  }
0x29: {  	s4 =	sld [smem:$0x3FB1]  }
0x2a: {  	p0 =	seq.s32 s5, $0x0;
	s5 =	sld [smem:$0x3FB2]  }
0x2b: {  	s6 =	sld [smem:$0x3FB3]  }
0x2c: {  	s7 =	sld [smem:$0x3FB4]  }
0x2d: {  	s3 =	simm.s32 $0x108;
	s8 =	sld [smem:$0x3FB5]  }
0x2e: {  	s3 =	simm.s32 @!p0 $0x1082;
	s9 =	sld [smem:$0x3FB6]  }
0x2f: {  	lr =	sadd.s32 s0, s3;
	s0 =	sld [smem:$0x3FAD]  }
0x30: {  	s3 =	sld [smem:$0x3FB0]  }
0x31: {  	[smem:$0x3FB9] =	sst s10  }
0x32: {  	s10 =	sld [smem:$0x3FB7];
	_ =	sdelay $0x3  }
0x33: {  	p0 =	seq.s32 s10, $0x1;
	s10 =	sld [smem:$0x3FB9];
	_ =	sdelay $0x3  }
0x34: {  	[smem:$0x3FB9] =	sst s10  }
0x35: {  	s10 =	sld [smem:$0x3FB8];
	_ =	sdelay $0x3  }
0x36: {  	p1 =	seq.s32 s10, $0x1;
	s10 =	sld [smem:$0x3FB9];
	_ =	sdelay $0x3  }
0x37: {  	[smem:$0x3FB9] =	sst s10  }
0x38: {  	s10 =	sld [smem:$0x3FBA]  }
0x39: {  	_ = 	snop;
	(pc) =	sbr.ind lr, $3  }
0x3a: {  	_ = 	snop  }
0x3b: {  	_ = 	snop  }
0x3c: {  	p2 =	seq.s32 s10, $0x1;
	s10 =	sld [smem:$0x3FB9]  }
0x3d: {  	_ =	shalt  }
0x3e: {  	_ =	shalt  }
0x3f: {  	_ =	shalt  }
0x40: {  	_ =	shalt  }
0x41: {  	_ =	shalt  }
0x42: {  	_ =	shalt  }
0x43: {  	_ =	shalt  }
0x44: {  	_ =	shalt  }
0x45: {  	_ =	shalt  }
0x46: {  	_ =	shalt  }
0x47: {  	_ =	shalt  }
0x48: {  	_ =	shalt  }
0x49: {  	_ =	shalt  }
0x4a: {  	_ =	shalt  }
0x4b: {  	_ =	shalt  }
0x4c: {  	_ =	shalt  }
0x4d: {  	_ =	shalt  }
0x4e: {  	_ =	shalt  }
0x4f: {  	_ =	shalt  }
0x50: {  	_ =	shalt  }
0x51: {  	_ =	shalt  }
0x52: {  	_ =	shalt  }
0x53: {  	_ =	shalt  }
0x54: {  	_ =	shalt  }
0x55: {  	_ =	shalt  }
0x56: {  	_ =	shalt  }
0x57: {  	_ =	shalt  }
0x58: {  	_ =	shalt  }
0x59: {  	_ =	shalt  }
0x5a: {  	_ =	shalt  }
0x5b: {  	_ =	shalt  }
0x5c: {  	_ =	shalt  }
0x5d: {  	_ =	shalt  }
0x5e: {  	_ =	shalt  }
0x5f: {  	_ =	shalt  }
0x60: {  	_ =	shalt  }
0x61: {  	_ =	shalt  }
0x62: {  	_ =	shalt  }
0x63: {  	_ =	shalt  }
0x64: {  	_ =	shalt  }
0x65: {  	_ =	shalt  }
0x66: {  	_ =	shalt  }
0x67: {  	_ =	shalt  }
0x68: {  	_ =	shalt  }
0x69: {  	_ =	shalt  }
0x6a: {  	_ =	shalt  }
0x6b: {  	_ =	shalt  }
0x6c: {  	_ =	shalt  }
0x6d: {  	_ =	shalt  }
0x6e: {  	_ =	shalt  }
0x6f: {  	_ =	shalt  }
0x70: {  	_ =	shalt  }
0x71: {  	_ =	shalt  }
0x72: {  	_ =	shalt  }
0x73: {  	_ =	shalt  }
0x74: {  	_ =	shalt  }
0x75: {  	_ =	shalt  }
0x76: {  	_ =	shalt  }
0x77: {  	_ =	shalt  }
0x78: {  	_ =	shalt  }
0x79: {  	_ =	shalt  }
0x7a: {  	_ =	shalt  }
0x7b: {  	_ =	shalt  }
0x7c: {  	_ =	shalt  }
0x7d: {  	_ =	shalt  }
0x7e: {  	_ =	shalt  }
0x7f: {  	_ =	shalt  }
0x80: {  	_ =	shalt  }
0x81: {  	_ =	shalt  }
0x82: {  	_ =	shalt  }
0x83: {  	_ =	shalt  }
0x84: {  	_ =	shalt  }
0x85: {  	_ =	shalt  }
0x86: {  	_ =	shalt  }
0x87: {  	_ =	shalt  }
.Lfunc_end0:
.L_simem_size_0:
called_computation_lowered:
.L_overlay_start_0:
0x88: {  	s2 =	sld [smem:$0x3FD9]  }
0x89: {  	s3 =	sld [smem:$0x3FFE];
	_ =	sdelay $0x1  }
0x8a: {  	s1 =	srdreg.scid  }
0x8b: {  	s0 =	sand.u32 $0x1, s1  }
0x8c: {  	s17 =	sshll.u32 s0, $0xA;
	s2 =	sadd.s32 s3, s2  }
0x8d: {  	s2 =	sadd.s32 s2, s17  }
0x8e: {  	[smem:$0x3FC5] =	sst s2  }
0x8f: {  	_ = 	snop  }
0x90: {  	s2 =	sld [smem:$0x3FC9]  }
0x91: {  	s18 =	sld [smem:$0x3FC8]  }
0x92: {  	s4 =	sld [smem:$0x3FC7];
	(tm) =	ssettm $0x1  }
0x93: {  	s5 =	sld [smem:$0x3FFB];
	_ =	sdelay $0x3  }
0x94: {  	_ =	strace s5  }
0x95: {  	s5 =	sld [smem:$0x3FFC];
	_ =	sdelay $0x3  }
0x96: {  	_ =	strace s5  }
0x97: {  	s5 =	sld [smem:$0x3FFD];
	_ =	sdelay $0x3  }
0x98: {  	_ =	strace s5  }
0x99: {  	_ =	strace $0x8FFFFFFF  }
0x9a: {  	s19 =	sld [smem:$0x3FDB];
	_ =	sdelay $0x1  }
0x9b: {  	s6 =	simm.s32 $_scs_section_size  }
0x9c: {  	s7 =	simm.s32 $_size__tile_overlayer_lowered;
	s8 =	simm.s32 $_tile_overlayer_lowered  }
0x9d: {  	s22 =	simm.s32 $0x1BFF;
	s21 =	sshll.u32 s8, $0x1;
	s5 =	sadd.s32 s6, s19  }
0x9e: {  	s9 =	simm.s32 $0x0;
	s20 =	sshll.u32 s7, $0x1;
	s7 =	sadd.s32 s21, s5  }
0x9f: {  	[timem:s9], [sflag:s22] =	dma.local [hbm:s7], s20  }
0xa0: {  	_ =	swait.ge [sflag:s22], s20  }
0xa1: {  	s6 =	ssub.s32 $0x0, s20;
	[sflag:s22] =	ssyncset.done $0x0  }
0xa2: {  	[sflag:s22] =	ssyncadd.s32 s6;
	_ =	sdelay $0x1  }
0xa3: {  	s23 =	simm.s32 $0x1B8B  }
0xa4: {  	_ =	swait.ge [sflag:s23], $0x1  }
0xa5: {  	[sflag:s23] =	ssyncset.done $0x0  }
0xa6: {  	s25 =	simm.s32 $0x1B8E;
	s24 =	sld [smem:$0x3FFE];
	[sflag:s23] =	ssyncadd.s32 $0xFFFFFFFF  }
0xa7: {  	s26 =	simm.s32 $execute0_lowered;
	[smem:$0x3FD2] =	sst s25  }
0xa8: {  	s7 =	sshll.u32 s26, $0x1;
	_ =	strace $0x80000046;
	[dreg:$0x1] =	wrdreg $0xFFFFFFFF  }
0xa9: {  	s28 =	simm.s32 $_size_execute0_lowered;
	s5 =	sadd.s32 s5, s7;
	[dreg:$0x0] =	wrdreg $0x0  }
0xaa: {  	s7 =	sshll.u32 s28, $0x1;
	[dreg:$0x2] =	wrdreg s5  }
0xab: {  	[dreg:$0x3] =	wrdreg s7  }
0xac: {  	[dreg:$0x4] =	wrdreg $0xC0  }
0xad: {  	_ =	task [dreg:s9], $0x5FFFF  }
0xae: {  	[dreg:$0x1] =	wrdreg $0xFFFFFFFF  }
0xaf: {  	[dreg:$0x0] =	wrdreg $0x60  }
0xb0: {  	[dreg:$0x2] =	wrdreg s2  }
0xb1: {  	[dreg:$0x3] =	wrdreg s18  }
0xb2: {  	[dreg:$0x4] =	wrdreg s4  }
0xb3: {  	[dreg:$0x5] =	wrdreg s24  }
0xb4: {  	[dreg:$0x6] =	wrdreg $0x9  }
0xb5: {  	_ =	task.clear_ibuf [dreg:s9], $0x7FFFF;
	_ =	strace $0x90000046  }
0xb6: {  	s29 =	simm.s32 $0x9;
	_ =	strace $0x80000048  }
0xb7: {  	_ =	swait.ge [sflag:s29], $0x1  }
0xb8: {  	[sflag:s29] =	ssyncadd.s32 $0xFFFFFFFF  }
0xb9: {  	_ =	strace $0x90000048  }
0xba: {  	_ =	sfence  }
0xbb: {  	s30 =	sld [smem:$0x0];
	_ =	sdelay $0x2  }
0xbc: {  	s31 =	sshll.u32 s1, $0xD;
	s1 =	sshrl.u32 s1, $0x2  }
0xbd: {  	s3 =	sand.u32 $0x4000, s31;
	s1 =	sadd.s32 s1, s30  }
0xbe: {  	s0 =	sor.u32 s3, s0;
	s1 =	sshll.u32 s1, $0x11  }
0xbf: {  	s0 =	sor.u32 s1, s0  }
0xc0: {  	s0 =	sadd.s32 $0x8F2B, s0  }
0xc1: {  	[sflag:s0] =	ssyncadd.remote.s32 $0x1  }
0xc2: {  	_ =	sfence.sel $0xFFFF  }
0xc3: {  	[dreg:$0x0] =	wrdreg $0xFFFFFFFF;
	(pc) =	sbr.abs _section_cstart, $3  }
0xc4: {  	[dreg:$0x1] =	wrdreg $0xFFFFFFFF  }
0xc5: {  	_ =	task.clear_ibuf [dreg:s9], $0x2FFFF;
	_ =	strace $0x9FFFFFFF  }
0xc6: {  	(tm) =	ssettm $0x7FFFFFFF  }
0xc7: {  	_ =	shalt  }
tec
execute0_lowered:
.L_overlay_start_1:
0x0: {  	(tag) =	ssettag $0x1  }
0x1: {  	s8 =	rddreg [dreg:$0x0]  }
0x2: {  	s2 =	rddreg [dreg:$0x1]  }
0x3: {  	s10 =	rddreg [dreg:$0x2]  }
0x4: {  	s0 =	rddreg [dreg:$0x3];
	s5 =	simm.s32 $0x0  }
0x5: {  	[smem:$0x7FF] =	sst s5;
	s20 =	sadd.s32 $0x800, s10  }
0x6: {  	s21 =	sadd.s32 $0x1000, s10;
	_ =	strace $0x80000047;
	[dreg:$0x5] =	wrdreg s20  }
0x7: {  	s22 =	sadd.s32 $0x1800, s10;
	[dreg:$0x6] =	wrdreg s21  }
0x8: {  	s23 =	sadd.s32 $0x2000, s10;
	[dreg:$0x7] =	wrdreg s22  }
0x9: {  	s24 =	sadd.s32 $0x2800, s10;
	[dreg:$0x8] =	wrdreg s23  }
0xa: {  	s7 =	stileid.u32;
	s25 =	sadd.s32 $0x3000, s10;
	[dreg:$0x9] =	wrdreg s24  }
0xb: {  	s4 =	sshll.u32 s7, $0x1;
	s26 =	sadd.s32 $0x3800, s10;
	[dreg:$0xa] =	wrdreg s25  }
0xc: {  	s19 =	sshrl.u32 s7, $0x1;
	s7 =	sadd.s32 $0x4000, s10;
	[dreg:$0xb] =	wrdreg s26  }
0xd: {  	s11 =	sadd.s32 $0x4800, s10;
	[dreg:$0xc] =	wrdreg s7  }
0xe: {  	s1 =	srdreg.scid;
	s12 =	sadd.s32 $0x5000, s10;
	[dreg:$0xd] =	wrdreg s11  }
0xf: {  	s1 =	sand.u32 $0x1, s1;
	s13 =	sadd.s32 $0x5800, s10;
	[dreg:$0xe] =	wrdreg s12  }
0x10: {  	s15 =	sadd.s32 $0x6000, s10;
	s17 =	sadd.s32 $0x7000, s10;
	[dreg:$0xf] =	wrdreg s13  }
0x11: {  	s28 =	sadd.s32 $0x17000, s10;
	s29 =	sadd.s32 $0x17800, s10;
	[dreg:$0x10] =	wrdreg s15  }
0x12: {  	s30 =	sadd.s32 $0x18000, s10;
	s11 =	sadd.s32 $0x6800, s10;
	[dreg:$0x12] =	wrdreg s17  }
0x13: {  	s31 =	sadd.s32 $0x800, s8;
	s20 =	sadd.s32 $0x7800, s10;
	[dreg:$0x11] =	wrdreg s11  }
0x14: {  	s3 =	ssub.s32 $0x2, s1;
	s23 =	sadd.s32 $0x8000, s10;
	[dreg:$0x14] =	wrdreg s20  }
0x15: {  	s1 =	sor.u32 s1, s4;
	s24 =	sadd.s32 $0x8800, s10;
	[dreg:$0x17] =	wrdreg s23  }
0x16: {  	s14 =	smul.u32 $0xC3800, s19;
	s25 =	sadd.s32 $0x9000, s10;
	[dreg:$0x18] =	wrdreg s24  }
0x17: {  	s4 =	sshll.u32 s19, $0xA;
	s26 =	sadd.s32 $0x9800, s10;
	[dreg:$0x19] =	wrdreg s25  }
0x18: {  	s7 =	sadd.s32 $0xC000, s10;
	s12 =	sadd.s32 $0xD000, s10;
	[dreg:$0x1a] =	wrdreg s26  }
0x19: {  	s13 =	sadd.s32 $0xD800, s10;
	s15 =	sadd.s32 $0xE800, s10;
	[dreg:$0x1f] =	wrdreg s7  }
0x1a: {  	s17 =	sadd.s32 $0xF800, s10;
	s6 =	sshrl.u32 s3, $0x1;
	[smem:$0x7F0] =	sst s12  }
0x1b: {  	s9 =	sshll.u32 s1, $0x1;
	s16 =	sshll.u32 s1, $0x8;
	[smem:$0x7F1] =	sst s13  }
0x1c: {  	s1 =	sshll.u32 s1, $0x4;
	s11 =	sadd.s32 $0xC800, s10;
	[smem:$0x7F3] =	sst s15  }
0x1d: {  	[smem:$0x7F5] =	sst s17;
	s20 =	sadd.s32 $0x10800, s10;
	s23 =	sadd.s32 $0x12000, s10  }
0x1e: {  	s24 =	sadd.s32 $0x12800, s10;
	s25 =	sadd.s32 $0x13000, s10;
	[smem:$0x7EF] =	sst s11  }
0x1f: {  	s26 =	sadd.s32 $0x13800, s10;
	s17 =	sadd.s32 $0x14000, s10;
	[smem:$0x7F7] =	sst s20  }
0x20: {  	s7 =	sadd.s32 $0x600, s2;
	s12 =	simm.s32 $0x0;
	[smem:$0x7FA] =	sst s23  }
0x21: {  	s3 =	ssub.s32 s3, s6;
	s6 =	sshrl.u32 s14, $0x3;
	[smem:$0x7FB] =	sst s24  }
0x22: {  	s19 =	ssub.s32 s16, s4;
	s0 =	sadd.s32 s0, s1;
	[smem:$0x7FC] =	sst s25  }
0x23: {  	s1 =	sadd.s32 $0xA000, s10;
	s4 =	sadd.s32 $0xB000, s10;
	[smem:$0x7FD] =	sst s26  }
0x24: {  	s14 =	sadd.s32 $0xE000, s10;
	s16 =	sadd.s32 $0xF000, s10;
	[dreg:$0x13] =	wrdreg s0  }
0x25: {  	v2 =	vlaneseq.u32;
	s20 =	sadd.s32 $0x15000, s10;
	s25 =	sadd.s32 $0x16000, s10;
	[dreg:$0x1b] =	wrdreg s1  }
0x26: {  	v0 =	vshrl.u32 v2, $0x3;
	s26 =	sadd.s32 $0x16800, s10;
	s23 =	sadd.s32 $0x2800, s8;
	[dreg:$0x1d] =	wrdreg s4  }
0x27: {  	s24 =	sadd.s32 $0x3000, s8;
	v0 =	vor.u32 s9, v0;
	s9 =	simm.s32 $0x2;
	[smem:$0x7F2] =	sst s14  }
0x28: {  	s11 =	simm.s32 $0x3;
	s22 =	smax.u32 s3, $0x1;
	[smem:$0x7F4] =	sst s16  }
0x29: {  	s18 =	sadd.s32 s10, s6;
	s3 =	sadd.s32 $0xA800, s10;
	[dreg:$0x16] =	wrdreg s22  }
0x2a: {  	s6 =	sadd.s32 $0xB800, s10;
	s0 =	sadd.s32 $0x1000, s8;
	[dreg:$0x1c] =	wrdreg s3  }
0x2b: {  	s4 =	sadd.s32 $0x1800, s8;
	s21 =	sadd.s32 $0x18680, s18;
	[dreg:$0x1e] =	wrdreg s6  }
0x2c: {  	s1 =	sadd.s32 $0x3800, s8;
	s18 =	sadd.s32 $0x10000, s10;
	[dreg:$0x15] =	wrdreg s21  }
0x2d: {  	s22 =	sadd.s32 $0x11800, s10;
	s3 =	sadd.s32 $0x200, s2;
	[smem:$0x7F6] =	sst s18  }
0x2e: {  	s6 =	sadd.s32 $0x400, s2;
	s21 =	sadd.s32 $0x11000, s10;
	[smem:$0x7F9] =	sst s22  }
0x2f: {  	v1 =	vimm.s32 $0x0;
	s18 =	sadd.s32 $0x14800, s10;
	s22 =	sadd.s32 $0x15800, s10;
	s10 =	simm.s32 $0x1  }
0x30: {  	vm0 =	vmmov $0xffff;
	vm1 =	vmmov $0x1fff;
	v2 =	vmul.u32 $0x8, v2;
	[smem:$0x7F8] =	sst s21;
	s21 =	sadd.s32 $0x2000, s8;
	s8 =	simm.s32 $0x6080  }
.LBB2_1:
0x31: {  	[tilespmem:$0x0] =	vst v0  }
0x32: {  	v3 =	vld.msk [tilespmem:$0x0], $0x1;
	_ =	sdelay $0x4  }
0x33: {  	v4 =	vshrl.u32 v3, $0x3  }
0x34: {  	v4 =	vmul.u32 $0x1870, v4  }
0x35: {  	v3 =	vand.u32 $0x7, v3  }
0x36: {  	v3 =	vor.u32 v3, v4  }
0x37: {  	v3 =	vperm.xlane v3, v1;
	_ =	sdelay $0x1  }
0x38: {  	v3 =	vadd.s32 v2, v3;
	_ =	sdelay $0x3  }
0x39: {  	s13 =	rddreg [dreg:$0x2]  }
0x3a: {  	[tilespmem:s8], [sflag:$0x1] =	stream.indirect_vreg.gather [hbm4b:s13+s5], $0x80, v3, vm0, $0xb8;
	[tilespmem:$0x1EC00] =	vst v63  }
0x3b: {  	s16 =	rddreg [dreg:$0x5];
	s14 =	simm.s32 $0x6880  }
0x3c: {  	[tilespmem:s14], [sflag:$0x1] =	stream.indirect_vreg.gather [hbm4b:s16+s5], $0x80, v3, vm0, $0xb8;
	[tilespmem:$0x1EC00] =	vst v63  }
0x3d: {  	s15 =	rddreg [dreg:$0x6];
	s16 =	simm.s32 $0x7080  }
0x3e: {  	[tilespmem:s16], [sflag:$0x1] =	stream.indirect_vreg.gather [hbm4b:s15+s5], $0x80, v3, vm0, $0xb8;
	[tilespmem:$0x1EC00] =	vst v63  }
0x3f: {  	s15 =	rddreg [dreg:$0x7];
	s16 =	simm.s32 $0x7880  }
0x40: {  	[tilespmem:s16], [sflag:$0x1] =	stream.indirect_vreg.gather [hbm4b:s15+s5], $0x80, v3, vm0, $0xb8;
	[tilespmem:$0x1EC00] =	vst v63  }
0x41: {  	s15 =	rddreg [dreg:$0x8];
	s16 =	simm.s32 $0x8080  }
0x42: {  	[tilespmem:s16], [sflag:$0x1] =	stream.indirect_vreg.gather [hbm4b:s15+s5], $0x80, v3, vm0, $0xb8;
	[tilespmem:$0x1EC00] =	vst v63  }
0x43: {  	s15 =	rddreg [dreg:$0x9];
	s16 =	simm.s32 $0x8880  }
0x44: {  	[tilespmem:s16], [sflag:$0x1] =	stream.indirect_vreg.gather [hbm4b:s15+s5], $0x80, v3, vm0, $0xb8;
	[tilespmem:$0x1EC00] =	vst v63  }
0x45: {  	s15 =	rddreg [dreg:$0xa];
	s16 =	simm.s32 $0x9080  }
0x46: {  	[tilespmem:s16], [sflag:$0x1] =	stream.indirect_vreg.gather [hbm4b:s15+s5], $0x80, v3, vm0, $0xb8;
	[tilespmem:$0x1EC00] =	vst v63  }
0x47: {  	s15 =	rddreg [dreg:$0xb];
	s16 =	simm.s32 $0x9880  }
0x48: {  	[tilespmem:s16], [sflag:$0x1] =	stream.indirect_vreg.gather [hbm4b:s15+s5], $0x80, v3, vm0, $0xb8;
	[tilespmem:$0x1EC00] =	vst v63  }
0x49: {  	s15 =	rddreg [dreg:$0xc];
	s16 =	simm.s32 $0xA080  }
0x4a: {  	[tilespmem:s16], [sflag:$0x1] =	stream.indirect_vreg.gather [hbm4b:s15+s5], $0x80, v3, vm0, $0xb8;
	[tilespmem:$0x1EC00] =	vst v63  }
0x4b: {  	s15 =	rddreg [dreg:$0xd];
	s16 =	simm.s32 $0xA880  }
0x4c: {  	[tilespmem:s16], [sflag:$0x1] =	stream.indirect_vreg.gather [hbm4b:s15+s5], $0x80, v3, vm0, $0xb8;
	[tilespmem:$0x1EC00] =	vst v63  }
0x4d: {  	s15 =	rddreg [dreg:$0xe];
	s16 =	simm.s32 $0xB080  }
0x4e: {  	[tilespmem:s16], [sflag:$0x1] =	stream.indirect_vreg.gather [hbm4b:s15+s5], $0x80, v3, vm0, $0xb8;
	[tilespmem:$0x1EC00] =	vst v63  }
0x4f: {  	s15 =	rddreg [dreg:$0xf];
	s16 =	simm.s32 $0xB880  }
0x50: {  	[tilespmem:s16], [sflag:$0x1] =	stream.indirect_vreg.gather [hbm4b:s15+s5], $0x80, v3, vm0, $0xb8;
	[tilespmem:$0x1EC00] =	vst v63  }
0x51: {  	s15 =	rddreg [dreg:$0x10];
	s16 =	simm.s32 $0xC080  }
0x52: {  	[tilespmem:s16], [sflag:$0x1] =	stream.indirect_vreg.gather [hbm4b:s15+s5], $0x80, v3, vm0, $0xb8;
	[tilespmem:$0x1EC00] =	vst v63  }
0x53: {  	s15 =	rddreg [dreg:$0x11];
	s16 =	simm.s32 $0xC880  }
0x54: {  	[tilespmem:s16], [sflag:$0x1] =	stream.indirect_vreg.gather [hbm4b:s15+s5], $0x80, v3, vm0, $0xb8;
	[tilespmem:$0x1EC00] =	vst v63  }
0x55: {  	s15 =	rddreg [dreg:$0x12];
	s16 =	simm.s32 $0xD080  }
0x56: {  	[tilespmem:s16], [sflag:$0x1] =	stream.indirect_vreg.gather [hbm4b:s15+s5], $0x80, v3, vm0, $0xb8;
	[tilespmem:$0x1EC00] =	vst v63  }
0x57: {  	s15 =	rddreg [dreg:$0x14];
	s16 =	simm.s32 $0xD880  }
0x58: {  	[tilespmem:s16], [sflag:$0x1] =	stream.indirect_vreg.gather [hbm4b:s15+s5], $0x80, v3, vm0, $0xb8;
	[tilespmem:$0x1EC00] =	vst v63  }
0x59: {  	s15 =	rddreg [dreg:$0x17];
	s16 =	simm.s32 $0xE080  }
0x5a: {  	[tilespmem:s16], [sflag:$0x1] =	stream.indirect_vreg.gather [hbm4b:s15+s5], $0x80, v3, vm0, $0xb8;
	[tilespmem:$0x1EC00] =	vst v63  }
0x5b: {  	s15 =	rddreg [dreg:$0x18];
	s16 =	simm.s32 $0xE880  }
0x5c: {  	[tilespmem:s16], [sflag:$0x1] =	stream.indirect_vreg.gather [hbm4b:s15+s5], $0x80, v3, vm0, $0xb8;
	[tilespmem:$0x1EC00] =	vst v63  }
0x5d: {  	s15 =	rddreg [dreg:$0x19];
	s16 =	simm.s32 $0xF080  }
0x5e: {  	[tilespmem:s16], [sflag:$0x1] =	stream.indirect_vreg.gather [hbm4b:s15+s5], $0x80, v3, vm0, $0xb8;
	[tilespmem:$0x1EC00] =	vst v63  }
0x5f: {  	s15 =	rddreg [dreg:$0x1a];
	s16 =	simm.s32 $0xF880  }
0x60: {  	[tilespmem:s16], [sflag:$0x1] =	stream.indirect_vreg.gather [hbm4b:s15+s5], $0x80, v3, vm0, $0xb8;
	[tilespmem:$0x1EC00] =	vst v63  }
0x61: {  	s15 =	rddreg [dreg:$0x1b];
	s16 =	simm.s32 $0x10080  }
0x62: {  	[tilespmem:s16], [sflag:$0x1] =	stream.indirect_vreg.gather [hbm4b:s15+s5], $0x80, v3, vm0, $0xb8;
	[tilespmem:$0x1EC00] =	vst v63  }
0x63: {  	s15 =	rddreg [dreg:$0x1c];
	s16 =	simm.s32 $0x10880  }
0x64: {  	[tilespmem:s16], [sflag:$0x1] =	stream.indirect_vreg.gather [hbm4b:s15+s5], $0x80, v3, vm0, $0xb8;
	[tilespmem:$0x1EC00] =	vst v63  }
0x65: {  	s15 =	rddreg [dreg:$0x1d];
	s16 =	simm.s32 $0x11080  }
0x66: {  	[tilespmem:s16], [sflag:$0x1] =	stream.indirect_vreg.gather [hbm4b:s15+s5], $0x80, v3, vm0, $0xb8;
	[tilespmem:$0x1EC00] =	vst v63  }
0x67: {  	s15 =	rddreg [dreg:$0x1e];
	s16 =	simm.s32 $0x11880  }
0x68: {  	[tilespmem:s16], [sflag:$0x1] =	stream.indirect_vreg.gather [hbm4b:s15+s5], $0x80, v3, vm0, $0xb8;
	[tilespmem:$0x1EC00] =	vst v63  }
0x69: {  	s15 =	rddreg [dreg:$0x1f];
	s16 =	simm.s32 $0x12080  }
0x6a: {  	[tilespmem:s16], [sflag:$0x1] =	stream.indirect_vreg.gather [hbm4b:s15+s5], $0x80, v3, vm0, $0xb8;
	[tilespmem:$0x1EC00] =	vst v63  }
0x6b: {  	s15 =	sld [smem:$0x7EF];
	_ =	sdelay $0x1  }
0x6c: {  	s16 =	simm.s32 $0x12880  }
0x6d: {  	[tilespmem:s16], [sflag:$0x1] =	stream.indirect_vreg.gather [hbm4b:s15+s5], $0x80, v3, vm0, $0xb8;
	[tilespmem:$0x1EC00] =	vst v63  }
0x6e: {  	s15 =	sld [smem:$0x7F0];
	_ =	sdelay $0x1  }
0x6f: {  	s16 =	simm.s32 $0x13080  }
0x70: {  	[tilespmem:s16], [sflag:$0x1] =	stream.indirect_vreg.gather [hbm4b:s15+s5], $0x80, v3, vm0, $0xb8;
	[tilespmem:$0x1EC00] =	vst v63  }
0x71: {  	s15 =	sld [smem:$0x7F1];
	_ =	sdelay $0x1  }
0x72: {  	s16 =	simm.s32 $0x13880  }
0x73: {  	[tilespmem:s16], [sflag:$0x1] =	stream.indirect_vreg.gather [hbm4b:s15+s5], $0x80, v3, vm0, $0xb8;
	[tilespmem:$0x1EC00] =	vst v63  }
0x74: {  	s15 =	sld [smem:$0x7F2];
	_ =	sdelay $0x1  }
0x75: {  	s16 =	simm.s32 $0x14080  }
0x76: {  	[tilespmem:s16], [sflag:$0x1] =	stream.indirect_vreg.gather [hbm4b:s15+s5], $0x80, v3, vm0, $0xb8;
	[tilespmem:$0x1EC00] =	vst v63  }
0x77: {  	s15 =	sld [smem:$0x7F3];
	_ =	sdelay $0x1  }
0x78: {  	s16 =	simm.s32 $0x14880  }
0x79: {  	[tilespmem:s16], [sflag:$0x1] =	stream.indirect_vreg.gather [hbm4b:s15+s5], $0x80, v3, vm0, $0xb8;
	[tilespmem:$0x1EC00] =	vst v63  }
0x7a: {  	s15 =	sld [smem:$0x7F4];
	_ =	sdelay $0x1  }
0x7b: {  	s16 =	simm.s32 $0x15080  }
0x7c: {  	[tilespmem:s16], [sflag:$0x1] =	stream.indirect_vreg.gather [hbm4b:s15+s5], $0x80, v3, vm0, $0xb8;
	[tilespmem:$0x1EC00] =	vst v63  }
0x7d: {  	s15 =	sld [smem:$0x7F5];
	_ =	sdelay $0x1  }
0x7e: {  	s16 =	simm.s32 $0x15880  }
0x7f: {  	[tilespmem:s16], [sflag:$0x1] =	stream.indirect_vreg.gather [hbm4b:s15+s5], $0x80, v3, vm0, $0xb8;
	[tilespmem:$0x1EC00] =	vst v63  }
0x80: {  	s15 =	sld [smem:$0x7F6];
	_ =	sdelay $0x1  }
0x81: {  	s16 =	simm.s32 $0x16080  }
0x82: {  	[tilespmem:s16], [sflag:$0x1] =	stream.indirect_vreg.gather [hbm4b:s15+s5], $0x80, v3, vm0, $0xb8;
	[tilespmem:$0x1EC00] =	vst v63  }
0x83: {  	s15 =	sld [smem:$0x7F7];
	_ =	sdelay $0x1  }
0x84: {  	s16 =	simm.s32 $0x16880  }
0x85: {  	[tilespmem:s16], [sflag:$0x1] =	stream.indirect_vreg.gather [hbm4b:s15+s5], $0x80, v3, vm0, $0xb8;
	[tilespmem:$0x1EC00] =	vst v63  }
0x86: {  	s15 =	sld [smem:$0x7F8];
	_ =	sdelay $0x1  }
0x87: {  	s16 =	simm.s32 $0x17080  }
0x88: {  	[tilespmem:s16], [sflag:$0x1] =	stream.indirect_vreg.gather [hbm4b:s15+s5], $0x80, v3, vm0, $0xb8;
	[tilespmem:$0x1EC00] =	vst v63  }
0x89: {  	s15 =	sld [smem:$0x7F9];
	_ =	sdelay $0x1  }
0x8a: {  	s16 =	simm.s32 $0x17880  }
0x8b: {  	[tilespmem:s16], [sflag:$0x1] =	stream.indirect_vreg.gather [hbm4b:s15+s5], $0x80, v3, vm0, $0xb8;
	[tilespmem:$0x1EC00] =	vst v63  }
0x8c: {  	s15 =	sld [smem:$0x7FA];
	_ =	sdelay $0x1  }
0x8d: {  	s16 =	simm.s32 $0x18080  }
0x8e: {  	[tilespmem:s16], [sflag:$0x1] =	stream.indirect_vreg.gather [hbm4b:s15+s5], $0x80, v3, vm0, $0xb8;
	[tilespmem:$0x1EC00] =	vst v63  }
0x8f: {  	s15 =	sld [smem:$0x7FB];
	_ =	sdelay $0x1  }
0x90: {  	s16 =	simm.s32 $0x18880  }
0x91: {  	[tilespmem:s16], [sflag:$0x1] =	stream.indirect_vreg.gather [hbm4b:s15+s5], $0x80, v3, vm0, $0xb8;
	[tilespmem:$0x1EC00] =	vst v63  }
0x92: {  	s15 =	sld [smem:$0x7FC];
	_ =	sdelay $0x1  }
0x93: {  	s16 =	simm.s32 $0x19080  }
0x94: {  	[tilespmem:s16], [sflag:$0x1] =	stream.indirect_vreg.gather [hbm4b:s15+s5], $0x80, v3, vm0, $0xb8;
	[tilespmem:$0x1EC00] =	vst v63  }
0x95: {  	s15 =	sld [smem:$0x7FD];
	_ =	sdelay $0x1  }
0x96: {  	s16 =	simm.s32 $0x19880  }
0x97: {  	[tilespmem:s16], [sflag:$0x1] =	stream.indirect_vreg.gather [hbm4b:s15+s5], $0x80, v3, vm0, $0xb8;
	[tilespmem:$0x1EC00] =	vst v63  }
0x98: {  	s15 =	simm.s32 $0x1A080  }
0x99: {  	[tilespmem:s15], [sflag:$0x1] =	stream.indirect_vreg.gather [hbm4b:s17+s5], $0x80, v3, vm0, $0xb8;
	[tilespmem:$0x1EC00] =	vst v63  }
0x9a: {  	s16 =	simm.s32 $0x1A880  }
0x9b: {  	[tilespmem:s16], [sflag:$0x1] =	stream.indirect_vreg.gather [hbm4b:s18+s5], $0x80, v3, vm0, $0xb8;
	[tilespmem:$0x1EC00] =	vst v63  }
0x9c: {  	s14 =	simm.s32 $0x1B080  }
0x9d: {  	[tilespmem:s14], [sflag:$0x1] =	stream.indirect_vreg.gather [hbm4b:s20+s5], $0x80, v3, vm0, $0xb8;
	[tilespmem:$0x1EC00] =	vst v63  }
0x9e: {  	s15 =	simm.s32 $0x1B880  }
0x9f: {  	[tilespmem:s15], [sflag:$0x1] =	stream.indirect_vreg.gather [hbm4b:s22+s5], $0x80, v3, vm0, $0xb8;
	[tilespmem:$0x1EC00] =	vst v63  }
0xa0: {  	s16 =	simm.s32 $0x1C080  }
0xa1: {  	[tilespmem:s16], [sflag:$0x1] =	stream.indirect_vreg.gather [hbm4b:s25+s5], $0x80, v3, vm0, $0xb8;
	[tilespmem:$0x1EC00] =	vst v63  }
0xa2: {  	s14 =	simm.s32 $0x1C880  }
0xa3: {  	[tilespmem:s14], [sflag:$0x1] =	stream.indirect_vreg.gather [hbm4b:s26+s5], $0x80, v3, vm0, $0xb8;
	[tilespmem:$0x1EC00] =	vst v63  }
0xa4: {  	s15 =	simm.s32 $0x1D080  }
0xa5: {  	[tilespmem:s15], [sflag:$0x1] =	stream.indirect_vreg.gather [hbm4b:s28+s5], $0x80, v3, vm0, $0xb8;
	[tilespmem:$0x1EC00] =	vst v63  }
0xa6: {  	s16 =	simm.s32 $0x1D880  }
0xa7: {  	[tilespmem:s16], [sflag:$0x1] =	stream.indirect_vreg.gather [hbm4b:s29+s5], $0x80, v3, vm0, $0xb8;
	[tilespmem:$0x1EC00] =	vst v63  }
0xa8: {  	s14 =	simm.s32 $0x1E080  }
0xa9: {  	[tilespmem:s14], [sflag:$0x1] =	stream.indirect_vreg.gather [hbm4b:s30+s5], $0x80, v3, vm1, $0xb8;
	[tilespmem:$0x1EC00] =	vst v63  }
0xaa: {  	s15 =	rddreg [dreg:$0x15];
	s16 =	simm.s32 $0x1E780  }
0xab: {  	[tilespmem:s16], [sflag:$0x1] =	stream.linear.gather [hbm4b:s15+s5], $0x400, $0x38;
	[tilespmem:$0x1EC00] =	vst v63  }
0xac: {  	v3 =	vld.msk [tilespmem:$0x0], $0x1;
	_ =	sdelay $0x4  }
0xad: {  	v63 =	vshll.u32 v3, $0x7  }
0xae: {  	v3 =	vand.u32 $0x7, v3;
	v4 =	vand.u32 $0xFFFFFC00, v63  }
0xaf: {  	v3 =	vor.u32 v3, v4  }
0xb0: {  	v3 =	vperm.xlane v3, v1;
	_ =	sdelay $0x1  }
0xb1: {  	v3 =	vadd.s32 v2, v3;
	_ =	sdelay $0x3  }
0xb2: {  	s14 =	rddreg [dreg:$0x0];
	s15 =	simm.s32 $0x2080  }
0xb3: {  	[tilespmem:s15], [sflag:$0x2] =	stream.indirect_vreg.gather [hbm4b:s14+s5], $0x80, v3, vm0, $0xb8;
	[tilespmem:$0x1EC00] =	vst v63  }
0xb4: {  	s16 =	simm.s32 $0x2880  }
0xb5: {  	[tilespmem:s16], [sflag:$0x2] =	stream.indirect_vreg.gather [hbm4b:s31+s5], $0x80, v3, vm0, $0xb8;
	[tilespmem:$0x1EC00] =	vst v63  }
0xb6: {  	s14 =	simm.s32 $0x3080  }
0xb7: {  	[tilespmem:s14], [sflag:$0x2] =	stream.indirect_vreg.gather [hbm4b:s0+s5], $0x80, v3, vm0, $0xb8;
	[tilespmem:$0x1EC00] =	vst v63  }
0xb8: {  	s15 =	simm.s32 $0x3880  }
0xb9: {  	[tilespmem:s15], [sflag:$0x2] =	stream.indirect_vreg.gather [hbm4b:s4+s5], $0x80, v3, vm0, $0xb8;
	[tilespmem:$0x1EC00] =	vst v63  }
0xba: {  	s16 =	simm.s32 $0x4080  }
0xbb: {  	[tilespmem:s16], [sflag:$0x2] =	stream.indirect_vreg.gather [hbm4b:s21+s5], $0x80, v3, vm0, $0xb8;
	[tilespmem:$0x1EC00] =	vst v63  }
0xbc: {  	s14 =	simm.s32 $0x4880  }
0xbd: {  	[tilespmem:s14], [sflag:$0x2] =	stream.indirect_vreg.gather [hbm4b:s23+s5], $0x80, v3, vm0, $0xb8;
	[tilespmem:$0x1EC00] =	vst v63  }
0xbe: {  	s15 =	simm.s32 $0x5080  }
0xbf: {  	[tilespmem:s15], [sflag:$0x2] =	stream.indirect_vreg.gather [hbm4b:s24+s5], $0x80, v3, vm0, $0xb8;
	[tilespmem:$0x1EC00] =	vst v63  }
0xc0: {  	s13 =	simm.s32 $0x80;
	s16 =	simm.s32 $0x5880  }
0xc1: {  	[tilespmem:s16], [sflag:$0x2] =	stream.indirect_vreg.gather [hbm4b:s1+s5], $0x80, v3, vm0, $0xb8;
	[tilespmem:$0x1EC00] =	vst v63  }
0xc2: {  	s14 =	simm.s32 $0x10;
	s15 =	simm.s32 $0x180;
	s16 =	sadd.s32 $0x0, s2  }
.LBB2_2:
0xc3: {  	[tilespmem:s13], [sflag:$0x3] =	stream.linear.gather [hbm4b:s16+s5], $0x80, $0x38;
	[tilespmem:$0x1EC00] =	vst v63  }
0xc4: {  	s16 =	smov.u32 s14;
	s13 =	smov.u32 s15;
	p0 =	sne.s32 s14, $0x1F0  }
.Ltmp0:
0xc5: {  	s14 =	sadd.s32 $0x10, s14;
	(pc) =	sbr.rel @p0 .LBB2_2-.Ltmp0, $2  }
0xc6: {  	_ =	sdelay $0x2  }
0xc7: {  	s15 =	sadd.s32 $0x100, s15;
	s16 =	sadd.s32 s16, s2  }
0xc8: {  	[tilespmem:s13], [sflag:$0x3] =	stream.linear.gather [hbm4b:s16+s5], $0x80, $0x38;
	[tilespmem:$0x1EC00] =	vst v63  }
0xc9: {  	_ =	swait.ge [sflag:s9], $0x4000  }
0xca: {  	[sflag:s9] =	ssyncset.done $0x0  }
0xcb: {  	[sflag:s9] =	ssyncadd.s32 $0xFFFFC000  }
0xcc: {  	_ =	swait.ge [sflag:s10], $0x18680  }
0xcd: {  	[sflag:s10] =	ssyncset.done $0x0  }
0xce: {  	[sflag:s10] =	ssyncadd.s32 $0xFFFE7980  }
0xcf: {  	_ =	swait.ge [sflag:s10], $0x400  }
0xd0: {  	[sflag:s10] =	ssyncset.done $0x0  }
0xd1: {  	[sflag:s10] =	ssyncadd.s32 $0xFFFFFC00  }
0xd2: {  	v3 =	vld [tilespmem:s19+$0x1E780];
	_ =	sdelay $0x4  }
0xd3: {  	[tilespmem:$0x1E700] =	vst v3  }
0xd4: {  	v3 =	vld [tilespmem:s19+$0x1E790];
	_ =	sdelay $0x4  }
0xd5: {  	[tilespmem:$0x1E710] =	vst v3  }
0xd6: {  	_ =	swait.ge [sflag:s11], $0x1000  }
0xd7: {  	[sflag:s11] =	ssyncset.done $0x0  }
0xd8: {  	s13 =	simm.s32 $0x0;
	s14 =	simm.s32 $0x100;
	[sflag:s11] =	ssyncadd.s32 $0xFFFFF000  }
.LBB2_4:
0xd9: {  	p0 =	sne.s32 s13, $0x1F0  }
.Ltmp1:
0xda: {  	_ = 	snop;
	(pc) =	sbr.rel @p0 .LBB2_4-.Ltmp1, $4  }
0xdb: {  	_ = 	snop  }
0xdc: {  	s15 =	sadd.s32 s13, s3  }
0xdd: {  	[tilespmem:s14], [sflag:$0x3] =	stream.linear.gather [hbm4b:s15+s5], $0x80, $0x38;
	[tilespmem:$0x1EC00] =	vst v63  }
0xde: {  	s13 =	sadd.s32 $0x10, s13;
	s14 =	sadd.s32 $0x100, s14  }
0xdf: {  	s13 =	simm.s32 $0xC0  }
0xe0: {  	v3 =	vld [tilespmem:s13+$0xFFFFFFC0]  }
0xe1: {  	v5 =	vld [tilespmem:s13+$0x30]  }
0xe2: {  	v4 =	vld [tilespmem:s13+$0xFFFFFFD0]  }
0xe3: {  	v7 =	vld [tilespmem:s13+$0x20]  }
0xe4: {  	v6 =	vld [tilespmem:s13+$0xFFFFFFE0]  }
0xe5: {  	v8 =	vld [tilespmem:s13+$0x10]  }
0xe6: {  	v9 =	vld [tilespmem:s13+$0xFFFFFFF0]  }
0xe7: {  	v10 =	vld [tilespmem:s13+$0x0];
	s13 =	simm.s32 $0x20C0  }
0xe8: {  	v11 =	vld [tilespmem:s13+$0xFFFFFFC0]  }
0xe9: {  	v3 =	vld.idx.msk [tilespmem:v3+s8+$0x0], $0xffff  }
0xea: {  	v12 =	vld [tilespmem:s13+$0xFFFFFFD0]  }
0xeb: {  	v4 =	vld.idx.msk [tilespmem:v4+s8+$0x0], $0xffff  }
0xec: {  	v13 =	vld [tilespmem:s13+$0xFFFFFFE0]  }
0xed: {  	v6 =	vld.idx.msk [tilespmem:v6+s8+$0x0], $0xffff  }
0xee: {  	v9 =	vld.idx.msk [tilespmem:v9+s8+$0x0], $0xffff;
	v3 =	vsub.f32 v11, v3  }
0xef: {  	v11 =	vld [tilespmem:s13+$0xFFFFFFF0]  }
0xf0: {  	v14 =	vld.idx.msk [tilespmem:v10+s8+$0x0], $0xffff;
	v4 =	vsub.f32 v12, v4;
	v10 =	vmul.f32 v3, v3  }
0xf1: {  	v15 =	vimm.f32 $0.0e+00;
	v63 =	vld [tilespmem:s13+$0x0]  }
0xf2: {  	v13 =	vsub.f32 v13, v6;
	v3 =	vld.idx.msk [tilespmem:v8+s8+$0x0], $0xffff;
	v8 =	vadd.f32 v10, v15;
	v10 =	vmul.f32 v4, v4  }
0xf3: {  	v6 =	vld [tilespmem:s13+$0x10]  }
0xf4: {  	v4 =	vld.idx.msk [tilespmem:v7+s8+$0x0], $0xffff;
	v11 =	vsub.f32 v11, v9;
	v8 =	vadd.f32 v10, v8;
	v10 =	vmul.f32 v13, v13  }
0xf5: {  	v7 =	vld [tilespmem:s13+$0x20]  }
0xf6: {  	v5 =	vld.idx.msk [tilespmem:v5+s8+$0x0], $0xffff;
	v9 =	vadd.f32 v10, v8;
	v10 =	vmul.f32 v11, v11;
	v11 =	vsub.f32 v63, v14  }
0xf7: {  	s14 =	simm.s32 $0x0;
	s15 =	simm.s32 $0x1C0;
	v8 =	vld [tilespmem:s13+$0x30]  }
.LBB2_6:
0xf8: {  	v12 =	vld [tilespmem:s15+$0xFFFFFFC0];
	s14 =	sadd.s32 $0x8, s14;
	v9 =	vadd.f32 v10, v9;
	v10 =	vmul.f32 v11, v11;
	v3 =	vsub.f32 v6, v3  }
0xf9: {  	v13 =	vld [tilespmem:s15+$0x30];
	p0 =	slt.u32 s14, $0xF8  }
0xfa: {  	v6 =	vld [tilespmem:s15+$0xFFFFFFD0];
	v9 =	vadd.f32 v10, v9;
	v3 =	vmul.f32 v3, v3;
	v4 =	vsub.f32 v7, v4  }
0xfb: {  	v7 =	vld [tilespmem:s15+$0x20]  }
0xfc: {  	v10 =	vld [tilespmem:s15+$0xFFFFFFE0];
	v3 =	vadd.f32 v3, v9;
	v4 =	vmul.f32 v4, v4;
	v5 =	vsub.f32 v8, v5  }
0xfd: {  	v8 =	vld [tilespmem:s15+$0x10]  }
0xfe: {  	v9 =	vld [tilespmem:s15+$0xFFFFFFF0];
	v3 =	vadd.f32 v4, v3;
	v4 =	vmul.f32 v5, v5  }
0xff: {  	v5 =	vld [tilespmem:s15+$0x0]  }
0x100: {  	s13 =	sadd.s32 $0x80, s13;
	v11 =	vld.idx.msk [tilespmem:v12+s8+$0x0], $0xffff;
	v3 =	vadd.f32 v4, v3  }
0x101: {  	v4 =	vld [tilespmem:s13+$0xFFFFFFC0]  }
0x102: {  	v6 =	vld.idx.msk [tilespmem:v6+s8+$0x0], $0xffff  }
0x103: {  	v12 =	vld [tilespmem:s13+$0xFFFFFFD0]  }
0x104: {  	v10 =	vld.idx.msk [tilespmem:v10+s8+$0x0], $0xffff  }
0x105: {  	v14 =	vld [tilespmem:s13+$0xFFFFFFE0]  }
0x106: {  	v4 =	vsub.f32 v4, v11;
	v9 =	vld.idx.msk [tilespmem:v9+s8+$0x0], $0xffff  }
0x107: {  	v11 =	vld [tilespmem:s13+$0xFFFFFFF0]  }
0x108: {  	v4 =	vmul.f32 v4, v4;
	v6 =	vsub.f32 v12, v6;
	v5 =	vld.idx.msk [tilespmem:v5+s8+$0x0], $0xffff  }
0x109: {  	v12 =	vld [tilespmem:s13+$0x0]  }
0x10a: {  	v4 =	vadd.f32 v4, v3;
	v15 =	vmul.f32 v6, v6;
	v10 =	vsub.f32 v14, v10;
	v3 =	vld.idx.msk [tilespmem:v8+s8+$0x0], $0xffff  }
.Ltmp2:
0x10b: {  	v6 =	vld [tilespmem:s13+$0x10];
	(pc) =	sbr.rel @p0 .LBB2_6-.Ltmp2, $4  }
0x10c: {  	v8 =	vadd.f32 v15, v4;
	v10 =	vmul.f32 v10, v10;
	v11 =	vsub.f32 v11, v9;
	v4 =	vld.idx.msk [tilespmem:v7+s8+$0x0], $0xffff  }
0x10d: {  	v7 =	vld [tilespmem:s13+$0x20]  }
0x10e: {  	v9 =	vadd.f32 v10, v8;
	v10 =	vmul.f32 v11, v11;
	v11 =	vsub.f32 v12, v5;
	v5 =	vld.idx.msk [tilespmem:v13+s8+$0x0], $0xffff  }
0x10f: {  	s15 =	sadd.s32 $0x100, s15;
	v8 =	vld [tilespmem:s13+$0x30]  }
0x110: {  	v9 =	vadd.f32 v10, v9;
	v63 =	vmul.f32 v11, v11;
	v3 =	vsub.f32 v6, v3;
	_ =	sdelay $0x1  }
0x111: {  	v6 =	vadd.f32 v63, v9;
	v3 =	vmul.f32 v3, v3;
	v4 =	vsub.f32 v7, v4;
	_ =	sdelay $0x1  }
0x112: {  	v3 =	vadd.f32 v3, v6;
	v4 =	vmul.f32 v4, v4;
	v5 =	vsub.f32 v8, v5;
	_ =	sdelay $0x1  }
0x113: {  	_ =	swait.ge [sflag:s11], $0x1000;
	v3 =	vadd.f32 v4, v3;
	v4 =	vmul.f32 v5, v5  }
0x114: {  	[sflag:s11] =	ssyncset.done $0x0  }
0x115: {  	s13 =	simm.s32 $0x0;
	s14 =	simm.s32 $0x80;
	[sflag:s11] =	ssyncadd.s32 $0xFFFFF000;
	v4 =	vadd.f32 v4, v3  }
.LBB2_8:
0x116: {  	p0 =	sne.s32 s13, $0x1F0  }
.Ltmp3:
0x117: {  	_ = 	snop;
	(pc) =	sbr.rel @p0 .LBB2_8-.Ltmp3, $4  }
0x118: {  	_ = 	snop  }
0x119: {  	s15 =	sadd.s32 s13, s6  }
0x11a: {  	[tilespmem:s14], [sflag:$0x3] =	stream.linear.gather [hbm4b:s15+s5], $0x80, $0x38;
	[tilespmem:$0x1EC00] =	vst v63  }
0x11b: {  	s13 =	sadd.s32 $0x10, s13;
	s14 =	sadd.s32 $0x100, s14  }
0x11c: {  	s13 =	simm.s32 $0x170  }
0x11d: {  	v3 =	vld [tilespmem:s13+$0xFFFFFF90]  }
0x11e: {  	v5 =	vld [tilespmem:s13+$0x0]  }
0x11f: {  	v6 =	vld [tilespmem:s13+$0xFFFFFFA0]  }
0x120: {  	v7 =	vld [tilespmem:s13+$0xFFFFFFF0]  }
0x121: {  	v8 =	vld [tilespmem:s13+$0xFFFFFFB0]  }
0x122: {  	v9 =	vld [tilespmem:s13+$0xFFFFFFE0]  }
0x123: {  	v10 =	vld [tilespmem:s13+$0xFFFFFFC0]  }
0x124: {  	v11 =	vld [tilespmem:s13+$0xFFFFFFD0];
	s13 =	simm.s32 $0x30F0  }
0x125: {  	v12 =	vld [tilespmem:s13+$0xFFFFFF90]  }
0x126: {  	v3 =	vld.idx.msk [tilespmem:v3+s8+$0x0], $0xffff  }
0x127: {  	v13 =	vld [tilespmem:s13+$0xFFFFFFA0]  }
0x128: {  	v6 =	vld.idx.msk [tilespmem:v6+s8+$0x0], $0xffff  }
0x129: {  	v14 =	vld [tilespmem:s13+$0xFFFFFFB0]  }
0x12a: {  	v8 =	vld.idx.msk [tilespmem:v8+s8+$0x0], $0xffff  }
0x12b: {  	v61 =	vld [tilespmem:s13+$0xFFFFFFC0];
	v3 =	vsub.f32 v12, v3  }
0x12c: {  	v10 =	vld.idx.msk [tilespmem:v10+s8+$0x0], $0xffff  }
0x12d: {  	v62 =	vld [tilespmem:s13+$0xFFFFFFD0];
	v6 =	vsub.f32 v13, v6;
	v15 =	vmul.f32 v3, v3  }
0x12e: {  	v11 =	vld.idx.msk [tilespmem:v11+s8+$0x0], $0xffff  }
0x12f: {  	v8 =	vsub.f32 v14, v8;
	v3 =	vld.idx.msk [tilespmem:v9+s8+$0x0], $0xffff;
	v63 =	vmul.f32 v6, v6;
	v9 =	vadd.f32 v15, v4  }
0x130: {  	v6 =	vld [tilespmem:s13+$0xFFFFFFE0]  }
0x131: {  	v10 =	vsub.f32 v61, v10;
	v8 =	vmul.f32 v8, v8;
	v4 =	vld.idx.msk [tilespmem:v7+s8+$0x0], $0xffff;
	v9 =	vadd.f32 v63, v9  }
0x132: {  	v7 =	vld [tilespmem:s13+$0xFFFFFFF0]  }
0x133: {  	v5 =	vld.idx.msk [tilespmem:v5+s8+$0x0], $0xffff;
	v11 =	vsub.f32 v62, v11;
	v10 =	vmul.f32 v10, v10;
	v9 =	vadd.f32 v8, v9  }
0x134: {  	s14 =	simm.s32 $0x0;
	s15 =	simm.s32 $0x270;
	v8 =	vld [tilespmem:s13+$0x0]  }
.LBB2_10:
0x135: {  	v12 =	vld [tilespmem:s15+$0xFFFFFF90];
	s14 =	sadd.s32 $0x8, s14;
	v9 =	vadd.f32 v10, v9;
	v10 =	vmul.f32 v11, v11;
	v3 =	vsub.f32 v6, v3  }
0x136: {  	v13 =	vld [tilespmem:s15+$0x0];
	p0 =	slt.u32 s14, $0xF8  }
0x137: {  	v6 =	vld [tilespmem:s15+$0xFFFFFFA0];
	v9 =	vadd.f32 v10, v9;
	v3 =	vmul.f32 v3, v3;
	v4 =	vsub.f32 v7, v4  }
0x138: {  	v7 =	vld [tilespmem:s15+$0xFFFFFFF0]  }
0x139: {  	v10 =	vld [tilespmem:s15+$0xFFFFFFB0];
	v3 =	vadd.f32 v3, v9;
	v4 =	vmul.f32 v4, v4;
	v5 =	vsub.f32 v8, v5  }
0x13a: {  	v8 =	vld [tilespmem:s15+$0xFFFFFFE0]  }
0x13b: {  	v9 =	vld [tilespmem:s15+$0xFFFFFFC0];
	v3 =	vadd.f32 v4, v3;
	v4 =	vmul.f32 v5, v5  }
0x13c: {  	v5 =	vld [tilespmem:s15+$0xFFFFFFD0]  }
0x13d: {  	s13 =	sadd.s32 $0x80, s13;
	v11 =	vld.idx.msk [tilespmem:v12+s8+$0x0], $0xffff;
	v3 =	vadd.f32 v4, v3  }
0x13e: {  	v4 =	vld [tilespmem:s13+$0xFFFFFF90]  }
0x13f: {  	v6 =	vld.idx.msk [tilespmem:v6+s8+$0x0], $0xffff  }
0x140: {  	v12 =	vld [tilespmem:s13+$0xFFFFFFA0]  }
0x141: {  	v10 =	vld.idx.msk [tilespmem:v10+s8+$0x0], $0xffff  }
0x142: {  	v14 =	vld [tilespmem:s13+$0xFFFFFFB0]  }
0x143: {  	v4 =	vsub.f32 v4, v11;
	v9 =	vld.idx.msk [tilespmem:v9+s8+$0x0], $0xffff  }
0x144: {  	v11 =	vld [tilespmem:s13+$0xFFFFFFC0]  }
0x145: {  	v4 =	vmul.f32 v4, v4;
	v6 =	vsub.f32 v12, v6;
	v5 =	vld.idx.msk [tilespmem:v5+s8+$0x0], $0xffff  }
0x146: {  	v12 =	vld [tilespmem:s13+$0xFFFFFFD0]  }
0x147: {  	v4 =	vadd.f32 v4, v3;
	v15 =	vmul.f32 v6, v6;
	v10 =	vsub.f32 v14, v10;
	v3 =	vld.idx.msk [tilespmem:v8+s8+$0x0], $0xffff  }
.Ltmp4:
0x148: {  	v6 =	vld [tilespmem:s13+$0xFFFFFFE0];
	(pc) =	sbr.rel @p0 .LBB2_10-.Ltmp4, $4  }
0x149: {  	v8 =	vadd.f32 v15, v4;
	v10 =	vmul.f32 v10, v10;
	v11 =	vsub.f32 v11, v9;
	v4 =	vld.idx.msk [tilespmem:v7+s8+$0x0], $0xffff  }
0x14a: {  	v7 =	vld [tilespmem:s13+$0xFFFFFFF0]  }
0x14b: {  	v9 =	vadd.f32 v10, v8;
	v10 =	vmul.f32 v11, v11;
	v11 =	vsub.f32 v12, v5;
	v5 =	vld.idx.msk [tilespmem:v13+s8+$0x0], $0xffff  }
0x14c: {  	s15 =	sadd.s32 $0x100, s15;
	v8 =	vld [tilespmem:s13+$0x0]  }
0x14d: {  	v9 =	vadd.f32 v10, v9;
	v62 =	vmul.f32 v11, v11;
	v3 =	vsub.f32 v6, v3;
	_ =	sdelay $0x1  }
0x14e: {  	v63 =	vadd.f32 v62, v9;
	v3 =	vmul.f32 v3, v3;
	v4 =	vsub.f32 v7, v4;
	_ =	sdelay $0x1  }
0x14f: {  	v3 =	vadd.f32 v3, v63;
	v4 =	vmul.f32 v4, v4;
	v5 =	vsub.f32 v8, v5;
	_ =	sdelay $0x1  }
0x150: {  	_ =	swait.ge [sflag:s11], $0x1000;
	v3 =	vadd.f32 v4, v3;
	v4 =	vmul.f32 v5, v5  }
0x151: {  	[sflag:s11] =	ssyncset.done $0x0  }
0x152: {  	s13 =	simm.s32 $0x0;
	s14 =	simm.s32 $0x100;
	[sflag:s11] =	ssyncadd.s32 $0xFFFFF000;
	v3 =	vadd.f32 v4, v3  }
.LBB2_12:
0x153: {  	p0 =	sne.s32 s13, $0x1F0  }
.Ltmp5:
0x154: {  	_ = 	snop;
	(pc) =	sbr.rel @p0 .LBB2_12-.Ltmp5, $4  }
0x155: {  	_ = 	snop  }
0x156: {  	s15 =	sadd.s32 s13, s7  }
0x157: {  	[tilespmem:s14], [sflag:$0x3] =	stream.linear.gather [hbm4b:s15+s5], $0x80, $0x38;
	[tilespmem:$0x1EC00] =	vst v63  }
0x158: {  	s13 =	sadd.s32 $0x10, s13;
	s14 =	sadd.s32 $0x100, s14  }
0x159: {  	s13 =	simm.s32 $0xC0  }
0x15a: {  	v4 =	vld [tilespmem:s13+$0xFFFFFFC0]  }
0x15b: {  	v8 =	vld [tilespmem:s13+$0x30]  }
0x15c: {  	v5 =	vld [tilespmem:s13+$0xFFFFFFD0]  }
0x15d: {  	v6 =	vld [tilespmem:s13+$0x20]  }
0x15e: {  	v7 =	vld [tilespmem:s13+$0xFFFFFFE0]  }
0x15f: {  	v9 =	vld [tilespmem:s13+$0x10]  }
0x160: {  	v10 =	vld [tilespmem:s13+$0xFFFFFFF0]  }
0x161: {  	v11 =	vld [tilespmem:s13+$0x0];
	s13 =	simm.s32 $0x40F0  }
0x162: {  	v12 =	vld [tilespmem:s13+$0xFFFFFF90]  }
0x163: {  	v4 =	vld.idx.msk [tilespmem:v4+s8+$0x0], $0xffff  }
0x164: {  	v13 =	vld [tilespmem:s13+$0xFFFFFFA0]  }
0x165: {  	v5 =	vld.idx.msk [tilespmem:v5+s8+$0x0], $0xffff  }
0x166: {  	v14 =	vld [tilespmem:s13+$0xFFFFFFB0]  }
0x167: {  	v7 =	vld.idx.msk [tilespmem:v7+s8+$0x0], $0xffff  }
0x168: {  	v62 =	vld [tilespmem:s13+$0xFFFFFFC0];
	v4 =	vsub.f32 v12, v4  }
0x169: {  	v10 =	vld.idx.msk [tilespmem:v10+s8+$0x0], $0xffff  }
0x16a: {  	v15 =	vld [tilespmem:s13+$0xFFFFFFD0];
	v13 =	vsub.f32 v13, v5;
	v4 =	vmul.f32 v4, v4  }
0x16b: {  	v11 =	vld.idx.msk [tilespmem:v11+s8+$0x0], $0xffff  }
0x16c: {  	v5 =	vld.idx.msk [tilespmem:v9+s8+$0x0], $0xffff;
	v63 =	vsub.f32 v14, v7;
	v9 =	vmul.f32 v13, v13;
	v4 =	vadd.f32 v4, v3  }
0x16d: {  	v7 =	vld [tilespmem:s13+$0xFFFFFFE0]  }
0x16e: {  	v10 =	vsub.f32 v62, v10;
	v13 =	vmul.f32 v63, v63;
	v3 =	vld.idx.msk [tilespmem:v6+s8+$0x0], $0xffff;
	v9 =	vadd.f32 v9, v4  }
0x16f: {  	v6 =	vld [tilespmem:s13+$0xFFFFFFF0]  }
0x170: {  	v11 =	vsub.f32 v15, v11;
	v10 =	vmul.f32 v10, v10;
	v4 =	vld.idx.msk [tilespmem:v8+s8+$0x0], $0xffff;
	v9 =	vadd.f32 v13, v9  }
0x171: {  	s14 =	simm.s32 $0x0;
	s15 =	simm.s32 $0x1C0;
	v8 =	vld [tilespmem:s13+$0x0]  }
.LBB2_14:
0x172: {  	v12 =	vld [tilespmem:s15+$0xFFFFFFC0];
	s14 =	sadd.s32 $0x8, s14;
	v9 =	vadd.f32 v10, v9;
	v10 =	vmul.f32 v11, v11;
	v5 =	vsub.f32 v7, v5  }
0x173: {  	v13 =	vld [tilespmem:s15+$0x30];
	p0 =	slt.u32 s14, $0xF8  }
0x174: {  	v7 =	vld [tilespmem:s15+$0xFFFFFFD0];
	v9 =	vadd.f32 v10, v9;
	v5 =	vmul.f32 v5, v5;
	v3 =	vsub.f32 v6, v3  }
0x175: {  	v6 =	vld [tilespmem:s15+$0x20]  }
0x176: {  	v10 =	vld [tilespmem:s15+$0xFFFFFFE0];
	v5 =	vadd.f32 v5, v9;
	v3 =	vmul.f32 v3, v3;
	v4 =	vsub.f32 v8, v4  }
0x177: {  	v8 =	vld [tilespmem:s15+$0x10]  }
0x178: {  	v9 =	vld [tilespmem:s15+$0xFFFFFFF0];
	v3 =	vadd.f32 v3, v5;
	v4 =	vmul.f32 v4, v4  }
0x179: {  	v5 =	vld [tilespmem:s15+$0x0]  }
0x17a: {  	s13 =	sadd.s32 $0x80, s13;
	v11 =	vld.idx.msk [tilespmem:v12+s8+$0x0], $0xffff;
	v3 =	vadd.f32 v4, v3  }
0x17b: {  	v4 =	vld [tilespmem:s13+$0xFFFFFF90]  }
0x17c: {  	v7 =	vld.idx.msk [tilespmem:v7+s8+$0x0], $0xffff  }
0x17d: {  	v12 =	vld [tilespmem:s13+$0xFFFFFFA0]  }
0x17e: {  	v10 =	vld.idx.msk [tilespmem:v10+s8+$0x0], $0xffff  }
0x17f: {  	v14 =	vld [tilespmem:s13+$0xFFFFFFB0]  }
0x180: {  	v4 =	vsub.f32 v4, v11;
	v9 =	vld.idx.msk [tilespmem:v9+s8+$0x0], $0xffff  }
0x181: {  	v11 =	vld [tilespmem:s13+$0xFFFFFFC0]  }
0x182: {  	v4 =	vmul.f32 v4, v4;
	v7 =	vsub.f32 v12, v7;
	v12 =	vld.idx.msk [tilespmem:v5+s8+$0x0], $0xffff  }
0x183: {  	v15 =	vld [tilespmem:s13+$0xFFFFFFD0]  }
0x184: {  	v3 =	vadd.f32 v4, v3;
	v4 =	vmul.f32 v7, v7;
	v10 =	vsub.f32 v14, v10;
	v5 =	vld.idx.msk [tilespmem:v8+s8+$0x0], $0xffff  }
.Ltmp6:
0x185: {  	v7 =	vld [tilespmem:s13+$0xFFFFFFE0];
	(pc) =	sbr.rel @p0 .LBB2_14-.Ltmp6, $4  }
0x186: {  	v4 =	vadd.f32 v4, v3;
	v8 =	vmul.f32 v10, v10;
	v10 =	vsub.f32 v11, v9;
	v3 =	vld.idx.msk [tilespmem:v6+s8+$0x0], $0xffff  }
0x187: {  	v6 =	vld [tilespmem:s13+$0xFFFFFFF0]  }
0x188: {  	v9 =	vadd.f32 v8, v4;
	v10 =	vmul.f32 v10, v10;
	v11 =	vsub.f32 v15, v12;
	v4 =	vld.idx.msk [tilespmem:v13+s8+$0x0], $0xffff  }
0x189: {  	s15 =	sadd.s32 $0x100, s15;
	v8 =	vld [tilespmem:s13+$0x0]  }
0x18a: {  	_ =	swait.ge [sflag:s11], $0x1000  }
0x18b: {  	[sflag:s11] =	ssyncset.done $0x0  }
0x18c: {  	s13 =	simm.s32 $0x170;
	[sflag:s11] =	ssyncadd.s32 $0xFFFFF000  }
0x18d: {  	v12 =	vld [tilespmem:s13+$0xFFFFFF90]  }
0x18e: {  	v13 =	vld [tilespmem:s13+$0x0]  }
0x18f: {  	v14 =	vld [tilespmem:s13+$0xFFFFFFA0]  }
0x190: {  	v15 =	vld [tilespmem:s13+$0xFFFFFFF0]  }
0x191: {  	v16 =	vld [tilespmem:s13+$0xFFFFFFB0]  }
0x192: {  	v17 =	vld [tilespmem:s13+$0xFFFFFFE0]  }
0x193: {  	v18 =	vld [tilespmem:s13+$0xFFFFFFC0]  }
0x194: {  	v19 =	vld [tilespmem:s13+$0xFFFFFFD0];
	s13 =	simm.s32 $0x50F0  }
0x195: {  	v9 =	vadd.f32 v10, v9;
	v10 =	vmul.f32 v11, v11;
	v5 =	vsub.f32 v7, v5;
	v7 =	vld [tilespmem:s13+$0xFFFFFF90]  }
0x196: {  	v12 =	vld.idx.msk [tilespmem:v12+s8+$0x0], $0xffff  }
0x197: {  	v9 =	vadd.f32 v10, v9;
	v5 =	vmul.f32 v5, v5;
	v3 =	vsub.f32 v6, v3;
	v6 =	vld [tilespmem:s13+$0xFFFFFFA0]  }
0x198: {  	v11 =	vld.idx.msk [tilespmem:v14+s8+$0x0], $0xffff  }
0x199: {  	v5 =	vadd.f32 v5, v9;
	v3 =	vmul.f32 v3, v3;
	v4 =	vsub.f32 v8, v4;
	v8 =	vld [tilespmem:s13+$0xFFFFFFB0]  }
0x19a: {  	v10 =	vld.idx.msk [tilespmem:v16+s8+$0x0], $0xffff  }
0x19b: {  	v3 =	vadd.f32 v3, v5;
	v4 =	vmul.f32 v4, v4;
	v9 =	vld.idx.msk [tilespmem:v18+s8+$0x0], $0xffff;
	v5 =	vsub.f32 v7, v12  }
0x19c: {  	v7 =	vld [tilespmem:s13+$0xFFFFFFC0]  }
0x19d: {  	v4 =	vadd.f32 v4, v3;
	v61 =	vld.idx.msk [tilespmem:v19+s8+$0x0], $0xffff;
	v6 =	vsub.f32 v6, v11;
	v5 =	vmul.f32 v5, v5  }
0x19e: {  	v11 =	vld [tilespmem:s13+$0xFFFFFFD0]  }
0x19f: {  	v3 =	vld.idx.msk [tilespmem:v17+s8+$0x0], $0xffff;
	v8 =	vsub.f32 v8, v10;
	v62 =	vmul.f32 v6, v6;
	v5 =	vadd.f32 v5, v4  }
0x1a0: {  	v6 =	vld [tilespmem:s13+$0xFFFFFFE0]  }
0x1a1: {  	v8 =	vmul.f32 v8, v8;
	v4 =	vld.idx.msk [tilespmem:v15+s8+$0x0], $0xffff;
	v63 =	vsub.f32 v7, v9;
	v10 =	vadd.f32 v62, v5  }
0x1a2: {  	v7 =	vld [tilespmem:s13+$0xFFFFFFF0]  }
0x1a3: {  	v11 =	vsub.f32 v11, v61;
	v5 =	vld.idx.msk [tilespmem:v13+s8+$0x0], $0xffff;
	v9 =	vadd.f32 v8, v10;
	v10 =	vmul.f32 v63, v63  }
0x1a4: {  	s14 =	simm.s32 $0x0;
	s15 =	simm.s32 $0x270;
	v8 =	vld [tilespmem:s13+$0x0]  }
.LBB2_16:
0x1a5: {  	v12 =	vld [tilespmem:s15+$0xFFFFFF90];
	s14 =	sadd.s32 $0x8, s14;
	v9 =	vadd.f32 v10, v9;
	v10 =	vmul.f32 v11, v11;
	v3 =	vsub.f32 v6, v3  }
0x1a6: {  	v13 =	vld [tilespmem:s15+$0x0];
	p0 =	slt.u32 s14, $0xF8  }
0x1a7: {  	v6 =	vld [tilespmem:s15+$0xFFFFFFA0];
	v9 =	vadd.f32 v10, v9;
	v3 =	vmul.f32 v3, v3;
	v4 =	vsub.f32 v7, v4  }
0x1a8: {  	v7 =	vld [tilespmem:s15+$0xFFFFFFF0]  }
0x1a9: {  	v10 =	vld [tilespmem:s15+$0xFFFFFFB0];
	v3 =	vadd.f32 v3, v9;
	v4 =	vmul.f32 v4, v4;
	v5 =	vsub.f32 v8, v5  }
0x1aa: {  	v8 =	vld [tilespmem:s15+$0xFFFFFFE0]  }
0x1ab: {  	v9 =	vld [tilespmem:s15+$0xFFFFFFC0];
	v3 =	vadd.f32 v4, v3;
	v4 =	vmul.f32 v5, v5  }
0x1ac: {  	v5 =	vld [tilespmem:s15+$0xFFFFFFD0]  }
0x1ad: {  	s13 =	sadd.s32 $0x80, s13;
	v11 =	vld.idx.msk [tilespmem:v12+s8+$0x0], $0xffff;
	v3 =	vadd.f32 v4, v3  }
0x1ae: {  	v4 =	vld [tilespmem:s13+$0xFFFFFF90]  }
0x1af: {  	v6 =	vld.idx.msk [tilespmem:v6+s8+$0x0], $0xffff  }
0x1b0: {  	v12 =	vld [tilespmem:s13+$0xFFFFFFA0]  }
0x1b1: {  	v10 =	vld.idx.msk [tilespmem:v10+s8+$0x0], $0xffff  }
0x1b2: {  	v14 =	vld [tilespmem:s13+$0xFFFFFFB0]  }
0x1b3: {  	v4 =	vsub.f32 v4, v11;
	v9 =	vld.idx.msk [tilespmem:v9+s8+$0x0], $0xffff  }
0x1b4: {  	v11 =	vld [tilespmem:s13+$0xFFFFFFC0]  }
0x1b5: {  	v4 =	vmul.f32 v4, v4;
	v6 =	vsub.f32 v12, v6;
	v5 =	vld.idx.msk [tilespmem:v5+s8+$0x0], $0xffff  }
0x1b6: {  	v12 =	vld [tilespmem:s13+$0xFFFFFFD0]  }
0x1b7: {  	v4 =	vadd.f32 v4, v3;
	v15 =	vmul.f32 v6, v6;
	v10 =	vsub.f32 v14, v10;
	v3 =	vld.idx.msk [tilespmem:v8+s8+$0x0], $0xffff  }
.Ltmp7:
0x1b8: {  	v6 =	vld [tilespmem:s13+$0xFFFFFFE0];
	(pc) =	sbr.rel @p0 .LBB2_16-.Ltmp7, $4  }
0x1b9: {  	v8 =	vadd.f32 v15, v4;
	v10 =	vmul.f32 v10, v10;
	v11 =	vsub.f32 v11, v9;
	v4 =	vld.idx.msk [tilespmem:v7+s8+$0x0], $0xffff  }
0x1ba: {  	v7 =	vld [tilespmem:s13+$0xFFFFFFF0]  }
0x1bb: {  	v9 =	vadd.f32 v10, v8;
	v10 =	vmul.f32 v11, v11;
	v11 =	vsub.f32 v12, v5;
	v5 =	vld.idx.msk [tilespmem:v13+s8+$0x0], $0xffff  }
0x1bc: {  	s15 =	sadd.s32 $0x100, s15;
	v8 =	vld [tilespmem:s13+$0x0]  }
0x1bd: {  	v12 =	vld.msk [tilespmem:$0x8], $0x1;
	_ =	sdelay $0x4  }
0x1be: {  	v13 =	vshrl.u32 v12, $0x3  }
0x1bf: {  	v13 =	vmul.u32 $0x1870, v13  }
0x1c0: {  	v12 =	vand.u32 $0x7, v12  }
0x1c1: {  	v12 =	vor.u32 v12, v13  }
0x1c2: {  	v12 =	vperm.xlane v12, v1;
	_ =	sdelay $0x1  }
0x1c3: {  	v12 =	vadd.s32 v2, v12;
	_ =	sdelay $0x3  }
0x1c4: {  	s13 =	simm.s32 $0x0;
	s14 =	rddreg [dreg:$0x2]  }
0x1c5: {  	[tilespmem:s8], [sflag:$0x1] =	stream.indirect_vreg.gather [hbm4b:s14+s13], $0x80, v12, vm0, $0xb8;
	[tilespmem:$0x1EC00] =	vst v63  }
0x1c6: {  	s16 =	rddreg [dreg:$0x5];
	s15 =	simm.s32 $0x6880  }
0x1c7: {  	[tilespmem:s15], [sflag:$0x1] =	stream.indirect_vreg.gather [hbm4b:s16+s13], $0x80, v12, vm0, $0xb8;
	[tilespmem:$0x1EC00] =	vst v63  }
0x1c8: {  	s15 =	rddreg [dreg:$0x6];
	s16 =	simm.s32 $0x7080  }
0x1c9: {  	[tilespmem:s16], [sflag:$0x1] =	stream.indirect_vreg.gather [hbm4b:s15+s13], $0x80, v12, vm0, $0xb8;
	[tilespmem:$0x1EC00] =	vst v63  }
0x1ca: {  	s15 =	rddreg [dreg:$0x7];
	s16 =	simm.s32 $0x7880  }
0x1cb: {  	[tilespmem:s16], [sflag:$0x1] =	stream.indirect_vreg.gather [hbm4b:s15+s13], $0x80, v12, vm0, $0xb8;
	[tilespmem:$0x1EC00] =	vst v63  }
0x1cc: {  	s15 =	rddreg [dreg:$0x8];
	s16 =	simm.s32 $0x8080  }
0x1cd: {  	[tilespmem:s16], [sflag:$0x1] =	stream.indirect_vreg.gather [hbm4b:s15+s13], $0x80, v12, vm0, $0xb8;
	[tilespmem:$0x1EC00] =	vst v63  }
0x1ce: {  	s15 =	rddreg [dreg:$0x9];
	s16 =	simm.s32 $0x8880  }
0x1cf: {  	[tilespmem:s16], [sflag:$0x1] =	stream.indirect_vreg.gather [hbm4b:s15+s13], $0x80, v12, vm0, $0xb8;
	[tilespmem:$0x1EC00] =	vst v63  }
0x1d0: {  	s15 =	rddreg [dreg:$0xa];
	s16 =	simm.s32 $0x9080  }
0x1d1: {  	[tilespmem:s16], [sflag:$0x1] =	stream.indirect_vreg.gather [hbm4b:s15+s13], $0x80, v12, vm0, $0xb8;
	[tilespmem:$0x1EC00] =	vst v63  }
0x1d2: {  	s15 =	rddreg [dreg:$0xb];
	s16 =	simm.s32 $0x9880  }
0x1d3: {  	[tilespmem:s16], [sflag:$0x1] =	stream.indirect_vreg.gather [hbm4b:s15+s13], $0x80, v12, vm0, $0xb8;
	[tilespmem:$0x1EC00] =	vst v63  }
0x1d4: {  	s15 =	rddreg [dreg:$0xc];
	s16 =	simm.s32 $0xA080  }
0x1d5: {  	[tilespmem:s16], [sflag:$0x1] =	stream.indirect_vreg.gather [hbm4b:s15+s13], $0x80, v12, vm0, $0xb8;
	[tilespmem:$0x1EC00] =	vst v63  }
0x1d6: {  	s15 =	rddreg [dreg:$0xd];
	s16 =	simm.s32 $0xA880  }
0x1d7: {  	[tilespmem:s16], [sflag:$0x1] =	stream.indirect_vreg.gather [hbm4b:s15+s13], $0x80, v12, vm0, $0xb8;
	[tilespmem:$0x1EC00] =	vst v63  }
0x1d8: {  	s15 =	rddreg [dreg:$0xe];
	s16 =	simm.s32 $0xB080  }
0x1d9: {  	[tilespmem:s16], [sflag:$0x1] =	stream.indirect_vreg.gather [hbm4b:s15+s13], $0x80, v12, vm0, $0xb8;
	[tilespmem:$0x1EC00] =	vst v63  }
0x1da: {  	s15 =	rddreg [dreg:$0xf];
	s16 =	simm.s32 $0xB880  }
0x1db: {  	[tilespmem:s16], [sflag:$0x1] =	stream.indirect_vreg.gather [hbm4b:s15+s13], $0x80, v12, vm0, $0xb8;
	[tilespmem:$0x1EC00] =	vst v63  }
0x1dc: {  	s15 =	rddreg [dreg:$0x10];
	s16 =	simm.s32 $0xC080  }
0x1dd: {  	[tilespmem:s16], [sflag:$0x1] =	stream.indirect_vreg.gather [hbm4b:s15+s13], $0x80, v12, vm0, $0xb8;
	[tilespmem:$0x1EC00] =	vst v63  }
0x1de: {  	s15 =	rddreg [dreg:$0x11];
	s16 =	simm.s32 $0xC880  }
0x1df: {  	[tilespmem:s16], [sflag:$0x1] =	stream.indirect_vreg.gather [hbm4b:s15+s13], $0x80, v12, vm0, $0xb8;
	[tilespmem:$0x1EC00] =	vst v63  }
0x1e0: {  	s15 =	rddreg [dreg:$0x12];
	s16 =	simm.s32 $0xD080  }
0x1e1: {  	[tilespmem:s16], [sflag:$0x1] =	stream.indirect_vreg.gather [hbm4b:s15+s13], $0x80, v12, vm0, $0xb8;
	[tilespmem:$0x1EC00] =	vst v63  }
0x1e2: {  	s15 =	rddreg [dreg:$0x14];
	s16 =	simm.s32 $0xD880  }
0x1e3: {  	[tilespmem:s16], [sflag:$0x1] =	stream.indirect_vreg.gather [hbm4b:s15+s13], $0x80, v12, vm0, $0xb8;
	[tilespmem:$0x1EC00] =	vst v63  }
0x1e4: {  	s15 =	rddreg [dreg:$0x17];
	s16 =	simm.s32 $0xE080  }
0x1e5: {  	[tilespmem:s16], [sflag:$0x1] =	stream.indirect_vreg.gather [hbm4b:s15+s13], $0x80, v12, vm0, $0xb8;
	[tilespmem:$0x1EC00] =	vst v63  }
0x1e6: {  	s15 =	rddreg [dreg:$0x18];
	s16 =	simm.s32 $0xE880  }
0x1e7: {  	[tilespmem:s16], [sflag:$0x1] =	stream.indirect_vreg.gather [hbm4b:s15+s13], $0x80, v12, vm0, $0xb8;
	[tilespmem:$0x1EC00] =	vst v63  }
0x1e8: {  	s15 =	rddreg [dreg:$0x19];
	s16 =	simm.s32 $0xF080  }
0x1e9: {  	[tilespmem:s16], [sflag:$0x1] =	stream.indirect_vreg.gather [hbm4b:s15+s13], $0x80, v12, vm0, $0xb8;
	[tilespmem:$0x1EC00] =	vst v63  }
0x1ea: {  	s15 =	rddreg [dreg:$0x1a];
	s16 =	simm.s32 $0xF880  }
0x1eb: {  	[tilespmem:s16], [sflag:$0x1] =	stream.indirect_vreg.gather [hbm4b:s15+s13], $0x80, v12, vm0, $0xb8;
	[tilespmem:$0x1EC00] =	vst v63  }
0x1ec: {  	s15 =	rddreg [dreg:$0x1b];
	s16 =	simm.s32 $0x10080  }
0x1ed: {  	[tilespmem:s16], [sflag:$0x1] =	stream.indirect_vreg.gather [hbm4b:s15+s13], $0x80, v12, vm0, $0xb8;
	[tilespmem:$0x1EC00] =	vst v63  }
0x1ee: {  	s15 =	rddreg [dreg:$0x1c];
	s16 =	simm.s32 $0x10880  }
0x1ef: {  	[tilespmem:s16], [sflag:$0x1] =	stream.indirect_vreg.gather [hbm4b:s15+s13], $0x80, v12, vm0, $0xb8;
	[tilespmem:$0x1EC00] =	vst v63  }
0x1f0: {  	s15 =	rddreg [dreg:$0x1d];
	s16 =	simm.s32 $0x11080  }
0x1f1: {  	[tilespmem:s16], [sflag:$0x1] =	stream.indirect_vreg.gather [hbm4b:s15+s13], $0x80, v12, vm0, $0xb8;
	[tilespmem:$0x1EC00] =	vst v63  }
0x1f2: {  	s15 =	rddreg [dreg:$0x1e];
	s16 =	simm.s32 $0x11880  }
0x1f3: {  	[tilespmem:s16], [sflag:$0x1] =	stream.indirect_vreg.gather [hbm4b:s15+s13], $0x80, v12, vm0, $0xb8;
	[tilespmem:$0x1EC00] =	vst v63  }
0x1f4: {  	s15 =	rddreg [dreg:$0x1f];
	s16 =	simm.s32 $0x12080  }
0x1f5: {  	[tilespmem:s16], [sflag:$0x1] =	stream.indirect_vreg.gather [hbm4b:s15+s13], $0x80, v12, vm0, $0xb8;
	[tilespmem:$0x1EC00] =	vst v63  }
0x1f6: {  	s15 =	sld [smem:$0x7EF];
	_ =	sdelay $0x1  }
0x1f7: {  	s16 =	simm.s32 $0x12880  }
0x1f8: {  	[tilespmem:s16], [sflag:$0x1] =	stream.indirect_vreg.gather [hbm4b:s15+s13], $0x80, v12, vm0, $0xb8;
	[tilespmem:$0x1EC00] =	vst v63  }
0x1f9: {  	s15 =	sld [smem:$0x7F0];
	_ =	sdelay $0x1  }
0x1fa: {  	s16 =	simm.s32 $0x13080  }
0x1fb: {  	[tilespmem:s16], [sflag:$0x1] =	stream.indirect_vreg.gather [hbm4b:s15+s13], $0x80, v12, vm0, $0xb8;
	[tilespmem:$0x1EC00] =	vst v63  }
0x1fc: {  	s15 =	sld [smem:$0x7F1];
	_ =	sdelay $0x1  }
0x1fd: {  	s16 =	simm.s32 $0x13880  }
0x1fe: {  	[tilespmem:s16], [sflag:$0x1] =	stream.indirect_vreg.gather [hbm4b:s15+s13], $0x80, v12, vm0, $0xb8;
	[tilespmem:$0x1EC00] =	vst v63  }
0x1ff: {  	s15 =	sld [smem:$0x7F2];
	_ =	sdelay $0x1  }
0x200: {  	s16 =	simm.s32 $0x14080  }
0x201: {  	[tilespmem:s16], [sflag:$0x1] =	stream.indirect_vreg.gather [hbm4b:s15+s13], $0x80, v12, vm0, $0xb8;
	[tilespmem:$0x1EC00] =	vst v63  }
0x202: {  	s15 =	sld [smem:$0x7F3];
	_ =	sdelay $0x1  }
0x203: {  	s16 =	simm.s32 $0x14880  }
0x204: {  	[tilespmem:s16], [sflag:$0x1] =	stream.indirect_vreg.gather [hbm4b:s15+s13], $0x80, v12, vm0, $0xb8;
	[tilespmem:$0x1EC00] =	vst v63  }
0x205: {  	s15 =	sld [smem:$0x7F4];
	_ =	sdelay $0x1  }
0x206: {  	s16 =	simm.s32 $0x15080  }
0x207: {  	[tilespmem:s16], [sflag:$0x1] =	stream.indirect_vreg.gather [hbm4b:s15+s13], $0x80, v12, vm0, $0xb8;
	[tilespmem:$0x1EC00] =	vst v63  }
0x208: {  	s15 =	sld [smem:$0x7F5];
	_ =	sdelay $0x1  }
0x209: {  	s16 =	simm.s32 $0x15880  }
0x20a: {  	[tilespmem:s16], [sflag:$0x1] =	stream.indirect_vreg.gather [hbm4b:s15+s13], $0x80, v12, vm0, $0xb8;
	[tilespmem:$0x1EC00] =	vst v63  }
0x20b: {  	s15 =	sld [smem:$0x7F6];
	_ =	sdelay $0x1  }
0x20c: {  	s16 =	simm.s32 $0x16080  }
0x20d: {  	[tilespmem:s16], [sflag:$0x1] =	stream.indirect_vreg.gather [hbm4b:s15+s13], $0x80, v12, vm0, $0xb8;
	[tilespmem:$0x1EC00] =	vst v63  }
0x20e: {  	s15 =	sld [smem:$0x7F7];
	_ =	sdelay $0x1  }
0x20f: {  	s16 =	simm.s32 $0x16880  }
0x210: {  	[tilespmem:s16], [sflag:$0x1] =	stream.indirect_vreg.gather [hbm4b:s15+s13], $0x80, v12, vm0, $0xb8;
	[tilespmem:$0x1EC00] =	vst v63  }
0x211: {  	s15 =	sld [smem:$0x7F8];
	_ =	sdelay $0x1  }
0x212: {  	s16 =	simm.s32 $0x17080  }
0x213: {  	[tilespmem:s16], [sflag:$0x1] =	stream.indirect_vreg.gather [hbm4b:s15+s13], $0x80, v12, vm0, $0xb8;
	[tilespmem:$0x1EC00] =	vst v63  }
0x214: {  	s15 =	sld [smem:$0x7F9];
	_ =	sdelay $0x1  }
0x215: {  	s16 =	simm.s32 $0x17880  }
0x216: {  	[tilespmem:s16], [sflag:$0x1] =	stream.indirect_vreg.gather [hbm4b:s15+s13], $0x80, v12, vm0, $0xb8;
	[tilespmem:$0x1EC00] =	vst v63  }
0x217: {  	s15 =	sld [smem:$0x7FA];
	_ =	sdelay $0x1  }
0x218: {  	s16 =	simm.s32 $0x18080  }
0x219: {  	[tilespmem:s16], [sflag:$0x1] =	stream.indirect_vreg.gather [hbm4b:s15+s13], $0x80, v12, vm0, $0xb8;
	[tilespmem:$0x1EC00] =	vst v63  }
0x21a: {  	s15 =	sld [smem:$0x7FB];
	_ =	sdelay $0x1  }
0x21b: {  	s16 =	simm.s32 $0x18880  }
0x21c: {  	[tilespmem:s16], [sflag:$0x1] =	stream.indirect_vreg.gather [hbm4b:s15+s13], $0x80, v12, vm0, $0xb8;
	[tilespmem:$0x1EC00] =	vst v63  }
0x21d: {  	s15 =	sld [smem:$0x7FC];
	_ =	sdelay $0x1  }
0x21e: {  	s16 =	simm.s32 $0x19080  }
0x21f: {  	[tilespmem:s16], [sflag:$0x1] =	stream.indirect_vreg.gather [hbm4b:s15+s13], $0x80, v12, vm0, $0xb8;
	[tilespmem:$0x1EC00] =	vst v63  }
0x220: {  	s15 =	sld [smem:$0x7FD];
	_ =	sdelay $0x1  }
0x221: {  	s16 =	simm.s32 $0x19880  }
0x222: {  	[tilespmem:s16], [sflag:$0x1] =	stream.indirect_vreg.gather [hbm4b:s15+s13], $0x80, v12, vm0, $0xb8;
	[tilespmem:$0x1EC00] =	vst v63  }
0x223: {  	s16 =	simm.s32 $0x1A080  }
0x224: {  	[tilespmem:s16], [sflag:$0x1] =	stream.indirect_vreg.gather [hbm4b:s17+s13], $0x80, v12, vm0, $0xb8;
	[tilespmem:$0x1EC00] =	vst v63  }
0x225: {  	s15 =	simm.s32 $0x1A880  }
0x226: {  	[tilespmem:s15], [sflag:$0x1] =	stream.indirect_vreg.gather [hbm4b:s18+s13], $0x80, v12, vm0, $0xb8;
	[tilespmem:$0x1EC00] =	vst v63  }
0x227: {  	s16 =	simm.s32 $0x1B080  }
0x228: {  	[tilespmem:s16], [sflag:$0x1] =	stream.indirect_vreg.gather [hbm4b:s20+s13], $0x80, v12, vm0, $0xb8;
	[tilespmem:$0x1EC00] =	vst v63  }
0x229: {  	s15 =	simm.s32 $0x1B880  }
0x22a: {  	[tilespmem:s15], [sflag:$0x1] =	stream.indirect_vreg.gather [hbm4b:s22+s13], $0x80, v12, vm0, $0xb8;
	[tilespmem:$0x1EC00] =	vst v63  }
0x22b: {  	s16 =	simm.s32 $0x1C080  }
0x22c: {  	[tilespmem:s16], [sflag:$0x1] =	stream.indirect_vreg.gather [hbm4b:s25+s13], $0x80, v12, vm0, $0xb8;
	[tilespmem:$0x1EC00] =	vst v63  }
0x22d: {  	s15 =	simm.s32 $0x1C880  }
0x22e: {  	[tilespmem:s15], [sflag:$0x1] =	stream.indirect_vreg.gather [hbm4b:s26+s13], $0x80, v12, vm0, $0xb8;
	[tilespmem:$0x1EC00] =	vst v63  }
0x22f: {  	s16 =	simm.s32 $0x1D080  }
0x230: {  	[tilespmem:s16], [sflag:$0x1] =	stream.indirect_vreg.gather [hbm4b:s28+s13], $0x80, v12, vm0, $0xb8;
	[tilespmem:$0x1EC00] =	vst v63  }
0x231: {  	s15 =	simm.s32 $0x1D880  }
0x232: {  	[tilespmem:s15], [sflag:$0x1] =	stream.indirect_vreg.gather [hbm4b:s29+s13], $0x80, v12, vm0, $0xb8;
	[tilespmem:$0x1EC00] =	vst v63  }
0x233: {  	s16 =	simm.s32 $0x1E080  }
0x234: {  	[tilespmem:s16], [sflag:$0x1] =	stream.indirect_vreg.gather [hbm4b:s30+s13], $0x80, v12, vm1, $0xb8;
	[tilespmem:$0x1EC00] =	vst v63  }
0x235: {  	v12 =	vld.msk [tilespmem:$0x8], $0x1;
	_ =	sdelay $0x4  }
0x236: {  	v61 =	vshll.u32 v12, $0x7  }
0x237: {  	v12 =	vand.u32 $0x7, v12;
	v13 =	vand.u32 $0xFFFFFC00, v61  }
0x238: {  	v12 =	vor.u32 v12, v13  }
0x239: {  	v12 =	vperm.xlane v12, v1;
	_ =	sdelay $0x1  }
0x23a: {  	v12 =	vadd.s32 v2, v12;
	_ =	sdelay $0x3  }
0x23b: {  	s15 =	rddreg [dreg:$0x0];
	s16 =	simm.s32 $0x2080  }
0x23c: {  	[tilespmem:s16], [sflag:$0x2] =	stream.indirect_vreg.gather [hbm4b:s15+s13], $0x80, v12, vm0, $0xb8;
	[tilespmem:$0x1EC00] =	vst v63  }
0x23d: {  	s16 =	simm.s32 $0x2880  }
0x23e: {  	[tilespmem:s16], [sflag:$0x2] =	stream.indirect_vreg.gather [hbm4b:s31+s13], $0x80, v12, vm0, $0xb8;
	[tilespmem:$0x1EC00] =	vst v63  }
0x23f: {  	s15 =	simm.s32 $0x3080  }
0x240: {  	[tilespmem:s15], [sflag:$0x2] =	stream.indirect_vreg.gather [hbm4b:s0+s13], $0x80, v12, vm0, $0xb8;
	[tilespmem:$0x1EC00] =	vst v63  }
0x241: {  	s16 =	simm.s32 $0x3880  }
0x242: {  	[tilespmem:s16], [sflag:$0x2] =	stream.indirect_vreg.gather [hbm4b:s4+s13], $0x80, v12, vm0, $0xb8;
	[tilespmem:$0x1EC00] =	vst v63  }
0x243: {  	v9 =	vadd.f32 v10, v9;
	v62 =	vmul.f32 v11, v11;
	v3 =	vsub.f32 v6, v3;
	s15 =	simm.s32 $0x4080  }
0x244: {  	[tilespmem:s15], [sflag:$0x2] =	stream.indirect_vreg.gather [hbm4b:s21+s13], $0x80, v12, vm0, $0xb8;
	[tilespmem:$0x1EC00] =	vst v63  }
0x245: {  	v63 =	vadd.f32 v62, v9;
	v3 =	vmul.f32 v3, v3;
	v4 =	vsub.f32 v7, v4;
	s16 =	simm.s32 $0x4880  }
0x246: {  	[tilespmem:s16], [sflag:$0x2] =	stream.indirect_vreg.gather [hbm4b:s23+s13], $0x80, v12, vm0, $0xb8;
	[tilespmem:$0x1EC00] =	vst v63  }
0x247: {  	v3 =	vadd.f32 v3, v63;
	v4 =	vmul.f32 v4, v4;
	v5 =	vsub.f32 v8, v5;
	s15 =	simm.s32 $0x5080  }
0x248: {  	[tilespmem:s15], [sflag:$0x2] =	stream.indirect_vreg.gather [hbm4b:s24+s13], $0x80, v12, vm0, $0xb8;
	[tilespmem:$0x1EC00] =	vst v63  }
0x249: {  	v3 =	vadd.f32 v4, v3;
	v4 =	vmul.f32 v5, v5;
	s14 =	simm.s32 $0x10;
	s16 =	simm.s32 $0x5880  }
0x24a: {  	[tilespmem:s16], [sflag:$0x2] =	stream.indirect_vreg.gather [hbm4b:s1+s13], $0x80, v12, vm0, $0xb8;
	[tilespmem:$0x1EC00] =	vst v63  }
0x24b: {  	v3 =	vadd.f32 v4, v3;
	s15 =	simm.s32 $0x180;
	s13 =	simm.s32 $0x80;
	s16 =	sadd.s32 $0x0, s2  }
.LBB2_18:
0x24c: {  	[tilespmem:s13], [sflag:$0x3] =	stream.linear.gather [hbm4b:s16+s5], $0x80, $0x38;
	[tilespmem:$0x1EC00] =	vst v63  }
0x24d: {  	s16 =	smov.u32 s14;
	s13 =	smov.u32 s15;
	p0 =	sne.s32 s14, $0x1F0  }
.Ltmp8:
0x24e: {  	s14 =	sadd.s32 $0x10, s14;
	(pc) =	sbr.rel @p0 .LBB2_18-.Ltmp8, $2  }
0x24f: {  	_ =	sdelay $0x2  }
0x250: {  	s15 =	sadd.s32 $0x100, s15;
	s16 =	sadd.s32 s16, s2  }
0x251: {  	[tilespmem:s13], [sflag:$0x3] =	stream.linear.gather [hbm4b:s16+s5], $0x80, $0x38;
	[tilespmem:$0x1EC00] =	vst v63  }
0x252: {  	_ =	swait.ge [sflag:s9], $0x4000  }
0x253: {  	[sflag:s9] =	ssyncset.done $0x0  }
0x254: {  	[sflag:s9] =	ssyncadd.s32 $0xFFFFC000  }
0x255: {  	_ =	swait.ge [sflag:s10], $0x18680  }
0x256: {  	[sflag:s10] =	ssyncset.done $0x0  }
0x257: {  	[sflag:s10] =	ssyncadd.s32 $0xFFFE7980  }
0x258: {  	v4 =	vld [tilespmem:s19+$0x1E800];
	_ =	sdelay $0x4  }
0x259: {  	[tilespmem:$0x1E700] =	vst v4  }
0x25a: {  	v4 =	vld [tilespmem:s19+$0x1E810];
	_ =	sdelay $0x4  }
0x25b: {  	[tilespmem:$0x1E710] =	vst v4  }
0x25c: {  	_ =	swait.ge [sflag:s11], $0x1000  }
0x25d: {  	[sflag:s11] =	ssyncset.done $0x0  }
0x25e: {  	s13 =	simm.s32 $0x0;
	s14 =	simm.s32 $0x100;
	[sflag:s11] =	ssyncadd.s32 $0xFFFFF000  }
.LBB2_20:
0x25f: {  	p0 =	sne.s32 s13, $0x1F0  }
.Ltmp9:
0x260: {  	_ = 	snop;
	(pc) =	sbr.rel @p0 .LBB2_20-.Ltmp9, $4  }
0x261: {  	_ = 	snop  }
0x262: {  	s15 =	sadd.s32 s13, s3  }
0x263: {  	[tilespmem:s14], [sflag:$0x3] =	stream.linear.gather [hbm4b:s15+s5], $0x80, $0x38;
	[tilespmem:$0x1EC00] =	vst v63  }
0x264: {  	s13 =	sadd.s32 $0x10, s13;
	s14 =	sadd.s32 $0x100, s14  }
0x265: {  	s13 =	simm.s32 $0xC0  }
0x266: {  	v4 =	vld [tilespmem:s13+$0xFFFFFFC0]  }
0x267: {  	v5 =	vld [tilespmem:s13+$0x30]  }
0x268: {  	v6 =	vld [tilespmem:s13+$0xFFFFFFD0]  }
0x269: {  	v7 =	vld [tilespmem:s13+$0x20]  }
0x26a: {  	v8 =	vld [tilespmem:s13+$0xFFFFFFE0]  }
0x26b: {  	v9 =	vld [tilespmem:s13+$0x10]  }
0x26c: {  	v10 =	vld [tilespmem:s13+$0xFFFFFFF0]  }
0x26d: {  	v11 =	vld [tilespmem:s13+$0x0];
	s13 =	simm.s32 $0x20C0  }
0x26e: {  	v12 =	vld [tilespmem:s13+$0xFFFFFFC0]  }
0x26f: {  	v4 =	vld.idx.msk [tilespmem:v4+s8+$0x0], $0xffff  }
0x270: {  	v13 =	vld [tilespmem:s13+$0xFFFFFFD0]  }
0x271: {  	v6 =	vld.idx.msk [tilespmem:v6+s8+$0x0], $0xffff  }
0x272: {  	v14 =	vld [tilespmem:s13+$0xFFFFFFE0]  }
0x273: {  	v8 =	vld.idx.msk [tilespmem:v8+s8+$0x0], $0xffff  }
0x274: {  	v61 =	vld [tilespmem:s13+$0xFFFFFFF0];
	v4 =	vsub.f32 v12, v4  }
0x275: {  	v10 =	vld.idx.msk [tilespmem:v10+s8+$0x0], $0xffff  }
0x276: {  	v62 =	vld [tilespmem:s13+$0x0];
	v6 =	vsub.f32 v13, v6;
	v15 =	vmul.f32 v4, v4  }
0x277: {  	v11 =	vld.idx.msk [tilespmem:v11+s8+$0x0], $0xffff  }
0x278: {  	v8 =	vsub.f32 v14, v8;
	v4 =	vld.idx.msk [tilespmem:v9+s8+$0x0], $0xffff;
	v63 =	vmul.f32 v6, v6;
	v9 =	vadd.f32 v15, v3  }
0x279: {  	v6 =	vld [tilespmem:s13+$0x10]  }
0x27a: {  	v10 =	vsub.f32 v61, v10;
	v8 =	vmul.f32 v8, v8;
	v3 =	vld.idx.msk [tilespmem:v7+s8+$0x0], $0xffff;
	v9 =	vadd.f32 v63, v9  }
0x27b: {  	v7 =	vld [tilespmem:s13+$0x20]  }
0x27c: {  	v5 =	vld.idx.msk [tilespmem:v5+s8+$0x0], $0xffff;
	v11 =	vsub.f32 v62, v11;
	v10 =	vmul.f32 v10, v10;
	v9 =	vadd.f32 v8, v9  }
0x27d: {  	s14 =	simm.s32 $0x0;
	s15 =	simm.s32 $0x1C0;
	v8 =	vld [tilespmem:s13+$0x30]  }
.LBB2_22:
0x27e: {  	v12 =	vld [tilespmem:s15+$0xFFFFFFC0];
	s14 =	sadd.s32 $0x8, s14;
	v9 =	vadd.f32 v10, v9;
	v10 =	vmul.f32 v11, v11;
	v4 =	vsub.f32 v6, v4  }
0x27f: {  	v13 =	vld [tilespmem:s15+$0x30];
	p0 =	slt.u32 s14, $0xF8  }
0x280: {  	v6 =	vld [tilespmem:s15+$0xFFFFFFD0];
	v9 =	vadd.f32 v10, v9;
	v4 =	vmul.f32 v4, v4;
	v3 =	vsub.f32 v7, v3  }
0x281: {  	v7 =	vld [tilespmem:s15+$0x20]  }
0x282: {  	v10 =	vld [tilespmem:s15+$0xFFFFFFE0];
	v4 =	vadd.f32 v4, v9;
	v3 =	vmul.f32 v3, v3;
	v5 =	vsub.f32 v8, v5  }
0x283: {  	v8 =	vld [tilespmem:s15+$0x10]  }
0x284: {  	v9 =	vld [tilespmem:s15+$0xFFFFFFF0];
	v3 =	vadd.f32 v3, v4;
	v4 =	vmul.f32 v5, v5  }
0x285: {  	v5 =	vld [tilespmem:s15+$0x0]  }
0x286: {  	s13 =	sadd.s32 $0x80, s13;
	v11 =	vld.idx.msk [tilespmem:v12+s8+$0x0], $0xffff;
	v3 =	vadd.f32 v4, v3  }
0x287: {  	v4 =	vld [tilespmem:s13+$0xFFFFFFC0]  }
0x288: {  	v6 =	vld.idx.msk [tilespmem:v6+s8+$0x0], $0xffff  }
0x289: {  	v12 =	vld [tilespmem:s13+$0xFFFFFFD0]  }
0x28a: {  	v10 =	vld.idx.msk [tilespmem:v10+s8+$0x0], $0xffff  }
0x28b: {  	v14 =	vld [tilespmem:s13+$0xFFFFFFE0]  }
0x28c: {  	v4 =	vsub.f32 v4, v11;
	v9 =	vld.idx.msk [tilespmem:v9+s8+$0x0], $0xffff  }
0x28d: {  	v11 =	vld [tilespmem:s13+$0xFFFFFFF0]  }
0x28e: {  	v4 =	vmul.f32 v4, v4;
	v6 =	vsub.f32 v12, v6;
	v5 =	vld.idx.msk [tilespmem:v5+s8+$0x0], $0xffff  }
0x28f: {  	v12 =	vld [tilespmem:s13+$0x0]  }
0x290: {  	v3 =	vadd.f32 v4, v3;
	v15 =	vmul.f32 v6, v6;
	v10 =	vsub.f32 v14, v10;
	v4 =	vld.idx.msk [tilespmem:v8+s8+$0x0], $0xffff  }
.Ltmp10:
0x291: {  	v6 =	vld [tilespmem:s13+$0x10];
	(pc) =	sbr.rel @p0 .LBB2_22-.Ltmp10, $4  }
0x292: {  	v8 =	vadd.f32 v15, v3;
	v10 =	vmul.f32 v10, v10;
	v11 =	vsub.f32 v11, v9;
	v3 =	vld.idx.msk [tilespmem:v7+s8+$0x0], $0xffff  }
0x293: {  	v7 =	vld [tilespmem:s13+$0x20]  }
0x294: {  	v9 =	vadd.f32 v10, v8;
	v10 =	vmul.f32 v11, v11;
	v11 =	vsub.f32 v12, v5;
	v5 =	vld.idx.msk [tilespmem:v13+s8+$0x0], $0xffff  }
0x295: {  	s15 =	sadd.s32 $0x100, s15;
	v8 =	vld [tilespmem:s13+$0x30]  }
0x296: {  	v9 =	vadd.f32 v10, v9;
	v63 =	vmul.f32 v11, v11;
	v4 =	vsub.f32 v6, v4;
	_ =	sdelay $0x1  }
0x297: {  	v6 =	vadd.f32 v63, v9;
	v4 =	vmul.f32 v4, v4;
	v3 =	vsub.f32 v7, v3;
	_ =	sdelay $0x1  }
0x298: {  	v4 =	vadd.f32 v4, v6;
	v3 =	vmul.f32 v3, v3;
	v5 =	vsub.f32 v8, v5;
	_ =	sdelay $0x1  }
0x299: {  	_ =	swait.ge [sflag:s11], $0x1000;
	v3 =	vadd.f32 v3, v4;
	v4 =	vmul.f32 v5, v5  }
0x29a: {  	[sflag:s11] =	ssyncset.done $0x0  }
0x29b: {  	s13 =	simm.s32 $0x0;
	s14 =	simm.s32 $0x80;
	[sflag:s11] =	ssyncadd.s32 $0xFFFFF000;
	v4 =	vadd.f32 v4, v3  }
.LBB2_24:
0x29c: {  	p0 =	sne.s32 s13, $0x1F0  }
.Ltmp11:
0x29d: {  	_ = 	snop;
	(pc) =	sbr.rel @p0 .LBB2_24-.Ltmp11, $4  }
0x29e: {  	_ = 	snop  }
0x29f: {  	s15 =	sadd.s32 s13, s6  }
0x2a0: {  	[tilespmem:s14], [sflag:$0x3] =	stream.linear.gather [hbm4b:s15+s5], $0x80, $0x38;
	[tilespmem:$0x1EC00] =	vst v63  }
0x2a1: {  	s13 =	sadd.s32 $0x10, s13;
	s14 =	sadd.s32 $0x100, s14  }
0x2a2: {  	s13 =	simm.s32 $0x170  }
0x2a3: {  	v3 =	vld [tilespmem:s13+$0xFFFFFF90]  }
0x2a4: {  	v5 =	vld [tilespmem:s13+$0x0]  }
0x2a5: {  	v6 =	vld [tilespmem:s13+$0xFFFFFFA0]  }
0x2a6: {  	v7 =	vld [tilespmem:s13+$0xFFFFFFF0]  }
0x2a7: {  	v8 =	vld [tilespmem:s13+$0xFFFFFFB0]  }
0x2a8: {  	v9 =	vld [tilespmem:s13+$0xFFFFFFE0]  }
0x2a9: {  	v10 =	vld [tilespmem:s13+$0xFFFFFFC0]  }
0x2aa: {  	v11 =	vld [tilespmem:s13+$0xFFFFFFD0];
	s13 =	simm.s32 $0x30F0  }
0x2ab: {  	v12 =	vld [tilespmem:s13+$0xFFFFFF90]  }
0x2ac: {  	v3 =	vld.idx.msk [tilespmem:v3+s8+$0x0], $0xffff  }
0x2ad: {  	v13 =	vld [tilespmem:s13+$0xFFFFFFA0]  }
0x2ae: {  	v6 =	vld.idx.msk [tilespmem:v6+s8+$0x0], $0xffff  }
0x2af: {  	v14 =	vld [tilespmem:s13+$0xFFFFFFB0]  }
0x2b0: {  	v8 =	vld.idx.msk [tilespmem:v8+s8+$0x0], $0xffff  }
0x2b1: {  	v61 =	vld [tilespmem:s13+$0xFFFFFFC0];
	v3 =	vsub.f32 v12, v3  }
0x2b2: {  	v10 =	vld.idx.msk [tilespmem:v10+s8+$0x0], $0xffff  }
0x2b3: {  	v62 =	vld [tilespmem:s13+$0xFFFFFFD0];
	v6 =	vsub.f32 v13, v6;
	v15 =	vmul.f32 v3, v3  }
0x2b4: {  	v11 =	vld.idx.msk [tilespmem:v11+s8+$0x0], $0xffff  }
0x2b5: {  	v8 =	vsub.f32 v14, v8;
	v3 =	vld.idx.msk [tilespmem:v9+s8+$0x0], $0xffff;
	v63 =	vmul.f32 v6, v6;
	v9 =	vadd.f32 v15, v4  }
0x2b6: {  	v6 =	vld [tilespmem:s13+$0xFFFFFFE0]  }
0x2b7: {  	v10 =	vsub.f32 v61, v10;
	v8 =	vmul.f32 v8, v8;
	v4 =	vld.idx.msk [tilespmem:v7+s8+$0x0], $0xffff;
	v9 =	vadd.f32 v63, v9  }
0x2b8: {  	v7 =	vld [tilespmem:s13+$0xFFFFFFF0]  }
0x2b9: {  	v5 =	vld.idx.msk [tilespmem:v5+s8+$0x0], $0xffff;
	v11 =	vsub.f32 v62, v11;
	v10 =	vmul.f32 v10, v10;
	v9 =	vadd.f32 v8, v9  }
0x2ba: {  	s14 =	simm.s32 $0x0;
	s15 =	simm.s32 $0x270;
	v8 =	vld [tilespmem:s13+$0x0]  }
.LBB2_26:
0x2bb: {  	v12 =	vld [tilespmem:s15+$0xFFFFFF90];
	s14 =	sadd.s32 $0x8, s14;
	v9 =	vadd.f32 v10, v9;
	v10 =	vmul.f32 v11, v11;
	v3 =	vsub.f32 v6, v3  }
0x2bc: {  	v13 =	vld [tilespmem:s15+$0x0];
	p0 =	slt.u32 s14, $0xF8  }
0x2bd: {  	v6 =	vld [tilespmem:s15+$0xFFFFFFA0];
	v9 =	vadd.f32 v10, v9;
	v3 =	vmul.f32 v3, v3;
	v4 =	vsub.f32 v7, v4  }
0x2be: {  	v7 =	vld [tilespmem:s15+$0xFFFFFFF0]  }
0x2bf: {  	v10 =	vld [tilespmem:s15+$0xFFFFFFB0];
	v3 =	vadd.f32 v3, v9;
	v4 =	vmul.f32 v4, v4;
	v5 =	vsub.f32 v8, v5  }
0x2c0: {  	v8 =	vld [tilespmem:s15+$0xFFFFFFE0]  }
0x2c1: {  	v9 =	vld [tilespmem:s15+$0xFFFFFFC0];
	v3 =	vadd.f32 v4, v3;
	v4 =	vmul.f32 v5, v5  }
0x2c2: {  	v5 =	vld [tilespmem:s15+$0xFFFFFFD0]  }
0x2c3: {  	s13 =	sadd.s32 $0x80, s13;
	v11 =	vld.idx.msk [tilespmem:v12+s8+$0x0], $0xffff;
	v3 =	vadd.f32 v4, v3  }
0x2c4: {  	v4 =	vld [tilespmem:s13+$0xFFFFFF90]  }
0x2c5: {  	v6 =	vld.idx.msk [tilespmem:v6+s8+$0x0], $0xffff  }
0x2c6: {  	v12 =	vld [tilespmem:s13+$0xFFFFFFA0]  }
0x2c7: {  	v10 =	vld.idx.msk [tilespmem:v10+s8+$0x0], $0xffff  }
0x2c8: {  	v14 =	vld [tilespmem:s13+$0xFFFFFFB0]  }
0x2c9: {  	v4 =	vsub.f32 v4, v11;
	v9 =	vld.idx.msk [tilespmem:v9+s8+$0x0], $0xffff  }
0x2ca: {  	v11 =	vld [tilespmem:s13+$0xFFFFFFC0]  }
0x2cb: {  	v4 =	vmul.f32 v4, v4;
	v6 =	vsub.f32 v12, v6;
	v5 =	vld.idx.msk [tilespmem:v5+s8+$0x0], $0xffff  }
0x2cc: {  	v12 =	vld [tilespmem:s13+$0xFFFFFFD0]  }
0x2cd: {  	v4 =	vadd.f32 v4, v3;
	v15 =	vmul.f32 v6, v6;
	v10 =	vsub.f32 v14, v10;
	v3 =	vld.idx.msk [tilespmem:v8+s8+$0x0], $0xffff  }
.Ltmp12:
0x2ce: {  	v6 =	vld [tilespmem:s13+$0xFFFFFFE0];
	(pc) =	sbr.rel @p0 .LBB2_26-.Ltmp12, $4  }
0x2cf: {  	v8 =	vadd.f32 v15, v4;
	v10 =	vmul.f32 v10, v10;
	v11 =	vsub.f32 v11, v9;
	v4 =	vld.idx.msk [tilespmem:v7+s8+$0x0], $0xffff  }
0x2d0: {  	v7 =	vld [tilespmem:s13+$0xFFFFFFF0]  }
0x2d1: {  	v9 =	vadd.f32 v10, v8;
	v10 =	vmul.f32 v11, v11;
	v11 =	vsub.f32 v12, v5;
	v5 =	vld.idx.msk [tilespmem:v13+s8+$0x0], $0xffff  }
0x2d2: {  	s15 =	sadd.s32 $0x100, s15;
	v8 =	vld [tilespmem:s13+$0x0]  }
0x2d3: {  	v9 =	vadd.f32 v10, v9;
	v62 =	vmul.f32 v11, v11;
	v3 =	vsub.f32 v6, v3;
	_ =	sdelay $0x1  }
0x2d4: {  	v63 =	vadd.f32 v62, v9;
	v3 =	vmul.f32 v3, v3;
	v4 =	vsub.f32 v7, v4;
	_ =	sdelay $0x1  }
0x2d5: {  	v3 =	vadd.f32 v3, v63;
	v4 =	vmul.f32 v4, v4;
	v5 =	vsub.f32 v8, v5;
	_ =	sdelay $0x1  }
0x2d6: {  	_ =	swait.ge [sflag:s11], $0x1000;
	v3 =	vadd.f32 v4, v3;
	v4 =	vmul.f32 v5, v5  }
0x2d7: {  	[sflag:s11] =	ssyncset.done $0x0  }
0x2d8: {  	s13 =	simm.s32 $0x0;
	s14 =	simm.s32 $0x100;
	[sflag:s11] =	ssyncadd.s32 $0xFFFFF000;
	v3 =	vadd.f32 v4, v3  }
.LBB2_28:
0x2d9: {  	p0 =	sne.s32 s13, $0x1F0  }
.Ltmp13:
0x2da: {  	_ = 	snop;
	(pc) =	sbr.rel @p0 .LBB2_28-.Ltmp13, $4  }
0x2db: {  	_ = 	snop  }
0x2dc: {  	s15 =	sadd.s32 s13, s7  }
0x2dd: {  	[tilespmem:s14], [sflag:$0x3] =	stream.linear.gather [hbm4b:s15+s5], $0x80, $0x38;
	[tilespmem:$0x1EC00] =	vst v63  }
0x2de: {  	s13 =	sadd.s32 $0x10, s13;
	s14 =	sadd.s32 $0x100, s14  }
0x2df: {  	s13 =	simm.s32 $0xC0  }
0x2e0: {  	v4 =	vld [tilespmem:s13+$0xFFFFFFC0]  }
0x2e1: {  	v8 =	vld [tilespmem:s13+$0x30]  }
0x2e2: {  	v5 =	vld [tilespmem:s13+$0xFFFFFFD0]  }
0x2e3: {  	v6 =	vld [tilespmem:s13+$0x20]  }
0x2e4: {  	v7 =	vld [tilespmem:s13+$0xFFFFFFE0]  }
0x2e5: {  	v9 =	vld [tilespmem:s13+$0x10]  }
0x2e6: {  	v10 =	vld [tilespmem:s13+$0xFFFFFFF0]  }
0x2e7: {  	v11 =	vld [tilespmem:s13+$0x0];
	s13 =	simm.s32 $0x40F0  }
0x2e8: {  	v12 =	vld [tilespmem:s13+$0xFFFFFF90]  }
0x2e9: {  	v4 =	vld.idx.msk [tilespmem:v4+s8+$0x0], $0xffff  }
0x2ea: {  	v13 =	vld [tilespmem:s13+$0xFFFFFFA0]  }
0x2eb: {  	v5 =	vld.idx.msk [tilespmem:v5+s8+$0x0], $0xffff  }
0x2ec: {  	v14 =	vld [tilespmem:s13+$0xFFFFFFB0]  }
0x2ed: {  	v7 =	vld.idx.msk [tilespmem:v7+s8+$0x0], $0xffff  }
0x2ee: {  	v62 =	vld [tilespmem:s13+$0xFFFFFFC0];
	v4 =	vsub.f32 v12, v4  }
0x2ef: {  	v10 =	vld.idx.msk [tilespmem:v10+s8+$0x0], $0xffff  }
0x2f0: {  	v15 =	vld [tilespmem:s13+$0xFFFFFFD0];
	v13 =	vsub.f32 v13, v5;
	v4 =	vmul.f32 v4, v4  }
0x2f1: {  	v11 =	vld.idx.msk [tilespmem:v11+s8+$0x0], $0xffff  }
0x2f2: {  	v5 =	vld.idx.msk [tilespmem:v9+s8+$0x0], $0xffff;
	v63 =	vsub.f32 v14, v7;
	v9 =	vmul.f32 v13, v13;
	v4 =	vadd.f32 v4, v3  }
0x2f3: {  	v7 =	vld [tilespmem:s13+$0xFFFFFFE0]  }
0x2f4: {  	v10 =	vsub.f32 v62, v10;
	v13 =	vmul.f32 v63, v63;
	v3 =	vld.idx.msk [tilespmem:v6+s8+$0x0], $0xffff;
	v9 =	vadd.f32 v9, v4  }
0x2f5: {  	v6 =	vld [tilespmem:s13+$0xFFFFFFF0]  }
0x2f6: {  	v11 =	vsub.f32 v15, v11;
	v10 =	vmul.f32 v10, v10;
	v4 =	vld.idx.msk [tilespmem:v8+s8+$0x0], $0xffff;
	v9 =	vadd.f32 v13, v9  }
0x2f7: {  	s14 =	simm.s32 $0x0;
	s15 =	simm.s32 $0x1C0;
	v8 =	vld [tilespmem:s13+$0x0]  }
.LBB2_30:
0x2f8: {  	v12 =	vld [tilespmem:s15+$0xFFFFFFC0];
	s14 =	sadd.s32 $0x8, s14;
	v9 =	vadd.f32 v10, v9;
	v10 =	vmul.f32 v11, v11;
	v5 =	vsub.f32 v7, v5  }
0x2f9: {  	v13 =	vld [tilespmem:s15+$0x30];
	p0 =	slt.u32 s14, $0xF8  }
0x2fa: {  	v7 =	vld [tilespmem:s15+$0xFFFFFFD0];
	v9 =	vadd.f32 v10, v9;
	v5 =	vmul.f32 v5, v5;
	v3 =	vsub.f32 v6, v3  }
0x2fb: {  	v6 =	vld [tilespmem:s15+$0x20]  }
0x2fc: {  	v10 =	vld [tilespmem:s15+$0xFFFFFFE0];
	v5 =	vadd.f32 v5, v9;
	v3 =	vmul.f32 v3, v3;
	v4 =	vsub.f32 v8, v4  }
0x2fd: {  	v8 =	vld [tilespmem:s15+$0x10]  }
0x2fe: {  	v9 =	vld [tilespmem:s15+$0xFFFFFFF0];
	v3 =	vadd.f32 v3, v5;
	v4 =	vmul.f32 v4, v4  }
0x2ff: {  	v5 =	vld [tilespmem:s15+$0x0]  }
0x300: {  	s13 =	sadd.s32 $0x80, s13;
	v11 =	vld.idx.msk [tilespmem:v12+s8+$0x0], $0xffff;
	v3 =	vadd.f32 v4, v3  }
0x301: {  	v4 =	vld [tilespmem:s13+$0xFFFFFF90]  }
0x302: {  	v7 =	vld.idx.msk [tilespmem:v7+s8+$0x0], $0xffff  }
0x303: {  	v12 =	vld [tilespmem:s13+$0xFFFFFFA0]  }
0x304: {  	v10 =	vld.idx.msk [tilespmem:v10+s8+$0x0], $0xffff  }
0x305: {  	v14 =	vld [tilespmem:s13+$0xFFFFFFB0]  }
0x306: {  	v4 =	vsub.f32 v4, v11;
	v9 =	vld.idx.msk [tilespmem:v9+s8+$0x0], $0xffff  }
0x307: {  	v11 =	vld [tilespmem:s13+$0xFFFFFFC0]  }
0x308: {  	v4 =	vmul.f32 v4, v4;
	v7 =	vsub.f32 v12, v7;
	v12 =	vld.idx.msk [tilespmem:v5+s8+$0x0], $0xffff  }
0x309: {  	v15 =	vld [tilespmem:s13+$0xFFFFFFD0]  }
0x30a: {  	v3 =	vadd.f32 v4, v3;
	v4 =	vmul.f32 v7, v7;
	v10 =	vsub.f32 v14, v10;
	v5 =	vld.idx.msk [tilespmem:v8+s8+$0x0], $0xffff  }
.Ltmp14:
0x30b: {  	v7 =	vld [tilespmem:s13+$0xFFFFFFE0];
	(pc) =	sbr.rel @p0 .LBB2_30-.Ltmp14, $4  }
0x30c: {  	v4 =	vadd.f32 v4, v3;
	v8 =	vmul.f32 v10, v10;
	v10 =	vsub.f32 v11, v9;
	v3 =	vld.idx.msk [tilespmem:v6+s8+$0x0], $0xffff  }
0x30d: {  	v6 =	vld [tilespmem:s13+$0xFFFFFFF0]  }
0x30e: {  	v9 =	vadd.f32 v8, v4;
	v10 =	vmul.f32 v10, v10;
	v11 =	vsub.f32 v15, v12;
	v4 =	vld.idx.msk [tilespmem:v13+s8+$0x0], $0xffff  }
0x30f: {  	s15 =	sadd.s32 $0x100, s15;
	v8 =	vld [tilespmem:s13+$0x0]  }
0x310: {  	_ =	swait.ge [sflag:s11], $0x1000  }
0x311: {  	[sflag:s11] =	ssyncset.done $0x0  }
0x312: {  	s13 =	simm.s32 $0x170;
	[sflag:s11] =	ssyncadd.s32 $0xFFFFF000  }
0x313: {  	v12 =	vld [tilespmem:s13+$0xFFFFFF90]  }
0x314: {  	v13 =	vld [tilespmem:s13+$0x0]  }
0x315: {  	v14 =	vld [tilespmem:s13+$0xFFFFFFA0]  }
0x316: {  	v15 =	vld [tilespmem:s13+$0xFFFFFFF0]  }
0x317: {  	v16 =	vld [tilespmem:s13+$0xFFFFFFB0]  }
0x318: {  	v17 =	vld [tilespmem:s13+$0xFFFFFFE0]  }
0x319: {  	v18 =	vld [tilespmem:s13+$0xFFFFFFC0]  }
0x31a: {  	v19 =	vld [tilespmem:s13+$0xFFFFFFD0];
	s13 =	simm.s32 $0x50F0  }
0x31b: {  	v9 =	vadd.f32 v10, v9;
	v10 =	vmul.f32 v11, v11;
	v5 =	vsub.f32 v7, v5;
	v7 =	vld [tilespmem:s13+$0xFFFFFF90]  }
0x31c: {  	v12 =	vld.idx.msk [tilespmem:v12+s8+$0x0], $0xffff  }
0x31d: {  	v9 =	vadd.f32 v10, v9;
	v5 =	vmul.f32 v5, v5;
	v3 =	vsub.f32 v6, v3;
	v6 =	vld [tilespmem:s13+$0xFFFFFFA0]  }
0x31e: {  	v11 =	vld.idx.msk [tilespmem:v14+s8+$0x0], $0xffff  }
0x31f: {  	v5 =	vadd.f32 v5, v9;
	v3 =	vmul.f32 v3, v3;
	v4 =	vsub.f32 v8, v4;
	v8 =	vld [tilespmem:s13+$0xFFFFFFB0]  }
0x320: {  	v10 =	vld.idx.msk [tilespmem:v16+s8+$0x0], $0xffff  }
0x321: {  	v3 =	vadd.f32 v3, v5;
	v4 =	vmul.f32 v4, v4;
	v9 =	vld.idx.msk [tilespmem:v18+s8+$0x0], $0xffff;
	v5 =	vsub.f32 v7, v12  }
0x322: {  	v7 =	vld [tilespmem:s13+$0xFFFFFFC0]  }
0x323: {  	v4 =	vadd.f32 v4, v3;
	v61 =	vld.idx.msk [tilespmem:v19+s8+$0x0], $0xffff;
	v6 =	vsub.f32 v6, v11;
	v5 =	vmul.f32 v5, v5  }
0x324: {  	v11 =	vld [tilespmem:s13+$0xFFFFFFD0]  }
0x325: {  	v3 =	vld.idx.msk [tilespmem:v17+s8+$0x0], $0xffff;
	v8 =	vsub.f32 v8, v10;
	v62 =	vmul.f32 v6, v6;
	v5 =	vadd.f32 v5, v4  }
0x326: {  	v6 =	vld [tilespmem:s13+$0xFFFFFFE0]  }
0x327: {  	v8 =	vmul.f32 v8, v8;
	v4 =	vld.idx.msk [tilespmem:v15+s8+$0x0], $0xffff;
	v63 =	vsub.f32 v7, v9;
	v10 =	vadd.f32 v62, v5  }
0x328: {  	v7 =	vld [tilespmem:s13+$0xFFFFFFF0]  }
0x329: {  	v11 =	vsub.f32 v11, v61;
	v5 =	vld.idx.msk [tilespmem:v13+s8+$0x0], $0xffff;
	v9 =	vadd.f32 v8, v10;
	v10 =	vmul.f32 v63, v63  }
0x32a: {  	s14 =	simm.s32 $0x0;
	s15 =	simm.s32 $0x270;
	v8 =	vld [tilespmem:s13+$0x0]  }
.LBB2_32:
0x32b: {  	v12 =	vld [tilespmem:s15+$0xFFFFFF90];
	s14 =	sadd.s32 $0x8, s14;
	v9 =	vadd.f32 v10, v9;
	v10 =	vmul.f32 v11, v11;
	v3 =	vsub.f32 v6, v3  }
0x32c: {  	v13 =	vld [tilespmem:s15+$0x0];
	p0 =	slt.u32 s14, $0xF8  }
0x32d: {  	v6 =	vld [tilespmem:s15+$0xFFFFFFA0];
	v9 =	vadd.f32 v10, v9;
	v3 =	vmul.f32 v3, v3;
	v4 =	vsub.f32 v7, v4  }
0x32e: {  	v7 =	vld [tilespmem:s15+$0xFFFFFFF0]  }
0x32f: {  	v10 =	vld [tilespmem:s15+$0xFFFFFFB0];
	v3 =	vadd.f32 v3, v9;
	v4 =	vmul.f32 v4, v4;
	v5 =	vsub.f32 v8, v5  }
0x330: {  	v8 =	vld [tilespmem:s15+$0xFFFFFFE0]  }
0x331: {  	v9 =	vld [tilespmem:s15+$0xFFFFFFC0];
	v3 =	vadd.f32 v4, v3;
	v4 =	vmul.f32 v5, v5  }
0x332: {  	v5 =	vld [tilespmem:s15+$0xFFFFFFD0]  }
0x333: {  	s13 =	sadd.s32 $0x80, s13;
	v11 =	vld.idx.msk [tilespmem:v12+s8+$0x0], $0xffff;
	v3 =	vadd.f32 v4, v3  }
0x334: {  	v4 =	vld [tilespmem:s13+$0xFFFFFF90]  }
0x335: {  	v6 =	vld.idx.msk [tilespmem:v6+s8+$0x0], $0xffff  }
0x336: {  	v12 =	vld [tilespmem:s13+$0xFFFFFFA0]  }
0x337: {  	v10 =	vld.idx.msk [tilespmem:v10+s8+$0x0], $0xffff  }
0x338: {  	v14 =	vld [tilespmem:s13+$0xFFFFFFB0]  }
0x339: {  	v4 =	vsub.f32 v4, v11;
	v9 =	vld.idx.msk [tilespmem:v9+s8+$0x0], $0xffff  }
0x33a: {  	v11 =	vld [tilespmem:s13+$0xFFFFFFC0]  }
0x33b: {  	v4 =	vmul.f32 v4, v4;
	v6 =	vsub.f32 v12, v6;
	v5 =	vld.idx.msk [tilespmem:v5+s8+$0x0], $0xffff  }
0x33c: {  	v12 =	vld [tilespmem:s13+$0xFFFFFFD0]  }
0x33d: {  	v4 =	vadd.f32 v4, v3;
	v15 =	vmul.f32 v6, v6;
	v10 =	vsub.f32 v14, v10;
	v3 =	vld.idx.msk [tilespmem:v8+s8+$0x0], $0xffff  }
.Ltmp15:
0x33e: {  	v6 =	vld [tilespmem:s13+$0xFFFFFFE0];
	(pc) =	sbr.rel @p0 .LBB2_32-.Ltmp15, $4  }
0x33f: {  	v8 =	vadd.f32 v15, v4;
	v10 =	vmul.f32 v10, v10;
	v11 =	vsub.f32 v11, v9;
	v4 =	vld.idx.msk [tilespmem:v7+s8+$0x0], $0xffff  }
0x340: {  	v7 =	vld [tilespmem:s13+$0xFFFFFFF0]  }
0x341: {  	v9 =	vadd.f32 v10, v8;
	v10 =	vmul.f32 v11, v11;
	v11 =	vsub.f32 v12, v5;
	v5 =	vld.idx.msk [tilespmem:v13+s8+$0x0], $0xffff  }
0x342: {  	s15 =	sadd.s32 $0x100, s15;
	v8 =	vld [tilespmem:s13+$0x0]  }
0x343: {  	v9 =	vadd.f32 v10, v9;
	v61 =	vmul.f32 v11, v11;
	v3 =	vsub.f32 v6, v3;
	_ =	sdelay $0x1  }
0x344: {  	v62 =	vadd.f32 v61, v9;
	v3 =	vmul.f32 v3, v3;
	v4 =	vsub.f32 v7, v4;
	_ =	sdelay $0x1  }
0x345: {  	v3 =	vadd.f32 v3, v62;
	v4 =	vmul.f32 v4, v4;
	v5 =	vsub.f32 v8, v5;
	_ =	sdelay $0x1  }
0x346: {  	v3 =	vadd.f32 v4, v3;
	v63 =	vmul.f32 v5, v5;
	_ =	sdelay $0x1  }
0x347: {  	v3 =	vadd.f32 v63, v3;
	_ =	sdelay $0x1  }
0x348: {  	s13 =	rddreg [dreg:$0x13];
	s14 =	simm.s32 $0x1EB80;
	s15 =	simm.s32 $0x4;
	[tilespmem:$0x1EB80] =	vst v3  }
0x349: {  	[hbm4b:s13+s5] =	stream.linear.scatter [tilespmem:s14], [sflag:$0x4], $0x80, $0x38;
	[tilespmem:$0x1EC00] =	vst v63  }
0x34a: {  	_ =	swait.ge [sflag:s15], $0x80  }
0x34b: {  	s12 =	sadd.s32 $0x1, s12;
	s16 =	rddreg [dreg:$0x16]  }
0x34c: {  	p0 =	sne.s32 s12, s16  }
.Ltmp16:
0x34d: {  	_ = 	snop;
	(pc) =	sbr.rel @p0 .LBB2_1-.Ltmp16, $3  }
0x34e: {  	_ =	sdelay $0x1  }
0x34f: {  	[sflag:s15] =	ssyncset.done $0x0  }
0x350: {  	[sflag:s15] =	ssyncadd.s32 $0xFFFFFF80  }
0x351: {  	_ =	sfence.sel $0x180000  }
0x352: {  	[bflag:$0x0] =	sbarrier.arrive $0xFFFF  }
0x353: {  	_ =	strace $0x90000047  }
0x354: {  	s0 =	stileid.u32;
	[bflag:$0x2] =	sbarrier.arrive $0xFFFF  }
0x355: {  	p0 =	sne.s32 s0, $0x0;
	s0 =	rddreg [dreg:$0x4]  }
0x356: {  	s0 =	sadd.s32 @!p0 $0x100000, s0  }
0x357: {  	[sflag:s0] =	ssyncadd.tile.s32 @!p0 $0x1;
	_ =	shalt  }
.Lfunc_end2:
_tile_overlayer_lowered:
.L_overlay_start_2:
0x358: {  	(tag) =	ssettag $0x2  }
0x359: {  	s0 =	rddreg [dreg:$0x0];
	s2 =	stileid.u32  }
0x35a: {  	s1 =	rddreg [dreg:$0x1];
	p0 =	sne.s32 s2, $0x0  }
0x35b: {  	s3 =	rddreg [dreg:$0x2];
	[bflag:$0x3] =	sbarrier.arrive $0xFFFF;
	s2 =	simm.s32 @!p0 $0x1C04  }
0x35c: {  	[timem:s3], [sflag:s2] =	dma.local @!p0 [hbm:s0], s1  }
0x35d: {  	s0 =	simm.s32 @!p0 $0x4  }
0x35e: {  	_ =	swait.ge @!p0 [sflag:s0], s1  }
0x35f: {  	s1 =	ssub.s32 @!p0 $0x0, s1;
	[sflag:s0] =	ssyncset.done @!p0 $0x0  }
0x360: {  	[sflag:s0] =	ssyncadd.s32 @!p0 s1  }
0x361: {  	[bflag:$0x3] =	sbarrier.arrive $0xFFFF  }
0x362: {  	_ =	shalt  }

</sc_bundles>
